<compile_context>
chip_gen: v7x
topology: tpu7x:2x2x1
jax: 0.10.2.dev20260603
libtpu: 0.0.44.dev20260713+nightly
codegen_flags: <defaults>
</compile_context>

<pallas_src>
import jax
import jax.numpy as jnp
from jax import lax
from jax.experimental import pallas as pl
from jax.experimental.pallas import tpu as pltpu
from jax.experimental.pallas import tpu_sc as plsc

VOCAB = 1000000
MAXLEN = 200
EMBED_DIM = 32
BATCH = 4096
SEQ = 200

NC = 2
NS = 16
NW = NC * NS

BB = BATCH // NW
NBUF = 8
LOOK = 4


def _sc_kernel(xT_hbm, tok_hbm, pos_hbm, out_hbm, idx_v, g_v, pos_v, *sems):
    sem_g = sems[:NBUF]
    sem_s = sems[NBUF:]
    wid = lax.axis_index("s") * NC + lax.axis_index("c")
    b0 = wid * BB

    pltpu.sync_copy(pos_hbm, pos_v)
    pltpu.sync_copy(xT_hbm.at[:, pl.ds(b0, BB)], idx_v)

    def fire_gather(s, b):
        pltpu.async_copy(tok_hbm.at[idx_v.at[s]], g_v.at[b], sem_g[b])

    def drain_gather(s, b):
        pltpu.make_async_copy(tok_hbm.at[idx_v.at[s]], g_v.at[b],
                              sem_g[b]).wait()

    def compute(s, b):
        pv = [pos_v[s, pl.ds(k * 16, 16)] for k in range(2)]

        def r_body(rr, acc):
            for u in range(8):
                r = rr * 8 + u
                for k in range(2):
                    plsc.addupdate(g_v.at[b, r, pl.ds(k * 16, 16)], pv[k])
            return acc
        lax.fori_loop(0, BB // 8, r_body, 0)

    def fire_out(s, b):
        pltpu.async_copy(g_v.at[b], out_hbm.at[s, wid], sem_s[b])

    def drain_out(s, b):
        pltpu.make_async_copy(g_v.at[b], out_hbm.at[s, wid], sem_s[b]).wait()

    for s in range(LOOK):
        fire_gather(s, s)

    def main_body(it, carry):
        for j in range(NBUF):
            s = it * NBUF + j
            bn = (j + LOOK) % NBUF

            @pl.when(s >= NBUF - LOOK)
            def _():
                drain_out(s - (NBUF - LOOK), bn)

            @pl.when(s < SEQ - LOOK)
            def _():
                fire_gather(s + LOOK, bn)

            drain_gather(s, j)
            compute(s, j)
            fire_out(s, j)
        return carry
    lax.fori_loop(0, SEQ // NBUF, main_body, 0)

    for s in range(SEQ - (NBUF - LOOK), SEQ):
        drain_out(s, s % NBUF)


def kernel(x, token_table, pos_table):
    xT = jnp.swapaxes(x, 0, 1).astype(jnp.int32)
    mesh = plsc.VectorSubcoreMesh(core_axis_name="c", subcore_axis_name="s",
                                  num_cores=NC, num_subcores=NS)
    out4 = pl.kernel(
        _sc_kernel,
        out_type=jax.ShapeDtypeStruct((SEQ, NW, BB, EMBED_DIM), jnp.float32),
        mesh=mesh,
        compiler_params=pltpu.CompilerParams(use_tc_tiling_on_sc=False),
        scratch_types=[
            pltpu.VMEM((SEQ, BB), jnp.int32),
            pltpu.VMEM((NBUF, BB, EMBED_DIM), jnp.float32),
            pltpu.VMEM((MAXLEN, EMBED_DIM), jnp.float32),
        ] + [pltpu.SemaphoreType.DMA] * (2 * NBUF),
    )(xT, token_table, pos_table)
    return out4.reshape(SEQ, BATCH, EMBED_DIM).transpose(1, 0, 2)

# --- scband reference (transcript-rebuilt; emitter-appended) ---
"""Pipeline reference for scband-token-and-position-embedding-36936718745631 (READ-ONLY COPY).

The authoritative reference and input builder live on the scoring server;
editing this copy changes nothing except your own understanding.
"""

import jax, jax.numpy as jnp
import numpy as np

VOCAB = 1000000
MAXLEN = 200
EMBED_DIM = 32
BATCH = 4096
SEQ = 200

def setup_inputs(seed: int = 0) -> dict:
    key = jax.random.key(seed)
    k1, k2, k3 = jax.random.split(key, 3)
    x = jax.random.randint(k1, (BATCH, SEQ), 0, VOCAB, dtype=jnp.int64 if jax.config.jax_enable_x64 else jnp.int32)
    token_table = jax.random.normal(k2, (VOCAB, EMBED_DIM), dtype=jnp.float32) * 0.05
    pos_table = jax.random.normal(k3, (MAXLEN, EMBED_DIM), dtype=jnp.float32) * 0.05
    return {"x": x, "token_table": token_table, "pos_table": pos_table}

def reference(x, token_table, pos_table):
    seq_len = x.shape[-1]
    positions = jnp.arange(0, seq_len)
    pos_emb = jnp.take(pos_table, positions, axis=0)  # [seq, d]
    tok_emb = jnp.take(token_table, x, axis=0)        # [B, seq, d]
    return tok_emb + pos_emb[None, :, :]

if __name__ == "__main__":
    import jax
    _d = setup_inputs()
    print(jax.jit(kernel)(*tuple(_d.values())))

</pallas_src>

<mosaic_0001>
#map = affine_map<(d0, d1) -> (0, 0)>
#map1 = affine_map<(d0, d1) -> (0, 0, 0, 0)>
module attributes {stable_mosaic.version = 14 : i64} {
  func.func @_sc_kernel(%arg0: i32, %arg1: i32, %arg2: memref<200x4096xi32, #tpu.memory_space<hbm>>, %arg3: memref<1000000x32xf32, #tpu.memory_space<hbm>>, %arg4: memref<200x32xf32, #tpu.memory_space<hbm>>, %arg5: memref<200x32x128x32xf32, #tpu.memory_space<hbm>>, %arg6: memref<200x128xi32, #tpu.memory_space<vmem>>, %arg7: memref<8x128x32xf32, #tpu.memory_space<vmem>>, %arg8: memref<200x32xf32, #tpu.memory_space<vmem>>, %arg9: memref<!tpu.dma_semaphore, #tpu.memory_space<semaphore_mem>>, %arg10: memref<!tpu.dma_semaphore, #tpu.memory_space<semaphore_mem>>, %arg11: memref<!tpu.dma_semaphore, #tpu.memory_space<semaphore_mem>>, %arg12: memref<!tpu.dma_semaphore, #tpu.memory_space<semaphore_mem>>, %arg13: memref<!tpu.dma_semaphore, #tpu.memory_space<semaphore_mem>>, %arg14: memref<!tpu.dma_semaphore, #tpu.memory_space<semaphore_mem>>, %arg15: memref<!tpu.dma_semaphore, #tpu.memory_space<semaphore_mem>>, %arg16: memref<!tpu.dma_semaphore, #tpu.memory_space<semaphore_mem>>, %arg17: memref<!tpu.dma_semaphore, #tpu.memory_space<semaphore_mem>>, %arg18: memref<!tpu.dma_semaphore, #tpu.memory_space<semaphore_mem>>, %arg19: memref<!tpu.dma_semaphore, #tpu.memory_space<semaphore_mem>>, %arg20: memref<!tpu.dma_semaphore, #tpu.memory_space<semaphore_mem>>, %arg21: memref<!tpu.dma_semaphore, #tpu.memory_space<semaphore_mem>>, %arg22: memref<!tpu.dma_semaphore, #tpu.memory_space<semaphore_mem>>, %arg23: memref<!tpu.dma_semaphore, #tpu.memory_space<semaphore_mem>>, %arg24: memref<!tpu.dma_semaphore, #tpu.memory_space<semaphore_mem>>) attributes {dimension_semantics = [#tpu.dimension_semantics<core_parallel>, #tpu.dimension_semantics<subcore_parallel>], iteration_bounds = array<i64: 2, 16>, scalar_prefetch = 0 : i64, scratch_operands = 19 : i64, tpu.core_type = #tpu.core_type<sc_vector_subcore>, window_params = [{transform_indices = #map}, {transform_indices = #map}, {transform_indices = #map}, {transform_indices = #map1}]} {
    %mul3A = arith.constant 2 : i32
    %mul3A_0 = arith.muli %arg1, %mul3A : i32
    %add3A = arith.addi %mul3A_0, %arg0 : i32
    %mul3A_1 = arith.constant 128 : i32
    %mul3A_2 = arith.muli %add3A, %mul3A_1 : i32
    "tpu.region"() ({
      %run_scoped3A = tpu.sem_alloc : memref<!tpu.dma_semaphore, #tpu.memory_space<semaphore_mem>>
      tpu.enqueue_dma source(%arg4 : memref<200x32xf32, #tpu.memory_space<hbm>>) target(%arg8 : memref<200x32xf32, #tpu.memory_space<vmem>>) target_semaphore(%run_scoped3A : memref<!tpu.dma_semaphore, #tpu.memory_space<semaphore_mem>>)
      tpu.wait_dma2 semaphore(%run_scoped3A : memref<!tpu.dma_semaphore, #tpu.memory_space<semaphore_mem>>) src(%arg4 : memref<200x32xf32, #tpu.memory_space<hbm>>) dst(%arg8 : memref<200x32xf32, #tpu.memory_space<vmem>>)
      tpu.yield
    }) : () -> ()
    "tpu.region"() ({
      %run_scoped3A = tpu.sem_alloc : memref<!tpu.dma_semaphore, #tpu.memory_space<semaphore_mem>>
      %dma_start3A_126 = arith.constant 0 : i32
      %dma_start3A_127 = tpu.memref_slice %arg2[%dma_start3A_126, %mul3A_2] : memref<200x4096xi32, #tpu.memory_space<hbm>> -> memref<200x128xi32, #tpu.memory_space<hbm>>
      %dma_start3A_128 = arith.constant 0 : i32
      %dma_start3A_129 = tpu.memref_slice %arg2[%dma_start3A_128, %mul3A_2] : memref<200x4096xi32, #tpu.memory_space<hbm>> -> memref<200x128xi32, #tpu.memory_space<hbm>>
      tpu.enqueue_dma source(%dma_start3A_129 : memref<200x128xi32, #tpu.memory_space<hbm>>) target(%arg6 : memref<200x128xi32, #tpu.memory_space<vmem>>) target_semaphore(%run_scoped3A : memref<!tpu.dma_semaphore, #tpu.memory_space<semaphore_mem>>)
      %dma_wait3A_130 = arith.constant 0 : i32
      %dma_wait3A_131 = tpu.memref_slice %arg2[%dma_wait3A_130, %mul3A_2] : memref<200x4096xi32, #tpu.memory_space<hbm>> -> memref<200x128xi32, #tpu.memory_space<hbm>>
      %dma_wait3A_132 = arith.constant 0 : i32
      %dma_wait3A_133 = tpu.memref_slice %arg2[%dma_wait3A_132, %mul3A_2] : memref<200x4096xi32, #tpu.memory_space<hbm>> -> memref<200x128xi32, #tpu.memory_space<hbm>>
      tpu.wait_dma2 semaphore(%run_scoped3A : memref<!tpu.dma_semaphore, #tpu.memory_space<semaphore_mem>>) src(%dma_wait3A_133 : memref<200x128xi32, #tpu.memory_space<hbm>>) dst(%arg6 : memref<200x128xi32, #tpu.memory_space<vmem>>)
      tpu.yield
    }) : () -> ()
    %dma_start3A = arith.constant 0 : i32
    %dma_start3A_3 = arith.constant 0 : i32
    %dma_start3A_4 = arith.constant 0 : i32
    %dma_start3A_5 = arith.constant 0 : i32
    %dma_start3A_6 = tpu.memref_slice %arg7[%dma_start3A_3, %dma_start3A_4, %dma_start3A_5] : memref<8x128x32xf32, #tpu.memory_space<vmem>> -> memref<1x128x32xf32, #tpu.memory_space<vmem>>
    %dma_start3A_7 = tpu.memref_squeeze %dma_start3A_6 : memref<1x128x32xf32, #tpu.memory_space<vmem>> -> memref<128x32xf32, #tpu.memory_space<vmem>>
    %dma_start3A_8 = arith.constant 0 : i32
    %dma_start3A_9 = tpu.memref_slice %arg6[%dma_start3A, %dma_start3A_8] : memref<200x128xi32, #tpu.memory_space<vmem>> -> memref<1x128xi32, #tpu.memory_space<vmem>>
    %dma_start3A_10 = tpu.memref_squeeze %dma_start3A_9 : memref<1x128xi32, #tpu.memory_space<vmem>> -> memref<128xi32, #tpu.memory_space<vmem>>
    %dma_start3A_11 = arith.constant 0 : i32
    %dma_start3A_12 = arith.constant 0 : i32
    %dma_start3A_13 = tpu.memref_slice %arg3[%dma_start3A_11, %dma_start3A_12] : memref<1000000x32xf32, #tpu.memory_space<hbm>> -> memref<1000000x32xf32, #tpu.memory_space<hbm>>
    tpu.enqueue_indirect_dma source(%dma_start3A_13 : memref<1000000x32xf32, #tpu.memory_space<hbm>>) target(%dma_start3A_7 : memref<128x32xf32, #tpu.memory_space<vmem>>) offsets(%dma_start3A_10 : memref<128xi32, #tpu.memory_space<vmem>>) semaphore(%arg9 : memref<!tpu.dma_semaphore, #tpu.memory_space<semaphore_mem>>)
    %dma_start3A_14 = arith.constant 1 : i32
    %dma_start3A_15 = arith.constant 1 : i32
    %dma_start3A_16 = arith.constant 0 : i32
    %dma_start3A_17 = arith.constant 0 : i32
    %dma_start3A_18 = tpu.memref_slice %arg7[%dma_start3A_15, %dma_start3A_16, %dma_start3A_17] : memref<8x128x32xf32, #tpu.memory_space<vmem>> -> memref<1x128x32xf32, #tpu.memory_space<vmem>>
    %dma_start3A_19 = tpu.memref_squeeze %dma_start3A_18 : memref<1x128x32xf32, #tpu.memory_space<vmem>> -> memref<128x32xf32, #tpu.memory_space<vmem>>
    %dma_start3A_20 = arith.constant 0 : i32
    %dma_start3A_21 = tpu.memref_slice %arg6[%dma_start3A_14, %dma_start3A_20] : memref<200x128xi32, #tpu.memory_space<vmem>> -> memref<1x128xi32, #tpu.memory_space<vmem>>
    %dma_start3A_22 = tpu.memref_squeeze %dma_start3A_21 : memref<1x128xi32, #tpu.memory_space<vmem>> -> memref<128xi32, #tpu.memory_space<vmem>>
    %dma_start3A_23 = arith.constant 0 : i32
    %dma_start3A_24 = arith.constant 0 : i32
    %dma_start3A_25 = tpu.memref_slice %arg3[%dma_start3A_23, %dma_start3A_24] : memref<1000000x32xf32, #tpu.memory_space<hbm>> -> memref<1000000x32xf32, #tpu.memory_space<hbm>>
    tpu.enqueue_indirect_dma source(%dma_start3A_25 : memref<1000000x32xf32, #tpu.memory_space<hbm>>) target(%dma_start3A_19 : memref<128x32xf32, #tpu.memory_space<vmem>>) offsets(%dma_start3A_22 : memref<128xi32, #tpu.memory_space<vmem>>) semaphore(%arg10 : memref<!tpu.dma_semaphore, #tpu.memory_space<semaphore_mem>>)
    %dma_start3A_26 = arith.constant 2 : i32
    %dma_start3A_27 = arith.constant 2 : i32
    %dma_start3A_28 = arith.constant 0 : i32
    %dma_start3A_29 = arith.constant 0 : i32
    %dma_start3A_30 = tpu.memref_slice %arg7[%dma_start3A_27, %dma_start3A_28, %dma_start3A_29] : memref<8x128x32xf32, #tpu.memory_space<vmem>> -> memref<1x128x32xf32, #tpu.memory_space<vmem>>
    %dma_start3A_31 = tpu.memref_squeeze %dma_start3A_30 : memref<1x128x32xf32, #tpu.memory_space<vmem>> -> memref<128x32xf32, #tpu.memory_space<vmem>>
    %dma_start3A_32 = arith.constant 0 : i32
    %dma_start3A_33 = tpu.memref_slice %arg6[%dma_start3A_26, %dma_start3A_32] : memref<200x128xi32, #tpu.memory_space<vmem>> -> memref<1x128xi32, #tpu.memory_space<vmem>>
    %dma_start3A_34 = tpu.memref_squeeze %dma_start3A_33 : memref<1x128xi32, #tpu.memory_space<vmem>> -> memref<128xi32, #tpu.memory_space<vmem>>
    %dma_start3A_35 = arith.constant 0 : i32
    %dma_start3A_36 = arith.constant 0 : i32
    %dma_start3A_37 = tpu.memref_slice %arg3[%dma_start3A_35, %dma_start3A_36] : memref<1000000x32xf32, #tpu.memory_space<hbm>> -> memref<1000000x32xf32, #tpu.memory_space<hbm>>
    tpu.enqueue_indirect_dma source(%dma_start3A_37 : memref<1000000x32xf32, #tpu.memory_space<hbm>>) target(%dma_start3A_31 : memref<128x32xf32, #tpu.memory_space<vmem>>) offsets(%dma_start3A_34 : memref<128xi32, #tpu.memory_space<vmem>>) semaphore(%arg11 : memref<!tpu.dma_semaphore, #tpu.memory_space<semaphore_mem>>)
    %dma_start3A_38 = arith.constant 3 : i32
    %dma_start3A_39 = arith.constant 3 : i32
    %dma_start3A_40 = arith.constant 0 : i32
    %dma_start3A_41 = arith.constant 0 : i32
    %dma_start3A_42 = tpu.memref_slice %arg7[%dma_start3A_39, %dma_start3A_40, %dma_start3A_41] : memref<8x128x32xf32, #tpu.memory_space<vmem>> -> memref<1x128x32xf32, #tpu.memory_space<vmem>>
    %dma_start3A_43 = tpu.memref_squeeze %dma_start3A_42 : memref<1x128x32xf32, #tpu.memory_space<vmem>> -> memref<128x32xf32, #tpu.memory_space<vmem>>
    %dma_start3A_44 = arith.constant 0 : i32
    %dma_start3A_45 = tpu.memref_slice %arg6[%dma_start3A_38, %dma_start3A_44] : memref<200x128xi32, #tpu.memory_space<vmem>> -> memref<1x128xi32, #tpu.memory_space<vmem>>
    %dma_start3A_46 = tpu.memref_squeeze %dma_start3A_45 : memref<1x128xi32, #tpu.memory_space<vmem>> -> memref<128xi32, #tpu.memory_space<vmem>>
    %dma_start3A_47 = arith.constant 0 : i32
    %dma_start3A_48 = arith.constant 0 : i32
    %dma_start3A_49 = tpu.memref_slice %arg3[%dma_start3A_47, %dma_start3A_48] : memref<1000000x32xf32, #tpu.memory_space<hbm>> -> memref<1000000x32xf32, #tpu.memory_space<hbm>>
    tpu.enqueue_indirect_dma source(%dma_start3A_49 : memref<1000000x32xf32, #tpu.memory_space<hbm>>) target(%dma_start3A_43 : memref<128x32xf32, #tpu.memory_space<vmem>>) offsets(%dma_start3A_46 : memref<128xi32, #tpu.memory_space<vmem>>) semaphore(%arg12 : memref<!tpu.dma_semaphore, #tpu.memory_space<semaphore_mem>>)
    %scan3A = arith.constant 0 : i32
    %scan3A_50 = arith.constant 0 : i32
    %scan3A_51 = arith.constant 25 : i32
    %scan3A_52 = arith.addi %scan3A_50, %scan3A_51 : i32
    %scan3A_53 = arith.constant 1 : i32
    scf.for %scan3A_126 = %scan3A_50 to %scan3A_52 step %scan3A_53  : i32 {
      %mul3A_127 = arith.constant 8 : i32
      %mul3A_128 = arith.muli %scan3A_126, %mul3A_127 : i32
      %add3A_129 = arith.constant 0 : i32
      %add3A_130 = arith.addi %mul3A_128, %add3A_129 : i32
      %ge3A = arith.constant 4 : i32
      %ge3A_131 = arith.cmpi sge, %add3A_130, %ge3A : i32
      %convert_element_type3A = arith.extui %ge3A_131 : i1 to i32
      %cond3A = arith.constant 0 : i32
      %cond3A_132 = arith.cmpi ne, %convert_element_type3A, %cond3A : i32
      scf.if %cond3A_132 {
        %sub3A = arith.constant 4 : i32
        %sub3A_570 = arith.subi %add3A_130, %sub3A : i32
        %dma_wait3A_571 = arith.constant 4 : i32
        %dma_wait3A_572 = arith.constant 0 : i32
        %dma_wait3A_573 = arith.constant 0 : i32
        %dma_wait3A_574 = tpu.memref_slice %arg7[%dma_wait3A_571, %dma_wait3A_572, %dma_wait3A_573] : memref<8x128x32xf32, #tpu.memory_space<vmem>> -> memref<1x128x32xf32, #tpu.memory_space<vmem>>
        %dma_wait3A_575 = tpu.memref_squeeze %dma_wait3A_574 : memref<1x128x32xf32, #tpu.memory_space<vmem>> -> memref<128x32xf32, #tpu.memory_space<vmem>>
        %dma_wait3A_576 = arith.constant 0 : i32
        %dma_wait3A_577 = arith.constant 0 : i32
        %dma_wait3A_578 = tpu.memref_slice %arg5[%sub3A_570, %add3A, %dma_wait3A_576, %dma_wait3A_577] : memref<200x32x128x32xf32, #tpu.memory_space<hbm>> -> memref<1x1x128x32xf32, #tpu.memory_space<hbm>>
        %dma_wait3A_579 = tpu.memref_squeeze %dma_wait3A_578 : memref<1x1x128x32xf32, #tpu.memory_space<hbm>> -> memref<128x32xf32, #tpu.memory_space<hbm>>
        %dma_wait3A_580 = arith.constant 0 : i32
        %dma_wait3A_581 = arith.constant 0 : i32
        %dma_wait3A_582 = tpu.memref_slice %arg5[%sub3A_570, %add3A, %dma_wait3A_580, %dma_wait3A_581] : memref<200x32x128x32xf32, #tpu.memory_space<hbm>> -> memref<1x1x128x32xf32, #tpu.memory_space<hbm>>
        %dma_wait3A_583 = tpu.memref_squeeze %dma_wait3A_582 : memref<1x1x128x32xf32, #tpu.memory_space<hbm>> -> memref<128x32xf32, #tpu.memory_space<hbm>>
        %dma_wait3A_584 = arith.constant 0 : i32
        %dma_wait3A_585 = arith.constant 0 : i32
        %dma_wait3A_586 = tpu.memref_slice %arg7[%dma_wait3A_571, %dma_wait3A_584, %dma_wait3A_585] : memref<8x128x32xf32, #tpu.memory_space<vmem>> -> memref<1x128x32xf32, #tpu.memory_space<vmem>>
        %dma_wait3A_587 = tpu.memref_squeeze %dma_wait3A_586 : memref<1x128x32xf32, #tpu.memory_space<vmem>> -> memref<128x32xf32, #tpu.memory_space<vmem>>
        tpu.wait_dma2 semaphore(%arg21 : memref<!tpu.dma_semaphore, #tpu.memory_space<semaphore_mem>>) src(%dma_wait3A_587 : memref<128x32xf32, #tpu.memory_space<vmem>>) dst(%dma_wait3A_583 : memref<128x32xf32, #tpu.memory_space<hbm>>)
      } else {
      }
      %lt3A = arith.constant 196 : i32
      %lt3A_133 = arith.cmpi slt, %add3A_130, %lt3A : i32
      %convert_element_type3A_134 = arith.extui %lt3A_133 : i1 to i32
      %cond3A_135 = arith.constant 0 : i32
      %cond3A_136 = arith.cmpi ne, %convert_element_type3A_134, %cond3A_135 : i32
      scf.if %cond3A_136 {
        %add3A_570 = arith.constant 4 : i32
        %add3A_571 = arith.addi %add3A_130, %add3A_570 : i32
        %dma_start3A_572 = arith.constant 4 : i32
        %dma_start3A_573 = arith.constant 0 : i32
        %dma_start3A_574 = arith.constant 0 : i32
        %dma_start3A_575 = tpu.memref_slice %arg7[%dma_start3A_572, %dma_start3A_573, %dma_start3A_574] : memref<8x128x32xf32, #tpu.memory_space<vmem>> -> memref<1x128x32xf32, #tpu.memory_space<vmem>>
        %dma_start3A_576 = tpu.memref_squeeze %dma_start3A_575 : memref<1x128x32xf32, #tpu.memory_space<vmem>> -> memref<128x32xf32, #tpu.memory_space<vmem>>
        %dma_start3A_577 = arith.constant 0 : i32
        %dma_start3A_578 = tpu.memref_slice %arg6[%add3A_571, %dma_start3A_577] : memref<200x128xi32, #tpu.memory_space<vmem>> -> memref<1x128xi32, #tpu.memory_space<vmem>>
        %dma_start3A_579 = tpu.memref_squeeze %dma_start3A_578 : memref<1x128xi32, #tpu.memory_space<vmem>> -> memref<128xi32, #tpu.memory_space<vmem>>
        %dma_start3A_580 = arith.constant 0 : i32
        %dma_start3A_581 = arith.constant 0 : i32
        %dma_start3A_582 = tpu.memref_slice %arg3[%dma_start3A_580, %dma_start3A_581] : memref<1000000x32xf32, #tpu.memory_space<hbm>> -> memref<1000000x32xf32, #tpu.memory_space<hbm>>
        tpu.enqueue_indirect_dma source(%dma_start3A_582 : memref<1000000x32xf32, #tpu.memory_space<hbm>>) target(%dma_start3A_576 : memref<128x32xf32, #tpu.memory_space<vmem>>) offsets(%dma_start3A_579 : memref<128xi32, #tpu.memory_space<vmem>>) semaphore(%arg13 : memref<!tpu.dma_semaphore, #tpu.memory_space<semaphore_mem>>)
      } else {
      }
      %dma_wait3A_137 = arith.constant 0 : i32
      %dma_wait3A_138 = arith.constant 0 : i32
      %dma_wait3A_139 = arith.constant 0 : i32
      %dma_wait3A_140 = tpu.memref_slice %arg7[%dma_wait3A_137, %dma_wait3A_138, %dma_wait3A_139] : memref<8x128x32xf32, #tpu.memory_space<vmem>> -> memref<1x128x32xf32, #tpu.memory_space<vmem>>
      %dma_wait3A_141 = tpu.memref_squeeze %dma_wait3A_140 : memref<1x128x32xf32, #tpu.memory_space<vmem>> -> memref<128x32xf32, #tpu.memory_space<vmem>>
      %dma_wait3A_142 = arith.constant 0 : i32
      %dma_wait3A_143 = tpu.memref_slice %arg6[%add3A_130, %dma_wait3A_142] : memref<200x128xi32, #tpu.memory_space<vmem>> -> memref<1x128xi32, #tpu.memory_space<vmem>>
      %dma_wait3A_144 = tpu.memref_squeeze %dma_wait3A_143 : memref<1x128xi32, #tpu.memory_space<vmem>> -> memref<128xi32, #tpu.memory_space<vmem>>
      %dma_wait3A_145 = arith.constant 0 : i32
      %dma_wait3A_146 = arith.constant 0 : i32
      %dma_wait3A_147 = tpu.memref_slice %arg3[%dma_wait3A_145, %dma_wait3A_146] : memref<1000000x32xf32, #tpu.memory_space<hbm>> -> memref<1000000x32xf32, #tpu.memory_space<hbm>>
      tpu.wait_indirect_dma semaphore(%arg9 : memref<!tpu.dma_semaphore, #tpu.memory_space<semaphore_mem>>) src(%dma_wait3A_147 : memref<1000000x32xf32, #tpu.memory_space<hbm>>) dst(%dma_wait3A_141 : memref<128x32xf32, #tpu.memory_space<vmem>>)
      %get3A = arith.index_cast %add3A_130 : i32 to index
      %get3A_148 = arith.constant 0 : index
      %get3A_149 = tpu.vector_load %arg8[%get3A, %get3A_148] {strides = array<i32>} : memref<200x32xf32, #tpu.memory_space<vmem>>, vector<1x16xf32>,
      %get3A_150 = vector.shape_cast %get3A_149 : vector<1x16xf32> to vector<16xf32>
      %get3A_151 = arith.index_cast %add3A_130 : i32 to index
      %get3A_152 = arith.constant 16 : index
      %get3A_153 = tpu.vector_load %arg8[%get3A_151, %get3A_152] {strides = array<i32>} : memref<200x32xf32, #tpu.memory_space<vmem>>, vector<1x16xf32>,
      %get3A_154 = vector.shape_cast %get3A_153 : vector<1x16xf32> to vector<16xf32>
      %scan3A_155 = arith.constant 0 : i32
      %scan3A_156 = arith.constant 0 : i32
      %scan3A_157 = arith.constant 16 : i32
      %scan3A_158 = arith.addi %scan3A_156, %scan3A_157 : i32
      %scan3A_159 = arith.constant 1 : i32
      scf.for %scan3A_570 = %scan3A_156 to %scan3A_158 step %scan3A_159  : i32 {
        %mul3A_571 = arith.constant 8 : i32
        %mul3A_572 = arith.muli %scan3A_570, %mul3A_571 : i32
        %add3A_573 = arith.constant 0 : i32
        %add3A_574 = arith.addi %mul3A_572, %add3A_573 : i32
        %swap3A = arith.constant 0 : i32
        %swap3A_575 = arith.index_cast %swap3A : i32 to index
        %swap3A_576 = arith.index_cast %add3A_574 : i32 to index
        %swap3A_577 = arith.constant 0 : index
        %swap3A_578 = tpu.vector_load %arg7[%swap3A_575, %swap3A_576, %swap3A_577] {strides = array<i32>} : memref<8x128x32xf32, #tpu.memory_space<vmem>>, vector<1x1x16xf32>,
        %swap3A_579 = vector.shape_cast %swap3A_578 : vector<1x1x16xf32> to vector<16xf32>
        %swap3A_580 = vector.shape_cast %get3A_150 : vector<16xf32> to vector<1x1x16xf32>
        tpu.vector_store %arg7[%swap3A_575, %swap3A_576, %swap3A_577], %swap3A_580 {add = true, strides = array<i32>} : memref<8x128x32xf32, #tpu.memory_space<vmem>>, vector<1x1x16xf32>,
        %swap3A_581 = arith.constant 0 : i32
        %swap3A_582 = arith.index_cast %swap3A_581 : i32 to index
        %swap3A_583 = arith.index_cast %add3A_574 : i32 to index
        %swap3A_584 = arith.constant 16 : index
        %swap3A_585 = tpu.vector_load %arg7[%swap3A_582, %swap3A_583, %swap3A_584] {strides = array<i32>} : memref<8x128x32xf32, #tpu.memory_space<vmem>>, vector<1x1x16xf32>,
        %swap3A_586 = vector.shape_cast %swap3A_585 : vector<1x1x16xf32> to vector<16xf32>
        %swap3A_587 = vector.shape_cast %get3A_154 : vector<16xf32> to vector<1x1x16xf32>
        tpu.vector_store %arg7[%swap3A_582, %swap3A_583, %swap3A_584], %swap3A_587 {add = true, strides = array<i32>} : memref<8x128x32xf32, #tpu.memory_space<vmem>>, vector<1x1x16xf32>,
        %mul3A_588 = arith.constant 8 : i32
        %mul3A_589 = arith.muli %scan3A_570, %mul3A_588 : i32
        %add3A_590 = arith.constant 1 : i32
        %add3A_591 = arith.addi %mul3A_589, %add3A_590 : i32
        %swap3A_592 = arith.constant 0 : i32
        %swap3A_593 = arith.index_cast %swap3A_592 : i32 to index
        %swap3A_594 = arith.index_cast %add3A_591 : i32 to index
        %swap3A_595 = arith.constant 0 : index
        %swap3A_596 = tpu.vector_load %arg7[%swap3A_593, %swap3A_594, %swap3A_595] {strides = array<i32>} : memref<8x128x32xf32, #tpu.memory_space<vmem>>, vector<1x1x16xf32>,
        %swap3A_597 = vector.shape_cast %swap3A_596 : vector<1x1x16xf32> to vector<16xf32>
        %swap3A_598 = vector.shape_cast %get3A_150 : vector<16xf32> to vector<1x1x16xf32>
        tpu.vector_store %arg7[%swap3A_593, %swap3A_594, %swap3A_595], %swap3A_598 {add = true, strides = array<i32>} : memref<8x128x32xf32, #tpu.memory_space<vmem>>, vector<1x1x16xf32>,
        %swap3A_599 = arith.constant 0 : i32
        %swap3A_600 = arith.index_cast %swap3A_599 : i32 to index
        %swap3A_601 = arith.index_cast %add3A_591 : i32 to index
        %swap3A_602 = arith.constant 16 : index
        %swap3A_603 = tpu.vector_load %arg7[%swap3A_600, %swap3A_601, %swap3A_602] {strides = array<i32>} : memref<8x128x32xf32, #tpu.memory_space<vmem>>, vector<1x1x16xf32>,
        %swap3A_604 = vector.shape_cast %swap3A_603 : vector<1x1x16xf32> to vector<16xf32>
        %swap3A_605 = vector.shape_cast %get3A_154 : vector<16xf32> to vector<1x1x16xf32>
        tpu.vector_store %arg7[%swap3A_600, %swap3A_601, %swap3A_602], %swap3A_605 {add = true, strides = array<i32>} : memref<8x128x32xf32, #tpu.memory_space<vmem>>, vector<1x1x16xf32>,
        %mul3A_606 = arith.constant 8 : i32
        %mul3A_607 = arith.muli %scan3A_570, %mul3A_606 : i32
        %add3A_608 = arith.constant 2 : i32
        %add3A_609 = arith.addi %mul3A_607, %add3A_608 : i32
        %swap3A_610 = arith.constant 0 : i32
        %swap3A_611 = arith.index_cast %swap3A_610 : i32 to index
        %swap3A_612 = arith.index_cast %add3A_609 : i32 to index
        %swap3A_613 = arith.constant 0 : index
        %swap3A_614 = tpu.vector_load %arg7[%swap3A_611, %swap3A_612, %swap3A_613] {strides = array<i32>} : memref<8x128x32xf32, #tpu.memory_space<vmem>>, vector<1x1x16xf32>,
        %swap3A_615 = vector.shape_cast %swap3A_614 : vector<1x1x16xf32> to vector<16xf32>
        %swap3A_616 = vector.shape_cast %get3A_150 : vector<16xf32> to vector<1x1x16xf32>
        tpu.vector_store %arg7[%swap3A_611, %swap3A_612, %swap3A_613], %swap3A_616 {add = true, strides = array<i32>} : memref<8x128x32xf32, #tpu.memory_space<vmem>>, vector<1x1x16xf32>,
        %swap3A_617 = arith.constant 0 : i32
        %swap3A_618 = arith.index_cast %swap3A_617 : i32 to index
        %swap3A_619 = arith.index_cast %add3A_609 : i32 to index
        %swap3A_620 = arith.constant 16 : index
        %swap3A_621 = tpu.vector_load %arg7[%swap3A_618, %swap3A_619, %swap3A_620] {strides = array<i32>} : memref<8x128x32xf32, #tpu.memory_space<vmem>>, vector<1x1x16xf32>,
        %swap3A_622 = vector.shape_cast %swap3A_621 : vector<1x1x16xf32> to vector<16xf32>
        %swap3A_623 = vector.shape_cast %get3A_154 : vector<16xf32> to vector<1x1x16xf32>
        tpu.vector_store %arg7[%swap3A_618, %swap3A_619, %swap3A_620], %swap3A_623 {add = true, strides = array<i32>} : memref<8x128x32xf32, #tpu.memory_space<vmem>>, vector<1x1x16xf32>,
        %mul3A_624 = arith.constant 8 : i32
        %mul3A_625 = arith.muli %scan3A_570, %mul3A_624 : i32
        %add3A_626 = arith.constant 3 : i32
        %add3A_627 = arith.addi %mul3A_625, %add3A_626 : i32
        %swap3A_628 = arith.constant 0 : i32
        %swap3A_629 = arith.index_cast %swap3A_628 : i32 to index
        %swap3A_630 = arith.index_cast %add3A_627 : i32 to index
        %swap3A_631 = arith.constant 0 : index
        %swap3A_632 = tpu.vector_load %arg7[%swap3A_629, %swap3A_630, %swap3A_631] {strides = array<i32>} : memref<8x128x32xf32, #tpu.memory_space<vmem>>, vector<1x1x16xf32>,
        %swap3A_633 = vector.shape_cast %swap3A_632 : vector<1x1x16xf32> to vector<16xf32>
        %swap3A_634 = vector.shape_cast %get3A_150 : vector<16xf32> to vector<1x1x16xf32>
        tpu.vector_store %arg7[%swap3A_629, %swap3A_630, %swap3A_631], %swap3A_634 {add = true, strides = array<i32>} : memref<8x128x32xf32, #tpu.memory_space<vmem>>, vector<1x1x16xf32>,
        %swap3A_635 = arith.constant 0 : i32
        %swap3A_636 = arith.index_cast %swap3A_635 : i32 to index
        %swap3A_637 = arith.index_cast %add3A_627 : i32 to index
        %swap3A_638 = arith.constant 16 : index
        %swap3A_639 = tpu.vector_load %arg7[%swap3A_636, %swap3A_637, %swap3A_638] {strides = array<i32>} : memref<8x128x32xf32, #tpu.memory_space<vmem>>, vector<1x1x16xf32>,
        %swap3A_640 = vector.shape_cast %swap3A_639 : vector<1x1x16xf32> to vector<16xf32>
        %swap3A_641 = vector.shape_cast %get3A_154 : vector<16xf32> to vector<1x1x16xf32>
        tpu.vector_store %arg7[%swap3A_636, %swap3A_637, %swap3A_638], %swap3A_641 {add = true, strides = array<i32>} : memref<8x128x32xf32, #tpu.memory_space<vmem>>, vector<1x1x16xf32>,
        %mul3A_642 = arith.constant 8 : i32
        %mul3A_643 = arith.muli %scan3A_570, %mul3A_642 : i32
        %add3A_644 = arith.constant 4 : i32
        %add3A_645 = arith.addi %mul3A_643, %add3A_644 : i32
        %swap3A_646 = arith.constant 0 : i32
        %swap3A_647 = arith.index_cast %swap3A_646 : i32 to index
        %swap3A_648 = arith.index_cast %add3A_645 : i32 to index
        %swap3A_649 = arith.constant 0 : index
        %swap3A_650 = tpu.vector_load %arg7[%swap3A_647, %swap3A_648, %swap3A_649] {strides = array<i32>} : memref<8x128x32xf32, #tpu.memory_space<vmem>>, vector<1x1x16xf32>,
        %swap3A_651 = vector.shape_cast %swap3A_650 : vector<1x1x16xf32> to vector<16xf32>
        %swap3A_652 = vector.shape_cast %get3A_150 : vector<16xf32> to vector<1x1x16xf32>
        tpu.vector_store %arg7[%swap3A_647, %swap3A_648, %swap3A_649], %swap3A_652 {add = true, strides = array<i32>} : memref<8x128x32xf32, #tpu.memory_space<vmem>>, vector<1x1x16xf32>,
        %swap3A_653 = arith.constant 0 : i32
        %swap3A_654 = arith.index_cast %swap3A_653 : i32 to index
        %swap3A_655 = arith.index_cast %add3A_645 : i32 to index
        %swap3A_656 = arith.constant 16 : index
        %swap3A_657 = tpu.vector_load %arg7[%swap3A_654, %swap3A_655, %swap3A_656] {strides = array<i32>} : memref<8x128x32xf32, #tpu.memory_space<vmem>>, vector<1x1x16xf32>,
        %swap3A_658 = vector.shape_cast %swap3A_657 : vector<1x1x16xf32> to vector<16xf32>
        %swap3A_659 = vector.shape_cast %get3A_154 : vector<16xf32> to vector<1x1x16xf32>
        tpu.vector_store %arg7[%swap3A_654, %swap3A_655, %swap3A_656], %swap3A_659 {add = true, strides = array<i32>} : memref<8x128x32xf32, #tpu.memory_space<vmem>>, vector<1x1x16xf32>,
        %mul3A_660 = arith.constant 8 : i32
        %mul3A_661 = arith.muli %scan3A_570, %mul3A_660 : i32
        %add3A_662 = arith.constant 5 : i32
        %add3A_663 = arith.addi %mul3A_661, %add3A_662 : i32
        %swap3A_664 = arith.constant 0 : i32
        %swap3A_665 = arith.index_cast %swap3A_664 : i32 to index
        %swap3A_666 = arith.index_cast %add3A_663 : i32 to index
        %swap3A_667 = arith.constant 0 : index
        %swap3A_668 = tpu.vector_load %arg7[%swap3A_665, %swap3A_666, %swap3A_667] {strides = array<i32>} : memref<8x128x32xf32, #tpu.memory_space<vmem>>, vector<1x1x16xf32>,
        %swap3A_669 = vector.shape_cast %swap3A_668 : vector<1x1x16xf32> to vector<16xf32>
        %swap3A_670 = vector.shape_cast %get3A_150 : vector<16xf32> to vector<1x1x16xf32>
        tpu.vector_store %arg7[%swap3A_665, %swap3A_666, %swap3A_667], %swap3A_670 {add = true, strides = array<i32>} : memref<8x128x32xf32, #tpu.memory_space<vmem>>, vector<1x1x16xf32>,
        %swap3A_671 = arith.constant 0 : i32
        %swap3A_672 = arith.index_cast %swap3A_671 : i32 to index
        %swap3A_673 = arith.index_cast %add3A_663 : i32 to index
        %swap3A_674 = arith.constant 16 : index
        %swap3A_675 = tpu.vector_load %arg7[%swap3A_672, %swap3A_673, %swap3A_674] {strides = array<i32>} : memref<8x128x32xf32, #tpu.memory_space<vmem>>, vector<1x1x16xf32>,
        %swap3A_676 = vector.shape_cast %swap3A_675 : vector<1x1x16xf32> to vector<16xf32>
        %swap3A_677 = vector.shape_cast %get3A_154 : vector<16xf32> to vector<1x1x16xf32>
        tpu.vector_store %arg7[%swap3A_672, %swap3A_673, %swap3A_674], %swap3A_677 {add = true, strides = array<i32>} : memref<8x128x32xf32, #tpu.memory_space<vmem>>, vector<1x1x16xf32>,
        %mul3A_678 = arith.constant 8 : i32
        %mul3A_679 = arith.muli %scan3A_570, %mul3A_678 : i32
        %add3A_680 = arith.constant 6 : i32
        %add3A_681 = arith.addi %mul3A_679, %add3A_680 : i32
        %swap3A_682 = arith.constant 0 : i32
        %swap3A_683 = arith.index_cast %swap3A_682 : i32 to index
        %swap3A_684 = arith.index_cast %add3A_681 : i32 to index
        %swap3A_685 = arith.constant 0 : index
        %swap3A_686 = tpu.vector_load %arg7[%swap3A_683, %swap3A_684, %swap3A_685] {strides = array<i32>} : memref<8x128x32xf32, #tpu.memory_space<vmem>>, vector<1x1x16xf32>,
        %swap3A_687 = vector.shape_cast %swap3A_686 : vector<1x1x16xf32> to vector<16xf32>
        %swap3A_688 = vector.shape_cast %get3A_150 : vector<16xf32> to vector<1x1x16xf32>
        tpu.vector_store %arg7[%swap3A_683, %swap3A_684, %swap3A_685], %swap3A_688 {add = true, strides = array<i32>} : memref<8x128x32xf32, #tpu.memory_space<vmem>>, vector<1x1x16xf32>,
        %swap3A_689 = arith.constant 0 : i32
        %swap3A_690 = arith.index_cast %swap3A_689 : i32 to index
        %swap3A_691 = arith.index_cast %add3A_681 : i32 to index
        %swap3A_692 = arith.constant 16 : index
        %swap3A_693 = tpu.vector_load %arg7[%swap3A_690, %swap3A_691, %swap3A_692] {strides = array<i32>} : memref<8x128x32xf32, #tpu.memory_space<vmem>>, vector<1x1x16xf32>,
        %swap3A_694 = vector.shape_cast %swap3A_693 : vector<1x1x16xf32> to vector<16xf32>
        %swap3A_695 = vector.shape_cast %get3A_154 : vector<16xf32> to vector<1x1x16xf32>
        tpu.vector_store %arg7[%swap3A_690, %swap3A_691, %swap3A_692], %swap3A_695 {add = true, strides = array<i32>} : memref<8x128x32xf32, #tpu.memory_space<vmem>>, vector<1x1x16xf32>,
        %mul3A_696 = arith.constant 8 : i32
        %mul3A_697 = arith.muli %scan3A_570, %mul3A_696 : i32
        %add3A_698 = arith.constant 7 : i32
        %add3A_699 = arith.addi %mul3A_697, %add3A_698 : i32
        %swap3A_700 = arith.constant 0 : i32
        %swap3A_701 = arith.index_cast %swap3A_700 : i32 to index
        %swap3A_702 = arith.index_cast %add3A_699 : i32 to index
        %swap3A_703 = arith.constant 0 : index
        %swap3A_704 = tpu.vector_load %arg7[%swap3A_701, %swap3A_702, %swap3A_703] {strides = array<i32>} : memref<8x128x32xf32, #tpu.memory_space<vmem>>, vector<1x1x16xf32>,
        %swap3A_705 = vector.shape_cast %swap3A_704 : vector<1x1x16xf32> to vector<16xf32>
        %swap3A_706 = vector.shape_cast %get3A_150 : vector<16xf32> to vector<1x1x16xf32>
        tpu.vector_store %arg7[%swap3A_701, %swap3A_702, %swap3A_703], %swap3A_706 {add = true, strides = array<i32>} : memref<8x128x32xf32, #tpu.memory_space<vmem>>, vector<1x1x16xf32>,
        %swap3A_707 = arith.constant 0 : i32
        %swap3A_708 = arith.index_cast %swap3A_707 : i32 to index
        %swap3A_709 = arith.index_cast %add3A_699 : i32 to index
        %swap3A_710 = arith.constant 16 : index
        %swap3A_711 = tpu.vector_load %arg7[%swap3A_708, %swap3A_709, %swap3A_710] {strides = array<i32>} : memref<8x128x32xf32, #tpu.memory_space<vmem>>, vector<1x1x16xf32>,
        %swap3A_712 = vector.shape_cast %swap3A_711 : vector<1x1x16xf32> to vector<16xf32>
        %swap3A_713 = vector.shape_cast %get3A_154 : vector<16xf32> to vector<1x1x16xf32>
        tpu.vector_store %arg7[%swap3A_708, %swap3A_709, %swap3A_710], %swap3A_713 {add = true, strides = array<i32>} : memref<8x128x32xf32, #tpu.memory_space<vmem>>, vector<1x1x16xf32>,
      }
      %scan3A_160 = arith.constant 16 : i32
      %dma_start3A_161 = arith.constant 0 : i32
      %dma_start3A_162 = arith.constant 0 : i32
      %dma_start3A_163 = arith.constant 0 : i32
      %dma_start3A_164 = tpu.memref_slice %arg7[%dma_start3A_161, %dma_start3A_162, %dma_start3A_163] : memref<8x128x32xf32, #tpu.memory_space<vmem>> -> memref<1x128x32xf32, #tpu.memory_space<vmem>>
      %dma_start3A_165 = tpu.memref_squeeze %dma_start3A_164 : memref<1x128x32xf32, #tpu.memory_space<vmem>> -> memref<128x32xf32, #tpu.memory_space<vmem>>
      %dma_start3A_166 = arith.constant 0 : i32
      %dma_start3A_167 = arith.constant 0 : i32
      %dma_start3A_168 = tpu.memref_slice %arg5[%add3A_130, %add3A, %dma_start3A_166, %dma_start3A_167] : memref<200x32x128x32xf32, #tpu.memory_space<hbm>> -> memref<1x1x128x32xf32, #tpu.memory_space<hbm>>
      %dma_start3A_169 = tpu.memref_squeeze %dma_start3A_168 : memref<1x1x128x32xf32, #tpu.memory_space<hbm>> -> memref<128x32xf32, #tpu.memory_space<hbm>>
      %dma_start3A_170 = arith.constant 0 : i32
      %dma_start3A_171 = arith.constant 0 : i32
      %dma_start3A_172 = tpu.memref_slice %arg5[%add3A_130, %add3A, %dma_start3A_170, %dma_start3A_171] : memref<200x32x128x32xf32, #tpu.memory_space<hbm>> -> memref<1x1x128x32xf32, #tpu.memory_space<hbm>>
      %dma_start3A_173 = tpu.memref_squeeze %dma_start3A_172 : memref<1x1x128x32xf32, #tpu.memory_space<hbm>> -> memref<128x32xf32, #tpu.memory_space<hbm>>
      %dma_start3A_174 = arith.constant 0 : i32
      %dma_start3A_175 = arith.constant 0 : i32
      %dma_start3A_176 = tpu.memref_slice %arg7[%dma_start3A_161, %dma_start3A_174, %dma_start3A_175] : memref<8x128x32xf32, #tpu.memory_space<vmem>> -> memref<1x128x32xf32, #tpu.memory_space<vmem>>
      %dma_start3A_177 = tpu.memref_squeeze %dma_start3A_176 : memref<1x128x32xf32, #tpu.memory_space<vmem>> -> memref<128x32xf32, #tpu.memory_space<vmem>>
      tpu.enqueue_dma source(%dma_start3A_177 : memref<128x32xf32, #tpu.memory_space<vmem>>) target(%dma_start3A_173 : memref<128x32xf32, #tpu.memory_space<hbm>>) target_semaphore(%arg17 : memref<!tpu.dma_semaphore, #tpu.memory_space<semaphore_mem>>)
      %mul3A_178 = arith.constant 8 : i32
      %mul3A_179 = arith.muli %scan3A_126, %mul3A_178 : i32
      %add3A_180 = arith.constant 1 : i32
      %add3A_181 = arith.addi %mul3A_179, %add3A_180 : i32
      %ge3A_182 = arith.constant 4 : i32
      %ge3A_183 = arith.cmpi sge, %add3A_181, %ge3A_182 : i32
      %convert_element_type3A_184 = arith.extui %ge3A_183 : i1 to i32
      %cond3A_185 = arith.constant 0 : i32
      %cond3A_186 = arith.cmpi ne, %convert_element_type3A_184, %cond3A_185 : i32
      scf.if %cond3A_186 {
        %sub3A = arith.constant 4 : i32
        %sub3A_570 = arith.subi %add3A_181, %sub3A : i32
        %dma_wait3A_571 = arith.constant 5 : i32
        %dma_wait3A_572 = arith.constant 0 : i32
        %dma_wait3A_573 = arith.constant 0 : i32
        %dma_wait3A_574 = tpu.memref_slice %arg7[%dma_wait3A_571, %dma_wait3A_572, %dma_wait3A_573] : memref<8x128x32xf32, #tpu.memory_space<vmem>> -> memref<1x128x32xf32, #tpu.memory_space<vmem>>
        %dma_wait3A_575 = tpu.memref_squeeze %dma_wait3A_574 : memref<1x128x32xf32, #tpu.memory_space<vmem>> -> memref<128x32xf32, #tpu.memory_space<vmem>>
        %dma_wait3A_576 = arith.constant 0 : i32
        %dma_wait3A_577 = arith.constant 0 : i32
        %dma_wait3A_578 = tpu.memref_slice %arg5[%sub3A_570, %add3A, %dma_wait3A_576, %dma_wait3A_577] : memref<200x32x128x32xf32, #tpu.memory_space<hbm>> -> memref<1x1x128x32xf32, #tpu.memory_space<hbm>>
        %dma_wait3A_579 = tpu.memref_squeeze %dma_wait3A_578 : memref<1x1x128x32xf32, #tpu.memory_space<hbm>> -> memref<128x32xf32, #tpu.memory_space<hbm>>
        %dma_wait3A_580 = arith.constant 0 : i32
        %dma_wait3A_581 = arith.constant 0 : i32
        %dma_wait3A_582 = tpu.memref_slice %arg5[%sub3A_570, %add3A, %dma_wait3A_580, %dma_wait3A_581] : memref<200x32x128x32xf32, #tpu.memory_space<hbm>> -> memref<1x1x128x32xf32, #tpu.memory_space<hbm>>
        %dma_wait3A_583 = tpu.memref_squeeze %dma_wait3A_582 : memref<1x1x128x32xf32, #tpu.memory_space<hbm>> -> memref<128x32xf32, #tpu.memory_space<hbm>>
        %dma_wait3A_584 = arith.constant 0 : i32
        %dma_wait3A_585 = arith.constant 0 : i32
        %dma_wait3A_586 = tpu.memref_slice %arg7[%dma_wait3A_571, %dma_wait3A_584, %dma_wait3A_585] : memref<8x128x32xf32, #tpu.memory_space<vmem>> -> memref<1x128x32xf32, #tpu.memory_space<vmem>>
        %dma_wait3A_587 = tpu.memref_squeeze %dma_wait3A_586 : memref<1x128x32xf32, #tpu.memory_space<vmem>> -> memref<128x32xf32, #tpu.memory_space<vmem>>
        tpu.wait_dma2 semaphore(%arg22 : memref<!tpu.dma_semaphore, #tpu.memory_space<semaphore_mem>>) src(%dma_wait3A_587 : memref<128x32xf32, #tpu.memory_space<vmem>>) dst(%dma_wait3A_583 : memref<128x32xf32, #tpu.memory_space<hbm>>)
      } else {
      }
      %lt3A_187 = arith.constant 196 : i32
      %lt3A_188 = arith.cmpi slt, %add3A_181, %lt3A_187 : i32
      %convert_element_type3A_189 = arith.extui %lt3A_188 : i1 to i32
      %cond3A_190 = arith.constant 0 : i32
      %cond3A_191 = arith.cmpi ne, %convert_element_type3A_189, %cond3A_190 : i32
      scf.if %cond3A_191 {
        %add3A_570 = arith.constant 4 : i32
        %add3A_571 = arith.addi %add3A_181, %add3A_570 : i32
        %dma_start3A_572 = arith.constant 5 : i32
        %dma_start3A_573 = arith.constant 0 : i32
        %dma_start3A_574 = arith.constant 0 : i32
        %dma_start3A_575 = tpu.memref_slice %arg7[%dma_start3A_572, %dma_start3A_573, %dma_start3A_574] : memref<8x128x32xf32, #tpu.memory_space<vmem>> -> memref<1x128x32xf32, #tpu.memory_space<vmem>>
        %dma_start3A_576 = tpu.memref_squeeze %dma_start3A_575 : memref<1x128x32xf32, #tpu.memory_space<vmem>> -> memref<128x32xf32, #tpu.memory_space<vmem>>
        %dma_start3A_577 = arith.constant 0 : i32
        %dma_start3A_578 = tpu.memref_slice %arg6[%add3A_571, %dma_start3A_577] : memref<200x128xi32, #tpu.memory_space<vmem>> -> memref<1x128xi32, #tpu.memory_space<vmem>>
        %dma_start3A_579 = tpu.memref_squeeze %dma_start3A_578 : memref<1x128xi32, #tpu.memory_space<vmem>> -> memref<128xi32, #tpu.memory_space<vmem>>
        %dma_start3A_580 = arith.constant 0 : i32
        %dma_start3A_581 = arith.constant 0 : i32
        %dma_start3A_582 = tpu.memref_slice %arg3[%dma_start3A_580, %dma_start3A_581] : memref<1000000x32xf32, #tpu.memory_space<hbm>> -> memref<1000000x32xf32, #tpu.memory_space<hbm>>
        tpu.enqueue_indirect_dma source(%dma_start3A_582 : memref<1000000x32xf32, #tpu.memory_space<hbm>>) target(%dma_start3A_576 : memref<128x32xf32, #tpu.memory_space<vmem>>) offsets(%dma_start3A_579 : memref<128xi32, #tpu.memory_space<vmem>>) semaphore(%arg14 : memref<!tpu.dma_semaphore, #tpu.memory_space<semaphore_mem>>)
      } else {
      }
      %dma_wait3A_192 = arith.constant 1 : i32
      %dma_wait3A_193 = arith.constant 0 : i32
      %dma_wait3A_194 = arith.constant 0 : i32
      %dma_wait3A_195 = tpu.memref_slice %arg7[%dma_wait3A_192, %dma_wait3A_193, %dma_wait3A_194] : memref<8x128x32xf32, #tpu.memory_space<vmem>> -> memref<1x128x32xf32, #tpu.memory_space<vmem>>
      %dma_wait3A_196 = tpu.memref_squeeze %dma_wait3A_195 : memref<1x128x32xf32, #tpu.memory_space<vmem>> -> memref<128x32xf32, #tpu.memory_space<vmem>>
      %dma_wait3A_197 = arith.constant 0 : i32
      %dma_wait3A_198 = tpu.memref_slice %arg6[%add3A_181, %dma_wait3A_197] : memref<200x128xi32, #tpu.memory_space<vmem>> -> memref<1x128xi32, #tpu.memory_space<vmem>>
      %dma_wait3A_199 = tpu.memref_squeeze %dma_wait3A_198 : memref<1x128xi32, #tpu.memory_space<vmem>> -> memref<128xi32, #tpu.memory_space<vmem>>
      %dma_wait3A_200 = arith.constant 0 : i32
      %dma_wait3A_201 = arith.constant 0 : i32
      %dma_wait3A_202 = tpu.memref_slice %arg3[%dma_wait3A_200, %dma_wait3A_201] : memref<1000000x32xf32, #tpu.memory_space<hbm>> -> memref<1000000x32xf32, #tpu.memory_space<hbm>>
      tpu.wait_indirect_dma semaphore(%arg10 : memref<!tpu.dma_semaphore, #tpu.memory_space<semaphore_mem>>) src(%dma_wait3A_202 : memref<1000000x32xf32, #tpu.memory_space<hbm>>) dst(%dma_wait3A_196 : memref<128x32xf32, #tpu.memory_space<vmem>>)
      %get3A_203 = arith.index_cast %add3A_181 : i32 to index
      %get3A_204 = arith.constant 0 : index
      %get3A_205 = tpu.vector_load %arg8[%get3A_203, %get3A_204] {strides = array<i32>} : memref<200x32xf32, #tpu.memory_space<vmem>>, vector<1x16xf32>,
      %get3A_206 = vector.shape_cast %get3A_205 : vector<1x16xf32> to vector<16xf32>
      %get3A_207 = arith.index_cast %add3A_181 : i32 to index
      %get3A_208 = arith.constant 16 : index
      %get3A_209 = tpu.vector_load %arg8[%get3A_207, %get3A_208] {strides = array<i32>} : memref<200x32xf32, #tpu.memory_space<vmem>>, vector<1x16xf32>,
      %get3A_210 = vector.shape_cast %get3A_209 : vector<1x16xf32> to vector<16xf32>
      %scan3A_211 = arith.constant 0 : i32
      %scan3A_212 = arith.constant 0 : i32
      %scan3A_213 = arith.constant 16 : i32
      %scan3A_214 = arith.addi %scan3A_212, %scan3A_213 : i32
      %scan3A_215 = arith.constant 1 : i32
      scf.for %scan3A_570 = %scan3A_212 to %scan3A_214 step %scan3A_215  : i32 {
        %mul3A_571 = arith.constant 8 : i32
        %mul3A_572 = arith.muli %scan3A_570, %mul3A_571 : i32
        %add3A_573 = arith.constant 0 : i32
        %add3A_574 = arith.addi %mul3A_572, %add3A_573 : i32
        %swap3A = arith.constant 1 : i32
        %swap3A_575 = arith.index_cast %swap3A : i32 to index
        %swap3A_576 = arith.index_cast %add3A_574 : i32 to index
        %swap3A_577 = arith.constant 0 : index
        %swap3A_578 = tpu.vector_load %arg7[%swap3A_575, %swap3A_576, %swap3A_577] {strides = array<i32>} : memref<8x128x32xf32, #tpu.memory_space<vmem>>, vector<1x1x16xf32>,
        %swap3A_579 = vector.shape_cast %swap3A_578 : vector<1x1x16xf32> to vector<16xf32>
        %swap3A_580 = vector.shape_cast %get3A_206 : vector<16xf32> to vector<1x1x16xf32>
        tpu.vector_store %arg7[%swap3A_575, %swap3A_576, %swap3A_577], %swap3A_580 {add = true, strides = array<i32>} : memref<8x128x32xf32, #tpu.memory_space<vmem>>, vector<1x1x16xf32>,
        %swap3A_581 = arith.constant 1 : i32
        %swap3A_582 = arith.index_cast %swap3A_581 : i32 to index
        %swap3A_583 = arith.index_cast %add3A_574 : i32 to index
        %swap3A_584 = arith.constant 16 : index
        %swap3A_585 = tpu.vector_load %arg7[%swap3A_582, %swap3A_583, %swap3A_584] {strides = array<i32>} : memref<8x128x32xf32, #tpu.memory_space<vmem>>, vector<1x1x16xf32>,
        %swap3A_586 = vector.shape_cast %swap3A_585 : vector<1x1x16xf32> to vector<16xf32>
        %swap3A_587 = vector.shape_cast %get3A_210 : vector<16xf32> to vector<1x1x16xf32>
        tpu.vector_store %arg7[%swap3A_582, %swap3A_583, %swap3A_584], %swap3A_587 {add = true, strides = array<i32>} : memref<8x128x32xf32, #tpu.memory_space<vmem>>, vector<1x1x16xf32>,
        %mul3A_588 = arith.constant 8 : i32
        %mul3A_589 = arith.muli %scan3A_570, %mul3A_588 : i32
        %add3A_590 = arith.constant 1 : i32
        %add3A_591 = arith.addi %mul3A_589, %add3A_590 : i32
        %swap3A_592 = arith.constant 1 : i32
        %swap3A_593 = arith.index_cast %swap3A_592 : i32 to index
        %swap3A_594 = arith.index_cast %add3A_591 : i32 to index
        %swap3A_595 = arith.constant 0 : index
        %swap3A_596 = tpu.vector_load %arg7[%swap3A_593, %swap3A_594, %swap3A_595] {strides = array<i32>} : memref<8x128x32xf32, #tpu.memory_space<vmem>>, vector<1x1x16xf32>,
        %swap3A_597 = vector.shape_cast %swap3A_596 : vector<1x1x16xf32> to vector<16xf32>
        %swap3A_598 = vector.shape_cast %get3A_206 : vector<16xf32> to vector<1x1x16xf32>
        tpu.vector_store %arg7[%swap3A_593, %swap3A_594, %swap3A_595], %swap3A_598 {add = true, strides = array<i32>} : memref<8x128x32xf32, #tpu.memory_space<vmem>>, vector<1x1x16xf32>,
        %swap3A_599 = arith.constant 1 : i32
        %swap3A_600 = arith.index_cast %swap3A_599 : i32 to index
        %swap3A_601 = arith.index_cast %add3A_591 : i32 to index
        %swap3A_602 = arith.constant 16 : index
        %swap3A_603 = tpu.vector_load %arg7[%swap3A_600, %swap3A_601, %swap3A_602] {strides = array<i32>} : memref<8x128x32xf32, #tpu.memory_space<vmem>>, vector<1x1x16xf32>,
        %swap3A_604 = vector.shape_cast %swap3A_603 : vector<1x1x16xf32> to vector<16xf32>
        %swap3A_605 = vector.shape_cast %get3A_210 : vector<16xf32> to vector<1x1x16xf32>
        tpu.vector_store %arg7[%swap3A_600, %swap3A_601, %swap3A_602], %swap3A_605 {add = true, strides = array<i32>} : memref<8x128x32xf32, #tpu.memory_space<vmem>>, vector<1x1x16xf32>,
        %mul3A_606 = arith.constant 8 : i32
        %mul3A_607 = arith.muli %scan3A_570, %mul3A_606 : i32
        %add3A_608 = arith.constant 2 : i32
        %add3A_609 = arith.addi %mul3A_607, %add3A_608 : i32
        %swap3A_610 = arith.constant 1 : i32
        %swap3A_611 = arith.index_cast %swap3A_610 : i32 to index
        %swap3A_612 = arith.index_cast %add3A_609 : i32 to index
        %swap3A_613 = arith.constant 0 : index
        %swap3A_614 = tpu.vector_load %arg7[%swap3A_611, %swap3A_612, %swap3A_613] {strides = array<i32>} : memref<8x128x32xf32, #tpu.memory_space<vmem>>, vector<1x1x16xf32>,
        %swap3A_615 = vector.shape_cast %swap3A_614 : vector<1x1x16xf32> to vector<16xf32>
        %swap3A_616 = vector.shape_cast %get3A_206 : vector<16xf32> to vector<1x1x16xf32>
        tpu.vector_store %arg7[%swap3A_611, %swap3A_612, %swap3A_613], %swap3A_616 {add = true, strides = array<i32>} : memref<8x128x32xf32, #tpu.memory_space<vmem>>, vector<1x1x16xf32>,
        %swap3A_617 = arith.constant 1 : i32
        %swap3A_618 = arith.index_cast %swap3A_617 : i32 to index
        %swap3A_619 = arith.index_cast %add3A_609 : i32 to index
        %swap3A_620 = arith.constant 16 : index
        %swap3A_621 = tpu.vector_load %arg7[%swap3A_618, %swap3A_619, %swap3A_620] {strides = array<i32>} : memref<8x128x32xf32, #tpu.memory_space<vmem>>, vector<1x1x16xf32>,
        %swap3A_622 = vector.shape_cast %swap3A_621 : vector<1x1x16xf32> to vector<16xf32>
        %swap3A_623 = vector.shape_cast %get3A_210 : vector<16xf32> to vector<1x1x16xf32>
        tpu.vector_store %arg7[%swap3A_618, %swap3A_619, %swap3A_620], %swap3A_623 {add = true, strides = array<i32>} : memref<8x128x32xf32, #tpu.memory_space<vmem>>, vector<1x1x16xf32>,
        %mul3A_624 = arith.constant 8 : i32
        %mul3A_625 = arith.muli %scan3A_570, %mul3A_624 : i32
        %add3A_626 = arith.constant 3 : i32
        %add3A_627 = arith.addi %mul3A_625, %add3A_626 : i32
        %swap3A_628 = arith.constant 1 : i32
        %swap3A_629 = arith.index_cast %swap3A_628 : i32 to index
        %swap3A_630 = arith.index_cast %add3A_627 : i32 to index
        %swap3A_631 = arith.constant 0 : index
        %swap3A_632 = tpu.vector_load %arg7[%swap3A_629, %swap3A_630, %swap3A_631] {strides = array<i32>} : memref<8x128x32xf32, #tpu.memory_space<vmem>>, vector<1x1x16xf32>,
        %swap3A_633 = vector.shape_cast %swap3A_632 : vector<1x1x16xf32> to vector<16xf32>
        %swap3A_634 = vector.shape_cast %get3A_206 : vector<16xf32> to vector<1x1x16xf32>
        tpu.vector_store %arg7[%swap3A_629, %swap3A_630, %swap3A_631], %swap3A_634 {add = true, strides = array<i32>} : memref<8x128x32xf32, #tpu.memory_space<vmem>>, vector<1x1x16xf32>,
        %swap3A_635 = arith.constant 1 : i32
        %swap3A_636 = arith.index_cast %swap3A_635 : i32 to index
        %swap3A_637 = arith.index_cast %add3A_627 : i32 to index
        %swap3A_638 = arith.constant 16 : index
        %swap3A_639 = tpu.vector_load %arg7[%swap3A_636, %swap3A_637, %swap3A_638] {strides = array<i32>} : memref<8x128x32xf32, #tpu.memory_space<vmem>>, vector<1x1x16xf32>,
        %swap3A_640 = vector.shape_cast %swap3A_639 : vector<1x1x16xf32> to vector<16xf32>
        %swap3A_641 = vector.shape_cast %get3A_210 : vector<16xf32> to vector<1x1x16xf32>
        tpu.vector_store %arg7[%swap3A_636, %swap3A_637, %swap3A_638], %swap3A_641 {add = true, strides = array<i32>} : memref<8x128x32xf32, #tpu.memory_space<vmem>>, vector<1x1x16xf32>,
        %mul3A_642 = arith.constant 8 : i32
        %mul3A_643 = arith.muli %scan3A_570, %mul3A_642 : i32
        %add3A_644 = arith.constant 4 : i32
        %add3A_645 = arith.addi %mul3A_643, %add3A_644 : i32
        %swap3A_646 = arith.constant 1 : i32
        %swap3A_647 = arith.index_cast %swap3A_646 : i32 to index
        %swap3A_648 = arith.index_cast %add3A_645 : i32 to index
        %swap3A_649 = arith.constant 0 : index
        %swap3A_650 = tpu.vector_load %arg7[%swap3A_647, %swap3A_648, %swap3A_649] {strides = array<i32>} : memref<8x128x32xf32, #tpu.memory_space<vmem>>, vector<1x1x16xf32>,
        %swap3A_651 = vector.shape_cast %swap3A_650 : vector<1x1x16xf32> to vector<16xf32>
        %swap3A_652 = vector.shape_cast %get3A_206 : vector<16xf32> to vector<1x1x16xf32>
        tpu.vector_store %arg7[%swap3A_647, %swap3A_648, %swap3A_649], %swap3A_652 {add = true, strides = array<i32>} : memref<8x128x32xf32, #tpu.memory_space<vmem>>, vector<1x1x16xf32>,
        %swap3A_653 = arith.constant 1 : i32
        %swap3A_654 = arith.index_cast %swap3A_653 : i32 to index
        %swap3A_655 = arith.index_cast %add3A_645 : i32 to index
        %swap3A_656 = arith.constant 16 : index
        %swap3A_657 = tpu.vector_load %arg7[%swap3A_654, %swap3A_655, %swap3A_656] {strides = array<i32>} : memref<8x128x32xf32, #tpu.memory_space<vmem>>, vector<1x1x16xf32>,
        %swap3A_658 = vector.shape_cast %swap3A_657 : vector<1x1x16xf32> to vector<16xf32>
        %swap3A_659 = vector.shape_cast %get3A_210 : vector<16xf32> to vector<1x1x16xf32>
        tpu.vector_store %arg7[%swap3A_654, %swap3A_655, %swap3A_656], %swap3A_659 {add = true, strides = array<i32>} : memref<8x128x32xf32, #tpu.memory_space<vmem>>, vector<1x1x16xf32>,
        %mul3A_660 = arith.constant 8 : i32
        %mul3A_661 = arith.muli %scan3A_570, %mul3A_660 : i32
        %add3A_662 = arith.constant 5 : i32
        %add3A_663 = arith.addi %mul3A_661, %add3A_662 : i32
        %swap3A_664 = arith.constant 1 : i32
        %swap3A_665 = arith.index_cast %swap3A_664 : i32 to index
        %swap3A_666 = arith.index_cast %add3A_663 : i32 to index
        %swap3A_667 = arith.constant 0 : index
        %swap3A_668 = tpu.vector_load %arg7[%swap3A_665, %swap3A_666, %swap3A_667] {strides = array<i32>} : memref<8x128x32xf32, #tpu.memory_space<vmem>>, vector<1x1x16xf32>,
        %swap3A_669 = vector.shape_cast %swap3A_668 : vector<1x1x16xf32> to vector<16xf32>
        %swap3A_670 = vector.shape_cast %get3A_206 : vector<16xf32> to vector<1x1x16xf32>
        tpu.vector_store %arg7[%swap3A_665, %swap3A_666, %swap3A_667], %swap3A_670 {add = true, strides = array<i32>} : memref<8x128x32xf32, #tpu.memory_space<vmem>>, vector<1x1x16xf32>,
        %swap3A_671 = arith.constant 1 : i32
        %swap3A_672 = arith.index_cast %swap3A_671 : i32 to index
        %swap3A_673 = arith.index_cast %add3A_663 : i32 to index
        %swap3A_674 = arith.constant 16 : index
        %swap3A_675 = tpu.vector_load %arg7[%swap3A_672, %swap3A_673, %swap3A_674] {strides = array<i32>} : memref<8x128x32xf32, #tpu.memory_space<vmem>>, vector<1x1x16xf32>,
        %swap3A_676 = vector.shape_cast %swap3A_675 : vector<1x1x16xf32> to vector<16xf32>
        %swap3A_677 = vector.shape_cast %get3A_210 : vector<16xf32> to vector<1x1x16xf32>
        tpu.vector_store %arg7[%swap3A_672, %swap3A_673, %swap3A_674], %swap3A_677 {add = true, strides = array<i32>} : memref<8x128x32xf32, #tpu.memory_space<vmem>>, vector<1x1x16xf32>,
        %mul3A_678 = arith.constant 8 : i32
        %mul3A_679 = arith.muli %scan3A_570, %mul3A_678 : i32
        %add3A_680 = arith.constant 6 : i32
        %add3A_681 = arith.addi %mul3A_679, %add3A_680 : i32
        %swap3A_682 = arith.constant 1 : i32
        %swap3A_683 = arith.index_cast %swap3A_682 : i32 to index
        %swap3A_684 = arith.index_cast %add3A_681 : i32 to index
        %swap3A_685 = arith.constant 0 : index
        %swap3A_686 = tpu.vector_load %arg7[%swap3A_683, %swap3A_684, %swap3A_685] {strides = array<i32>} : memref<8x128x32xf32, #tpu.memory_space<vmem>>, vector<1x1x16xf32>,
        %swap3A_687 = vector.shape_cast %swap3A_686 : vector<1x1x16xf32> to vector<16xf32>
        %swap3A_688 = vector.shape_cast %get3A_206 : vector<16xf32> to vector<1x1x16xf32>
        tpu.vector_store %arg7[%swap3A_683, %swap3A_684, %swap3A_685], %swap3A_688 {add = true, strides = array<i32>} : memref<8x128x32xf32, #tpu.memory_space<vmem>>, vector<1x1x16xf32>,
        %swap3A_689 = arith.constant 1 : i32
        %swap3A_690 = arith.index_cast %swap3A_689 : i32 to index
        %swap3A_691 = arith.index_cast %add3A_681 : i32 to index
        %swap3A_692 = arith.constant 16 : index
        %swap3A_693 = tpu.vector_load %arg7[%swap3A_690, %swap3A_691, %swap3A_692] {strides = array<i32>} : memref<8x128x32xf32, #tpu.memory_space<vmem>>, vector<1x1x16xf32>,
        %swap3A_694 = vector.shape_cast %swap3A_693 : vector<1x1x16xf32> to vector<16xf32>
        %swap3A_695 = vector.shape_cast %get3A_210 : vector<16xf32> to vector<1x1x16xf32>
        tpu.vector_store %arg7[%swap3A_690, %swap3A_691, %swap3A_692], %swap3A_695 {add = true, strides = array<i32>} : memref<8x128x32xf32, #tpu.memory_space<vmem>>, vector<1x1x16xf32>,
        %mul3A_696 = arith.constant 8 : i32
        %mul3A_697 = arith.muli %scan3A_570, %mul3A_696 : i32
        %add3A_698 = arith.constant 7 : i32
        %add3A_699 = arith.addi %mul3A_697, %add3A_698 : i32
        %swap3A_700 = arith.constant 1 : i32
        %swap3A_701 = arith.index_cast %swap3A_700 : i32 to index
        %swap3A_702 = arith.index_cast %add3A_699 : i32 to index
        %swap3A_703 = arith.constant 0 : index
        %swap3A_704 = tpu.vector_load %arg7[%swap3A_701, %swap3A_702, %swap3A_703] {strides = array<i32>} : memref<8x128x32xf32, #tpu.memory_space<vmem>>, vector<1x1x16xf32>,
        %swap3A_705 = vector.shape_cast %swap3A_704 : vector<1x1x16xf32> to vector<16xf32>
        %swap3A_706 = vector.shape_cast %get3A_206 : vector<16xf32> to vector<1x1x16xf32>
        tpu.vector_store %arg7[%swap3A_701, %swap3A_702, %swap3A_703], %swap3A_706 {add = true, strides = array<i32>} : memref<8x128x32xf32, #tpu.memory_space<vmem>>, vector<1x1x16xf32>,
        %swap3A_707 = arith.constant 1 : i32
        %swap3A_708 = arith.index_cast %swap3A_707 : i32 to index
        %swap3A_709 = arith.index_cast %add3A_699 : i32 to index
        %swap3A_710 = arith.constant 16 : index
        %swap3A_711 = tpu.vector_load %arg7[%swap3A_708, %swap3A_709, %swap3A_710] {strides = array<i32>} : memref<8x128x32xf32, #tpu.memory_space<vmem>>, vector<1x1x16xf32>,
        %swap3A_712 = vector.shape_cast %swap3A_711 : vector<1x1x16xf32> to vector<16xf32>
        %swap3A_713 = vector.shape_cast %get3A_210 : vector<16xf32> to vector<1x1x16xf32>
        tpu.vector_store %arg7[%swap3A_708, %swap3A_709, %swap3A_710], %swap3A_713 {add = true, strides = array<i32>} : memref<8x128x32xf32, #tpu.memory_space<vmem>>, vector<1x1x16xf32>,
      }
      %scan3A_216 = arith.constant 16 : i32
      %dma_start3A_217 = arith.constant 1 : i32
      %dma_start3A_218 = arith.constant 0 : i32
      %dma_start3A_219 = arith.constant 0 : i32
      %dma_start3A_220 = tpu.memref_slice %arg7[%dma_start3A_217, %dma_start3A_218, %dma_start3A_219] : memref<8x128x32xf32, #tpu.memory_space<vmem>> -> memref<1x128x32xf32, #tpu.memory_space<vmem>>
      %dma_start3A_221 = tpu.memref_squeeze %dma_start3A_220 : memref<1x128x32xf32, #tpu.memory_space<vmem>> -> memref<128x32xf32, #tpu.memory_space<vmem>>
      %dma_start3A_222 = arith.constant 0 : i32
      %dma_start3A_223 = arith.constant 0 : i32
      %dma_start3A_224 = tpu.memref_slice %arg5[%add3A_181, %add3A, %dma_start3A_222, %dma_start3A_223] : memref<200x32x128x32xf32, #tpu.memory_space<hbm>> -> memref<1x1x128x32xf32, #tpu.memory_space<hbm>>
      %dma_start3A_225 = tpu.memref_squeeze %dma_start3A_224 : memref<1x1x128x32xf32, #tpu.memory_space<hbm>> -> memref<128x32xf32, #tpu.memory_space<hbm>>
      %dma_start3A_226 = arith.constant 0 : i32
      %dma_start3A_227 = arith.constant 0 : i32
      %dma_start3A_228 = tpu.memref_slice %arg5[%add3A_181, %add3A, %dma_start3A_226, %dma_start3A_227] : memref<200x32x128x32xf32, #tpu.memory_space<hbm>> -> memref<1x1x128x32xf32, #tpu.memory_space<hbm>>
      %dma_start3A_229 = tpu.memref_squeeze %dma_start3A_228 : memref<1x1x128x32xf32, #tpu.memory_space<hbm>> -> memref<128x32xf32, #tpu.memory_space<hbm>>
      %dma_start3A_230 = arith.constant 0 : i32
      %dma_start3A_231 = arith.constant 0 : i32
      %dma_start3A_232 = tpu.memref_slice %arg7[%dma_start3A_217, %dma_start3A_230, %dma_start3A_231] : memref<8x128x32xf32, #tpu.memory_space<vmem>> -> memref<1x128x32xf32, #tpu.memory_space<vmem>>
      %dma_start3A_233 = tpu.memref_squeeze %dma_start3A_232 : memref<1x128x32xf32, #tpu.memory_space<vmem>> -> memref<128x32xf32, #tpu.memory_space<vmem>>
      tpu.enqueue_dma source(%dma_start3A_233 : memref<128x32xf32, #tpu.memory_space<vmem>>) target(%dma_start3A_229 : memref<128x32xf32, #tpu.memory_space<hbm>>) target_semaphore(%arg18 : memref<!tpu.dma_semaphore, #tpu.memory_space<semaphore_mem>>)
      %mul3A_234 = arith.constant 8 : i32
      %mul3A_235 = arith.muli %scan3A_126, %mul3A_234 : i32
      %add3A_236 = arith.constant 2 : i32
      %add3A_237 = arith.addi %mul3A_235, %add3A_236 : i32
      %ge3A_238 = arith.constant 4 : i32
      %ge3A_239 = arith.cmpi sge, %add3A_237, %ge3A_238 : i32
      %convert_element_type3A_240 = arith.extui %ge3A_239 : i1 to i32
      %cond3A_241 = arith.constant 0 : i32
      %cond3A_242 = arith.cmpi ne, %convert_element_type3A_240, %cond3A_241 : i32
      scf.if %cond3A_242 {
        %sub3A = arith.constant 4 : i32
        %sub3A_570 = arith.subi %add3A_237, %sub3A : i32
        %dma_wait3A_571 = arith.constant 6 : i32
        %dma_wait3A_572 = arith.constant 0 : i32
        %dma_wait3A_573 = arith.constant 0 : i32
        %dma_wait3A_574 = tpu.memref_slice %arg7[%dma_wait3A_571, %dma_wait3A_572, %dma_wait3A_573] : memref<8x128x32xf32, #tpu.memory_space<vmem>> -> memref<1x128x32xf32, #tpu.memory_space<vmem>>
        %dma_wait3A_575 = tpu.memref_squeeze %dma_wait3A_574 : memref<1x128x32xf32, #tpu.memory_space<vmem>> -> memref<128x32xf32, #tpu.memory_space<vmem>>
        %dma_wait3A_576 = arith.constant 0 : i32
        %dma_wait3A_577 = arith.constant 0 : i32
        %dma_wait3A_578 = tpu.memref_slice %arg5[%sub3A_570, %add3A, %dma_wait3A_576, %dma_wait3A_577] : memref<200x32x128x32xf32, #tpu.memory_space<hbm>> -> memref<1x1x128x32xf32, #tpu.memory_space<hbm>>
        %dma_wait3A_579 = tpu.memref_squeeze %dma_wait3A_578 : memref<1x1x128x32xf32, #tpu.memory_space<hbm>> -> memref<128x32xf32, #tpu.memory_space<hbm>>
        %dma_wait3A_580 = arith.constant 0 : i32
        %dma_wait3A_581 = arith.constant 0 : i32
        %dma_wait3A_582 = tpu.memref_slice %arg5[%sub3A_570, %add3A, %dma_wait3A_580, %dma_wait3A_581] : memref<200x32x128x32xf32, #tpu.memory_space<hbm>> -> memref<1x1x128x32xf32, #tpu.memory_space<hbm>>
        %dma_wait3A_583 = tpu.memref_squeeze %dma_wait3A_582 : memref<1x1x128x32xf32, #tpu.memory_space<hbm>> -> memref<128x32xf32, #tpu.memory_space<hbm>>
        %dma_wait3A_584 = arith.constant 0 : i32
        %dma_wait3A_585 = arith.constant 0 : i32
        %dma_wait3A_586 = tpu.memref_slice %arg7[%dma_wait3A_571, %dma_wait3A_584, %dma_wait3A_585] : memref<8x128x32xf32, #tpu.memory_space<vmem>> -> memref<1x128x32xf32, #tpu.memory_space<vmem>>
        %dma_wait3A_587 = tpu.memref_squeeze %dma_wait3A_586 : memref<1x128x32xf32, #tpu.memory_space<vmem>> -> memref<128x32xf32, #tpu.memory_space<vmem>>
        tpu.wait_dma2 semaphore(%arg23 : memref<!tpu.dma_semaphore, #tpu.memory_space<semaphore_mem>>) src(%dma_wait3A_587 : memref<128x32xf32, #tpu.memory_space<vmem>>) dst(%dma_wait3A_583 : memref<128x32xf32, #tpu.memory_space<hbm>>)
      } else {
      }
      %lt3A_243 = arith.constant 196 : i32
      %lt3A_244 = arith.cmpi slt, %add3A_237, %lt3A_243 : i32
      %convert_element_type3A_245 = arith.extui %lt3A_244 : i1 to i32
      %cond3A_246 = arith.constant 0 : i32
      %cond3A_247 = arith.cmpi ne, %convert_element_type3A_245, %cond3A_246 : i32
      scf.if %cond3A_247 {
        %add3A_570 = arith.constant 4 : i32
        %add3A_571 = arith.addi %add3A_237, %add3A_570 : i32
        %dma_start3A_572 = arith.constant 6 : i32
        %dma_start3A_573 = arith.constant 0 : i32
        %dma_start3A_574 = arith.constant 0 : i32
        %dma_start3A_575 = tpu.memref_slice %arg7[%dma_start3A_572, %dma_start3A_573, %dma_start3A_574] : memref<8x128x32xf32, #tpu.memory_space<vmem>> -> memref<1x128x32xf32, #tpu.memory_space<vmem>>
        %dma_start3A_576 = tpu.memref_squeeze %dma_start3A_575 : memref<1x128x32xf32, #tpu.memory_space<vmem>> -> memref<128x32xf32, #tpu.memory_space<vmem>>
        %dma_start3A_577 = arith.constant 0 : i32
        %dma_start3A_578 = tpu.memref_slice %arg6[%add3A_571, %dma_start3A_577] : memref<200x128xi32, #tpu.memory_space<vmem>> -> memref<1x128xi32, #tpu.memory_space<vmem>>
        %dma_start3A_579 = tpu.memref_squeeze %dma_start3A_578 : memref<1x128xi32, #tpu.memory_space<vmem>> -> memref<128xi32, #tpu.memory_space<vmem>>
        %dma_start3A_580 = arith.constant 0 : i32
        %dma_start3A_581 = arith.constant 0 : i32
        %dma_start3A_582 = tpu.memref_slice %arg3[%dma_start3A_580, %dma_start3A_581] : memref<1000000x32xf32, #tpu.memory_space<hbm>> -> memref<1000000x32xf32, #tpu.memory_space<hbm>>
        tpu.enqueue_indirect_dma source(%dma_start3A_582 : memref<1000000x32xf32, #tpu.memory_space<hbm>>) target(%dma_start3A_576 : memref<128x32xf32, #tpu.memory_space<vmem>>) offsets(%dma_start3A_579 : memref<128xi32, #tpu.memory_space<vmem>>) semaphore(%arg15 : memref<!tpu.dma_semaphore, #tpu.memory_space<semaphore_mem>>)
      } else {
      }
      %dma_wait3A_248 = arith.constant 2 : i32
      %dma_wait3A_249 = arith.constant 0 : i32
      %dma_wait3A_250 = arith.constant 0 : i32
      %dma_wait3A_251 = tpu.memref_slice %arg7[%dma_wait3A_248, %dma_wait3A_249, %dma_wait3A_250] : memref<8x128x32xf32, #tpu.memory_space<vmem>> -> memref<1x128x32xf32, #tpu.memory_space<vmem>>
      %dma_wait3A_252 = tpu.memref_squeeze %dma_wait3A_251 : memref<1x128x32xf32, #tpu.memory_space<vmem>> -> memref<128x32xf32, #tpu.memory_space<vmem>>
      %dma_wait3A_253 = arith.constant 0 : i32
      %dma_wait3A_254 = tpu.memref_slice %arg6[%add3A_237, %dma_wait3A_253] : memref<200x128xi32, #tpu.memory_space<vmem>> -> memref<1x128xi32, #tpu.memory_space<vmem>>
      %dma_wait3A_255 = tpu.memref_squeeze %dma_wait3A_254 : memref<1x128xi32, #tpu.memory_space<vmem>> -> memref<128xi32, #tpu.memory_space<vmem>>
      %dma_wait3A_256 = arith.constant 0 : i32
      %dma_wait3A_257 = arith.constant 0 : i32
      %dma_wait3A_258 = tpu.memref_slice %arg3[%dma_wait3A_256, %dma_wait3A_257] : memref<1000000x32xf32, #tpu.memory_space<hbm>> -> memref<1000000x32xf32, #tpu.memory_space<hbm>>
      tpu.wait_indirect_dma semaphore(%arg11 : memref<!tpu.dma_semaphore, #tpu.memory_space<semaphore_mem>>) src(%dma_wait3A_258 : memref<1000000x32xf32, #tpu.memory_space<hbm>>) dst(%dma_wait3A_252 : memref<128x32xf32, #tpu.memory_space<vmem>>)
      %get3A_259 = arith.index_cast %add3A_237 : i32 to index
      %get3A_260 = arith.constant 0 : index
      %get3A_261 = tpu.vector_load %arg8[%get3A_259, %get3A_260] {strides = array<i32>} : memref<200x32xf32, #tpu.memory_space<vmem>>, vector<1x16xf32>,
      %get3A_262 = vector.shape_cast %get3A_261 : vector<1x16xf32> to vector<16xf32>
      %get3A_263 = arith.index_cast %add3A_237 : i32 to index
      %get3A_264 = arith.constant 16 : index
      %get3A_265 = tpu.vector_load %arg8[%get3A_263, %get3A_264] {strides = array<i32>} : memref<200x32xf32, #tpu.memory_space<vmem>>, vector<1x16xf32>,
      %get3A_266 = vector.shape_cast %get3A_265 : vector<1x16xf32> to vector<16xf32>
      %scan3A_267 = arith.constant 0 : i32
      %scan3A_268 = arith.constant 0 : i32
      %scan3A_269 = arith.constant 16 : i32
      %scan3A_270 = arith.addi %scan3A_268, %scan3A_269 : i32
      %scan3A_271 = arith.constant 1 : i32
      scf.for %scan3A_570 = %scan3A_268 to %scan3A_270 step %scan3A_271  : i32 {
        %mul3A_571 = arith.constant 8 : i32
        %mul3A_572 = arith.muli %scan3A_570, %mul3A_571 : i32
        %add3A_573 = arith.constant 0 : i32
        %add3A_574 = arith.addi %mul3A_572, %add3A_573 : i32
        %swap3A = arith.constant 2 : i32
        %swap3A_575 = arith.index_cast %swap3A : i32 to index
        %swap3A_576 = arith.index_cast %add3A_574 : i32 to index
        %swap3A_577 = arith.constant 0 : index
        %swap3A_578 = tpu.vector_load %arg7[%swap3A_575, %swap3A_576, %swap3A_577] {strides = array<i32>} : memref<8x128x32xf32, #tpu.memory_space<vmem>>, vector<1x1x16xf32>,
        %swap3A_579 = vector.shape_cast %swap3A_578 : vector<1x1x16xf32> to vector<16xf32>
        %swap3A_580 = vector.shape_cast %get3A_262 : vector<16xf32> to vector<1x1x16xf32>
        tpu.vector_store %arg7[%swap3A_575, %swap3A_576, %swap3A_577], %swap3A_580 {add = true, strides = array<i32>} : memref<8x128x32xf32, #tpu.memory_space<vmem>>, vector<1x1x16xf32>,
        %swap3A_581 = arith.constant 2 : i32
        %swap3A_582 = arith.index_cast %swap3A_581 : i32 to index
        %swap3A_583 = arith.index_cast %add3A_574 : i32 to index
        %swap3A_584 = arith.constant 16 : index
        %swap3A_585 = tpu.vector_load %arg7[%swap3A_582, %swap3A_583, %swap3A_584] {strides = array<i32>} : memref<8x128x32xf32, #tpu.memory_space<vmem>>, vector<1x1x16xf32>,
        %swap3A_586 = vector.shape_cast %swap3A_585 : vector<1x1x16xf32> to vector<16xf32>
        %swap3A_587 = vector.shape_cast %get3A_266 : vector<16xf32> to vector<1x1x16xf32>
        tpu.vector_store %arg7[%swap3A_582, %swap3A_583, %swap3A_584], %swap3A_587 {add = true, strides = array<i32>} : memref<8x128x32xf32, #tpu.memory_space<vmem>>, vector<1x1x16xf32>,
        %mul3A_588 = arith.constant 8 : i32
        %mul3A_589 = arith.muli %scan3A_570, %mul3A_588 : i32
        %add3A_590 = arith.constant 1 : i32
        %add3A_591 = arith.addi %mul3A_589, %add3A_590 : i32
        %swap3A_592 = arith.constant 2 : i32
        %swap3A_593 = arith.index_cast %swap3A_592 : i32 to index
        %swap3A_594 = arith.index_cast %add3A_591 : i32 to index
        %swap3A_595 = arith.constant 0 : index
        %swap3A_596 = tpu.vector_load %arg7[%swap3A_593, %swap3A_594, %swap3A_595] {strides = array<i32>} : memref<8x128x32xf32, #tpu.memory_space<vmem>>, vector<1x1x16xf32>,
        %swap3A_597 = vector.shape_cast %swap3A_596 : vector<1x1x16xf32> to vector<16xf32>
        %swap3A_598 = vector.shape_cast %get3A_262 : vector<16xf32> to vector<1x1x16xf32>
        tpu.vector_store %arg7[%swap3A_593, %swap3A_594, %swap3A_595], %swap3A_598 {add = true, strides = array<i32>} : memref<8x128x32xf32, #tpu.memory_space<vmem>>, vector<1x1x16xf32>,
        %swap3A_599 = arith.constant 2 : i32
        %swap3A_600 = arith.index_cast %swap3A_599 : i32 to index
        %swap3A_601 = arith.index_cast %add3A_591 : i32 to index
        %swap3A_602 = arith.constant 16 : index
        %swap3A_603 = tpu.vector_load %arg7[%swap3A_600, %swap3A_601, %swap3A_602] {strides = array<i32>} : memref<8x128x32xf32, #tpu.memory_space<vmem>>, vector<1x1x16xf32>,
        %swap3A_604 = vector.shape_cast %swap3A_603 : vector<1x1x16xf32> to vector<16xf32>
        %swap3A_605 = vector.shape_cast %get3A_266 : vector<16xf32> to vector<1x1x16xf32>
        tpu.vector_store %arg7[%swap3A_600, %swap3A_601, %swap3A_602], %swap3A_605 {add = true, strides = array<i32>} : memref<8x128x32xf32, #tpu.memory_space<vmem>>, vector<1x1x16xf32>,
        %mul3A_606 = arith.constant 8 : i32
        %mul3A_607 = arith.muli %scan3A_570, %mul3A_606 : i32
        %add3A_608 = arith.constant 2 : i32
        %add3A_609 = arith.addi %mul3A_607, %add3A_608 : i32
        %swap3A_610 = arith.constant 2 : i32
        %swap3A_611 = arith.index_cast %swap3A_610 : i32 to index
        %swap3A_612 = arith.index_cast %add3A_609 : i32 to index
        %swap3A_613 = arith.constant 0 : index
        %swap3A_614 = tpu.vector_load %arg7[%swap3A_611, %swap3A_612, %swap3A_613] {strides = array<i32>} : memref<8x128x32xf32, #tpu.memory_space<vmem>>, vector<1x1x16xf32>,
        %swap3A_615 = vector.shape_cast %swap3A_614 : vector<1x1x16xf32> to vector<16xf32>
        %swap3A_616 = vector.shape_cast %get3A_262 : vector<16xf32> to vector<1x1x16xf32>
        tpu.vector_store %arg7[%swap3A_611, %swap3A_612, %swap3A_613], %swap3A_616 {add = true, strides = array<i32>} : memref<8x128x32xf32, #tpu.memory_space<vmem>>, vector<1x1x16xf32>,
        %swap3A_617 = arith.constant 2 : i32
        %swap3A_618 = arith.index_cast %swap3A_617 : i32 to index
        %swap3A_619 = arith.index_cast %add3A_609 : i32 to index
        %swap3A_620 = arith.constant 16 : index
        %swap3A_621 = tpu.vector_load %arg7[%swap3A_618, %swap3A_619, %swap3A_620] {strides = array<i32>} : memref<8x128x32xf32, #tpu.memory_space<vmem>>, vector<1x1x16xf32>,
        %swap3A_622 = vector.shape_cast %swap3A_621 : vector<1x1x16xf32> to vector<16xf32>
        %swap3A_623 = vector.shape_cast %get3A_266 : vector<16xf32> to vector<1x1x16xf32>
        tpu.vector_store %arg7[%swap3A_618, %swap3A_619, %swap3A_620], %swap3A_623 {add = true, strides = array<i32>} : memref<8x128x32xf32, #tpu.memory_space<vmem>>, vector<1x1x16xf32>,
        %mul3A_624 = arith.constant 8 : i32
        %mul3A_625 = arith.muli %scan3A_570, %mul3A_624 : i32
        %add3A_626 = arith.constant 3 : i32
        %add3A_627 = arith.addi %mul3A_625, %add3A_626 : i32
        %swap3A_628 = arith.constant 2 : i32
        %swap3A_629 = arith.index_cast %swap3A_628 : i32 to index
        %swap3A_630 = arith.index_cast %add3A_627 : i32 to index
        %swap3A_631 = arith.constant 0 : index
        %swap3A_632 = tpu.vector_load %arg7[%swap3A_629, %swap3A_630, %swap3A_631] {strides = array<i32>} : memref<8x128x32xf32, #tpu.memory_space<vmem>>, vector<1x1x16xf32>,
        %swap3A_633 = vector.shape_cast %swap3A_632 : vector<1x1x16xf32> to vector<16xf32>
        %swap3A_634 = vector.shape_cast %get3A_262 : vector<16xf32> to vector<1x1x16xf32>
        tpu.vector_store %arg7[%swap3A_629, %swap3A_630, %swap3A_631], %swap3A_634 {add = true, strides = array<i32>} : memref<8x128x32xf32, #tpu.memory_space<vmem>>, vector<1x1x16xf32>,
        %swap3A_635 = arith.constant 2 : i32
        %swap3A_636 = arith.index_cast %swap3A_635 : i32 to index
        %swap3A_637 = arith.index_cast %add3A_627 : i32 to index
        %swap3A_638 = arith.constant 16 : index
        %swap3A_639 = tpu.vector_load %arg7[%swap3A_636, %swap3A_637, %swap3A_638] {strides = array<i32>} : memref<8x128x32xf32, #tpu.memory_space<vmem>>, vector<1x1x16xf32>,
        %swap3A_640 = vector.shape_cast %swap3A_639 : vector<1x1x16xf32> to vector<16xf32>
        %swap3A_641 = vector.shape_cast %get3A_266 : vector<16xf32> to vector<1x1x16xf32>
        tpu.vector_store %arg7[%swap3A_636, %swap3A_637, %swap3A_638], %swap3A_641 {add = true, strides = array<i32>} : memref<8x128x32xf32, #tpu.memory_space<vmem>>, vector<1x1x16xf32>,
        %mul3A_642 = arith.constant 8 : i32
        %mul3A_643 = arith.muli %scan3A_570, %mul3A_642 : i32
        %add3A_644 = arith.constant 4 : i32
        %add3A_645 = arith.addi %mul3A_643, %add3A_644 : i32
        %swap3A_646 = arith.constant 2 : i32
        %swap3A_647 = arith.index_cast %swap3A_646 : i32 to index
        %swap3A_648 = arith.index_cast %add3A_645 : i32 to index
        %swap3A_649 = arith.constant 0 : index
        %swap3A_650 = tpu.vector_load %arg7[%swap3A_647, %swap3A_648, %swap3A_649] {strides = array<i32>} : memref<8x128x32xf32, #tpu.memory_space<vmem>>, vector<1x1x16xf32>,
        %swap3A_651 = vector.shape_cast %swap3A_650 : vector<1x1x16xf32> to vector<16xf32>
        %swap3A_652 = vector.shape_cast %get3A_262 : vector<16xf32> to vector<1x1x16xf32>
        tpu.vector_store %arg7[%swap3A_647, %swap3A_648, %swap3A_649], %swap3A_652 {add = true, strides = array<i32>} : memref<8x128x32xf32, #tpu.memory_space<vmem>>, vector<1x1x16xf32>,
        %swap3A_653 = arith.constant 2 : i32
        %swap3A_654 = arith.index_cast %swap3A_653 : i32 to index
        %swap3A_655 = arith.index_cast %add3A_645 : i32 to index
        %swap3A_656 = arith.constant 16 : index
        %swap3A_657 = tpu.vector_load %arg7[%swap3A_654, %swap3A_655, %swap3A_656] {strides = array<i32>} : memref<8x128x32xf32, #tpu.memory_space<vmem>>, vector<1x1x16xf32>,
        %swap3A_658 = vector.shape_cast %swap3A_657 : vector<1x1x16xf32> to vector<16xf32>
        %swap3A_659 = vector.shape_cast %get3A_266 : vector<16xf32> to vector<1x1x16xf32>
        tpu.vector_store %arg7[%swap3A_654, %swap3A_655, %swap3A_656], %swap3A_659 {add = true, strides = array<i32>} : memref<8x128x32xf32, #tpu.memory_space<vmem>>, vector<1x1x16xf32>,
        %mul3A_660 = arith.constant 8 : i32
        %mul3A_661 = arith.muli %scan3A_570, %mul3A_660 : i32
        %add3A_662 = arith.constant 5 : i32
        %add3A_663 = arith.addi %mul3A_661, %add3A_662 : i32
        %swap3A_664 = arith.constant 2 : i32
        %swap3A_665 = arith.index_cast %swap3A_664 : i32 to index
        %swap3A_666 = arith.index_cast %add3A_663 : i32 to index
        %swap3A_667 = arith.constant 0 : index
        %swap3A_668 = tpu.vector_load %arg7[%swap3A_665, %swap3A_666, %swap3A_667] {strides = array<i32>} : memref<8x128x32xf32, #tpu.memory_space<vmem>>, vector<1x1x16xf32>,
        %swap3A_669 = vector.shape_cast %swap3A_668 : vector<1x1x16xf32> to vector<16xf32>
        %swap3A_670 = vector.shape_cast %get3A_262 : vector<16xf32> to vector<1x1x16xf32>
        tpu.vector_store %arg7[%swap3A_665, %swap3A_666, %swap3A_667], %swap3A_670 {add = true, strides = array<i32>} : memref<8x128x32xf32, #tpu.memory_space<vmem>>, vector<1x1x16xf32>,
        %swap3A_671 = arith.constant 2 : i32
        %swap3A_672 = arith.index_cast %swap3A_671 : i32 to index
        %swap3A_673 = arith.index_cast %add3A_663 : i32 to index
        %swap3A_674 = arith.constant 16 : index
        %swap3A_675 = tpu.vector_load %arg7[%swap3A_672, %swap3A_673, %swap3A_674] {strides = array<i32>} : memref<8x128x32xf32, #tpu.memory_space<vmem>>, vector<1x1x16xf32>,
        %swap3A_676 = vector.shape_cast %swap3A_675 : vector<1x1x16xf32> to vector<16xf32>
        %swap3A_677 = vector.shape_cast %get3A_266 : vector<16xf32> to vector<1x1x16xf32>
        tpu.vector_store %arg7[%swap3A_672, %swap3A_673, %swap3A_674], %swap3A_677 {add = true, strides = array<i32>} : memref<8x128x32xf32, #tpu.memory_space<vmem>>, vector<1x1x16xf32>,
        %mul3A_678 = arith.constant 8 : i32
        %mul3A_679 = arith.muli %scan3A_570, %mul3A_678 : i32
        %add3A_680 = arith.constant 6 : i32
        %add3A_681 = arith.addi %mul3A_679, %add3A_680 : i32
        %swap3A_682 = arith.constant 2 : i32
        %swap3A_683 = arith.index_cast %swap3A_682 : i32 to index
        %swap3A_684 = arith.index_cast %add3A_681 : i32 to index
        %swap3A_685 = arith.constant 0 : index
        %swap3A_686 = tpu.vector_load %arg7[%swap3A_683, %swap3A_684, %swap3A_685] {strides = array<i32>} : memref<8x128x32xf32, #tpu.memory_space<vmem>>, vector<1x1x16xf32>,
        %swap3A_687 = vector.shape_cast %swap3A_686 : vector<1x1x16xf32> to vector<16xf32>
        %swap3A_688 = vector.shape_cast %get3A_262 : vector<16xf32> to vector<1x1x16xf32>
        tpu.vector_store %arg7[%swap3A_683, %swap3A_684, %swap3A_685], %swap3A_688 {add = true, strides = array<i32>} : memref<8x128x32xf32, #tpu.memory_space<vmem>>, vector<1x1x16xf32>,
        %swap3A_689 = arith.constant 2 : i32
        %swap3A_690 = arith.index_cast %swap3A_689 : i32 to index
        %swap3A_691 = arith.index_cast %add3A_681 : i32 to index
        %swap3A_692 = arith.constant 16 : index
        %swap3A_693 = tpu.vector_load %arg7[%swap3A_690, %swap3A_691, %swap3A_692] {strides = array<i32>} : memref<8x128x32xf32, #tpu.memory_space<vmem>>, vector<1x1x16xf32>,
        %swap3A_694 = vector.shape_cast %swap3A_693 : vector<1x1x16xf32> to vector<16xf32>
        %swap3A_695 = vector.shape_cast %get3A_266 : vector<16xf32> to vector<1x1x16xf32>
        tpu.vector_store %arg7[%swap3A_690, %swap3A_691, %swap3A_692], %swap3A_695 {add = true, strides = array<i32>} : memref<8x128x32xf32, #tpu.memory_space<vmem>>, vector<1x1x16xf32>,
        %mul3A_696 = arith.constant 8 : i32
        %mul3A_697 = arith.muli %scan3A_570, %mul3A_696 : i32
        %add3A_698 = arith.constant 7 : i32
        %add3A_699 = arith.addi %mul3A_697, %add3A_698 : i32
        %swap3A_700 = arith.constant 2 : i32
        %swap3A_701 = arith.index_cast %swap3A_700 : i32 to index
        %swap3A_702 = arith.index_cast %add3A_699 : i32 to index
        %swap3A_703 = arith.constant 0 : index
        %swap3A_704 = tpu.vector_load %arg7[%swap3A_701, %swap3A_702, %swap3A_703] {strides = array<i32>} : memref<8x128x32xf32, #tpu.memory_space<vmem>>, vector<1x1x16xf32>,
        %swap3A_705 = vector.shape_cast %swap3A_704 : vector<1x1x16xf32> to vector<16xf32>
        %swap3A_706 = vector.shape_cast %get3A_262 : vector<16xf32> to vector<1x1x16xf32>
        tpu.vector_store %arg7[%swap3A_701, %swap3A_702, %swap3A_703], %swap3A_706 {add = true, strides = array<i32>} : memref<8x128x32xf32, #tpu.memory_space<vmem>>, vector<1x1x16xf32>,
        %swap3A_707 = arith.constant 2 : i32
        %swap3A_708 = arith.index_cast %swap3A_707 : i32 to index
        %swap3A_709 = arith.index_cast %add3A_699 : i32 to index
        %swap3A_710 = arith.constant 16 : index
        %swap3A_711 = tpu.vector_load %arg7[%swap3A_708, %swap3A_709, %swap3A_710] {strides = array<i32>} : memref<8x128x32xf32, #tpu.memory_space<vmem>>, vector<1x1x16xf32>,
        %swap3A_712 = vector.shape_cast %swap3A_711 : vector<1x1x16xf32> to vector<16xf32>
        %swap3A_713 = vector.shape_cast %get3A_266 : vector<16xf32> to vector<1x1x16xf32>
        tpu.vector_store %arg7[%swap3A_708, %swap3A_709, %swap3A_710], %swap3A_713 {add = true, strides = array<i32>} : memref<8x128x32xf32, #tpu.memory_space<vmem>>, vector<1x1x16xf32>,
      }
      %scan3A_272 = arith.constant 16 : i32
      %dma_start3A_273 = arith.constant 2 : i32
      %dma_start3A_274 = arith.constant 0 : i32
      %dma_start3A_275 = arith.constant 0 : i32
      %dma_start3A_276 = tpu.memref_slice %arg7[%dma_start3A_273, %dma_start3A_274, %dma_start3A_275] : memref<8x128x32xf32, #tpu.memory_space<vmem>> -> memref<1x128x32xf32, #tpu.memory_space<vmem>>
      %dma_start3A_277 = tpu.memref_squeeze %dma_start3A_276 : memref<1x128x32xf32, #tpu.memory_space<vmem>> -> memref<128x32xf32, #tpu.memory_space<vmem>>
      %dma_start3A_278 = arith.constant 0 : i32
      %dma_start3A_279 = arith.constant 0 : i32
      %dma_start3A_280 = tpu.memref_slice %arg5[%add3A_237, %add3A, %dma_start3A_278, %dma_start3A_279] : memref<200x32x128x32xf32, #tpu.memory_space<hbm>> -> memref<1x1x128x32xf32, #tpu.memory_space<hbm>>
      %dma_start3A_281 = tpu.memref_squeeze %dma_start3A_280 : memref<1x1x128x32xf32, #tpu.memory_space<hbm>> -> memref<128x32xf32, #tpu.memory_space<hbm>>
      %dma_start3A_282 = arith.constant 0 : i32
      %dma_start3A_283 = arith.constant 0 : i32
      %dma_start3A_284 = tpu.memref_slice %arg5[%add3A_237, %add3A, %dma_start3A_282, %dma_start3A_283] : memref<200x32x128x32xf32, #tpu.memory_space<hbm>> -> memref<1x1x128x32xf32, #tpu.memory_space<hbm>>
      %dma_start3A_285 = tpu.memref_squeeze %dma_start3A_284 : memref<1x1x128x32xf32, #tpu.memory_space<hbm>> -> memref<128x32xf32, #tpu.memory_space<hbm>>
      %dma_start3A_286 = arith.constant 0 : i32
      %dma_start3A_287 = arith.constant 0 : i32
      %dma_start3A_288 = tpu.memref_slice %arg7[%dma_start3A_273, %dma_start3A_286, %dma_start3A_287] : memref<8x128x32xf32, #tpu.memory_space<vmem>> -> memref<1x128x32xf32, #tpu.memory_space<vmem>>
      %dma_start3A_289 = tpu.memref_squeeze %dma_start3A_288 : memref<1x128x32xf32, #tpu.memory_space<vmem>> -> memref<128x32xf32, #tpu.memory_space<vmem>>
      tpu.enqueue_dma source(%dma_start3A_289 : memref<128x32xf32, #tpu.memory_space<vmem>>) target(%dma_start3A_285 : memref<128x32xf32, #tpu.memory_space<hbm>>) target_semaphore(%arg19 : memref<!tpu.dma_semaphore, #tpu.memory_space<semaphore_mem>>)
      %mul3A_290 = arith.constant 8 : i32
      %mul3A_291 = arith.muli %scan3A_126, %mul3A_290 : i32
      %add3A_292 = arith.constant 3 : i32
      %add3A_293 = arith.addi %mul3A_291, %add3A_292 : i32
      %ge3A_294 = arith.constant 4 : i32
      %ge3A_295 = arith.cmpi sge, %add3A_293, %ge3A_294 : i32
      %convert_element_type3A_296 = arith.extui %ge3A_295 : i1 to i32
      %cond3A_297 = arith.constant 0 : i32
      %cond3A_298 = arith.cmpi ne, %convert_element_type3A_296, %cond3A_297 : i32
      scf.if %cond3A_298 {
        %sub3A = arith.constant 4 : i32
        %sub3A_570 = arith.subi %add3A_293, %sub3A : i32
        %dma_wait3A_571 = arith.constant 7 : i32
        %dma_wait3A_572 = arith.constant 0 : i32
        %dma_wait3A_573 = arith.constant 0 : i32
        %dma_wait3A_574 = tpu.memref_slice %arg7[%dma_wait3A_571, %dma_wait3A_572, %dma_wait3A_573] : memref<8x128x32xf32, #tpu.memory_space<vmem>> -> memref<1x128x32xf32, #tpu.memory_space<vmem>>
        %dma_wait3A_575 = tpu.memref_squeeze %dma_wait3A_574 : memref<1x128x32xf32, #tpu.memory_space<vmem>> -> memref<128x32xf32, #tpu.memory_space<vmem>>
        %dma_wait3A_576 = arith.constant 0 : i32
        %dma_wait3A_577 = arith.constant 0 : i32
        %dma_wait3A_578 = tpu.memref_slice %arg5[%sub3A_570, %add3A, %dma_wait3A_576, %dma_wait3A_577] : memref<200x32x128x32xf32, #tpu.memory_space<hbm>> -> memref<1x1x128x32xf32, #tpu.memory_space<hbm>>
        %dma_wait3A_579 = tpu.memref_squeeze %dma_wait3A_578 : memref<1x1x128x32xf32, #tpu.memory_space<hbm>> -> memref<128x32xf32, #tpu.memory_space<hbm>>
        %dma_wait3A_580 = arith.constant 0 : i32
        %dma_wait3A_581 = arith.constant 0 : i32
        %dma_wait3A_582 = tpu.memref_slice %arg5[%sub3A_570, %add3A, %dma_wait3A_580, %dma_wait3A_581] : memref<200x32x128x32xf32, #tpu.memory_space<hbm>> -> memref<1x1x128x32xf32, #tpu.memory_space<hbm>>
        %dma_wait3A_583 = tpu.memref_squeeze %dma_wait3A_582 : memref<1x1x128x32xf32, #tpu.memory_space<hbm>> -> memref<128x32xf32, #tpu.memory_space<hbm>>
        %dma_wait3A_584 = arith.constant 0 : i32
        %dma_wait3A_585 = arith.constant 0 : i32
        %dma_wait3A_586 = tpu.memref_slice %arg7[%dma_wait3A_571, %dma_wait3A_584, %dma_wait3A_585] : memref<8x128x32xf32, #tpu.memory_space<vmem>> -> memref<1x128x32xf32, #tpu.memory_space<vmem>>
        %dma_wait3A_587 = tpu.memref_squeeze %dma_wait3A_586 : memref<1x128x32xf32, #tpu.memory_space<vmem>> -> memref<128x32xf32, #tpu.memory_space<vmem>>
        tpu.wait_dma2 semaphore(%arg24 : memref<!tpu.dma_semaphore, #tpu.memory_space<semaphore_mem>>) src(%dma_wait3A_587 : memref<128x32xf32, #tpu.memory_space<vmem>>) dst(%dma_wait3A_583 : memref<128x32xf32, #tpu.memory_space<hbm>>)
      } else {
      }
      %lt3A_299 = arith.constant 196 : i32
      %lt3A_300 = arith.cmpi slt, %add3A_293, %lt3A_299 : i32
      %convert_element_type3A_301 = arith.extui %lt3A_300 : i1 to i32
      %cond3A_302 = arith.constant 0 : i32
      %cond3A_303 = arith.cmpi ne, %convert_element_type3A_301, %cond3A_302 : i32
      scf.if %cond3A_303 {
        %add3A_570 = arith.constant 4 : i32
        %add3A_571 = arith.addi %add3A_293, %add3A_570 : i32
        %dma_start3A_572 = arith.constant 7 : i32
        %dma_start3A_573 = arith.constant 0 : i32
        %dma_start3A_574 = arith.constant 0 : i32
        %dma_start3A_575 = tpu.memref_slice %arg7[%dma_start3A_572, %dma_start3A_573, %dma_start3A_574] : memref<8x128x32xf32, #tpu.memory_space<vmem>> -> memref<1x128x32xf32, #tpu.memory_space<vmem>>
        %dma_start3A_576 = tpu.memref_squeeze %dma_start3A_575 : memref<1x128x32xf32, #tpu.memory_space<vmem>> -> memref<128x32xf32, #tpu.memory_space<vmem>>
        %dma_start3A_577 = arith.constant 0 : i32
        %dma_start3A_578 = tpu.memref_slice %arg6[%add3A_571, %dma_start3A_577] : memref<200x128xi32, #tpu.memory_space<vmem>> -> memref<1x128xi32, #tpu.memory_space<vmem>>
        %dma_start3A_579 = tpu.memref_squeeze %dma_start3A_578 : memref<1x128xi32, #tpu.memory_space<vmem>> -> memref<128xi32, #tpu.memory_space<vmem>>
        %dma_start3A_580 = arith.constant 0 : i32
        %dma_start3A_581 = arith.constant 0 : i32
        %dma_start3A_582 = tpu.memref_slice %arg3[%dma_start3A_580, %dma_start3A_581] : memref<1000000x32xf32, #tpu.memory_space<hbm>> -> memref<1000000x32xf32, #tpu.memory_space<hbm>>
        tpu.enqueue_indirect_dma source(%dma_start3A_582 : memref<1000000x32xf32, #tpu.memory_space<hbm>>) target(%dma_start3A_576 : memref<128x32xf32, #tpu.memory_space<vmem>>) offsets(%dma_start3A_579 : memref<128xi32, #tpu.memory_space<vmem>>) semaphore(%arg16 : memref<!tpu.dma_semaphore, #tpu.memory_space<semaphore_mem>>)
      } else {
      }
      %dma_wait3A_304 = arith.constant 3 : i32
      %dma_wait3A_305 = arith.constant 0 : i32
      %dma_wait3A_306 = arith.constant 0 : i32
      %dma_wait3A_307 = tpu.memref_slice %arg7[%dma_wait3A_304, %dma_wait3A_305, %dma_wait3A_306] : memref<8x128x32xf32, #tpu.memory_space<vmem>> -> memref<1x128x32xf32, #tpu.memory_space<vmem>>
      %dma_wait3A_308 = tpu.memref_squeeze %dma_wait3A_307 : memref<1x128x32xf32, #tpu.memory_space<vmem>> -> memref<128x32xf32, #tpu.memory_space<vmem>>
      %dma_wait3A_309 = arith.constant 0 : i32
      %dma_wait3A_310 = tpu.memref_slice %arg6[%add3A_293, %dma_wait3A_309] : memref<200x128xi32, #tpu.memory_space<vmem>> -> memref<1x128xi32, #tpu.memory_space<vmem>>
      %dma_wait3A_311 = tpu.memref_squeeze %dma_wait3A_310 : memref<1x128xi32, #tpu.memory_space<vmem>> -> memref<128xi32, #tpu.memory_space<vmem>>
      %dma_wait3A_312 = arith.constant 0 : i32
      %dma_wait3A_313 = arith.constant 0 : i32
      %dma_wait3A_314 = tpu.memref_slice %arg3[%dma_wait3A_312, %dma_wait3A_313] : memref<1000000x32xf32, #tpu.memory_space<hbm>> -> memref<1000000x32xf32, #tpu.memory_space<hbm>>
      tpu.wait_indirect_dma semaphore(%arg12 : memref<!tpu.dma_semaphore, #tpu.memory_space<semaphore_mem>>) src(%dma_wait3A_314 : memref<1000000x32xf32, #tpu.memory_space<hbm>>) dst(%dma_wait3A_308 : memref<128x32xf32, #tpu.memory_space<vmem>>)
      %get3A_315 = arith.index_cast %add3A_293 : i32 to index
      %get3A_316 = arith.constant 0 : index
      %get3A_317 = tpu.vector_load %arg8[%get3A_315, %get3A_316] {strides = array<i32>} : memref<200x32xf32, #tpu.memory_space<vmem>>, vector<1x16xf32>,
      %get3A_318 = vector.shape_cast %get3A_317 : vector<1x16xf32> to vector<16xf32>
      %get3A_319 = arith.index_cast %add3A_293 : i32 to index
      %get3A_320 = arith.constant 16 : index
      %get3A_321 = tpu.vector_load %arg8[%get3A_319, %get3A_320] {strides = array<i32>} : memref<200x32xf32, #tpu.memory_space<vmem>>, vector<1x16xf32>,
      %get3A_322 = vector.shape_cast %get3A_321 : vector<1x16xf32> to vector<16xf32>
      %scan3A_323 = arith.constant 0 : i32
      %scan3A_324 = arith.constant 0 : i32
      %scan3A_325 = arith.constant 16 : i32
      %scan3A_326 = arith.addi %scan3A_324, %scan3A_325 : i32
      %scan3A_327 = arith.constant 1 : i32
      scf.for %scan3A_570 = %scan3A_324 to %scan3A_326 step %scan3A_327  : i32 {
        %mul3A_571 = arith.constant 8 : i32
        %mul3A_572 = arith.muli %scan3A_570, %mul3A_571 : i32
        %add3A_573 = arith.constant 0 : i32
        %add3A_574 = arith.addi %mul3A_572, %add3A_573 : i32
        %swap3A = arith.constant 3 : i32
        %swap3A_575 = arith.index_cast %swap3A : i32 to index
        %swap3A_576 = arith.index_cast %add3A_574 : i32 to index
        %swap3A_577 = arith.constant 0 : index
        %swap3A_578 = tpu.vector_load %arg7[%swap3A_575, %swap3A_576, %swap3A_577] {strides = array<i32>} : memref<8x128x32xf32, #tpu.memory_space<vmem>>, vector<1x1x16xf32>,
        %swap3A_579 = vector.shape_cast %swap3A_578 : vector<1x1x16xf32> to vector<16xf32>
        %swap3A_580 = vector.shape_cast %get3A_318 : vector<16xf32> to vector<1x1x16xf32>
        tpu.vector_store %arg7[%swap3A_575, %swap3A_576, %swap3A_577], %swap3A_580 {add = true, strides = array<i32>} : memref<8x128x32xf32, #tpu.memory_space<vmem>>, vector<1x1x16xf32>,
        %swap3A_581 = arith.constant 3 : i32
        %swap3A_582 = arith.index_cast %swap3A_581 : i32 to index
        %swap3A_583 = arith.index_cast %add3A_574 : i32 to index
        %swap3A_584 = arith.constant 16 : index
        %swap3A_585 = tpu.vector_load %arg7[%swap3A_582, %swap3A_583, %swap3A_584] {strides = array<i32>} : memref<8x128x32xf32, #tpu.memory_space<vmem>>, vector<1x1x16xf32>,
        %swap3A_586 = vector.shape_cast %swap3A_585 : vector<1x1x16xf32> to vector<16xf32>
        %swap3A_587 = vector.shape_cast %get3A_322 : vector<16xf32> to vector<1x1x16xf32>
        tpu.vector_store %arg7[%swap3A_582, %swap3A_583, %swap3A_584], %swap3A_587 {add = true, strides = array<i32>} : memref<8x128x32xf32, #tpu.memory_space<vmem>>, vector<1x1x16xf32>,
        %mul3A_588 = arith.constant 8 : i32
        %mul3A_589 = arith.muli %scan3A_570, %mul3A_588 : i32
        %add3A_590 = arith.constant 1 : i32
        %add3A_591 = arith.addi %mul3A_589, %add3A_590 : i32
        %swap3A_592 = arith.constant 3 : i32
        %swap3A_593 = arith.index_cast %swap3A_592 : i32 to index
        %swap3A_594 = arith.index_cast %add3A_591 : i32 to index
        %swap3A_595 = arith.constant 0 : index
        %swap3A_596 = tpu.vector_load %arg7[%swap3A_593, %swap3A_594, %swap3A_595] {strides = array<i32>} : memref<8x128x32xf32, #tpu.memory_space<vmem>>, vector<1x1x16xf32>,
        %swap3A_597 = vector.shape_cast %swap3A_596 : vector<1x1x16xf32> to vector<16xf32>
        %swap3A_598 = vector.shape_cast %get3A_318 : vector<16xf32> to vector<1x1x16xf32>
        tpu.vector_store %arg7[%swap3A_593, %swap3A_594, %swap3A_595], %swap3A_598 {add = true, strides = array<i32>} : memref<8x128x32xf32, #tpu.memory_space<vmem>>, vector<1x1x16xf32>,
        %swap3A_599 = arith.constant 3 : i32
        %swap3A_600 = arith.index_cast %swap3A_599 : i32 to index
        %swap3A_601 = arith.index_cast %add3A_591 : i32 to index
        %swap3A_602 = arith.constant 16 : index
        %swap3A_603 = tpu.vector_load %arg7[%swap3A_600, %swap3A_601, %swap3A_602] {strides = array<i32>} : memref<8x128x32xf32, #tpu.memory_space<vmem>>, vector<1x1x16xf32>,
        %swap3A_604 = vector.shape_cast %swap3A_603 : vector<1x1x16xf32> to vector<16xf32>
        %swap3A_605 = vector.shape_cast %get3A_322 : vector<16xf32> to vector<1x1x16xf32>
        tpu.vector_store %arg7[%swap3A_600, %swap3A_601, %swap3A_602], %swap3A_605 {add = true, strides = array<i32>} : memref<8x128x32xf32, #tpu.memory_space<vmem>>, vector<1x1x16xf32>,
        %mul3A_606 = arith.constant 8 : i32
        %mul3A_607 = arith.muli %scan3A_570, %mul3A_606 : i32
        %add3A_608 = arith.constant 2 : i32
        %add3A_609 = arith.addi %mul3A_607, %add3A_608 : i32
        %swap3A_610 = arith.constant 3 : i32
        %swap3A_611 = arith.index_cast %swap3A_610 : i32 to index
        %swap3A_612 = arith.index_cast %add3A_609 : i32 to index
        %swap3A_613 = arith.constant 0 : index
        %swap3A_614 = tpu.vector_load %arg7[%swap3A_611, %swap3A_612, %swap3A_613] {strides = array<i32>} : memref<8x128x32xf32, #tpu.memory_space<vmem>>, vector<1x1x16xf32>,
        %swap3A_615 = vector.shape_cast %swap3A_614 : vector<1x1x16xf32> to vector<16xf32>
        %swap3A_616 = vector.shape_cast %get3A_318 : vector<16xf32> to vector<1x1x16xf32>
        tpu.vector_store %arg7[%swap3A_611, %swap3A_612, %swap3A_613], %swap3A_616 {add = true, strides = array<i32>} : memref<8x128x32xf32, #tpu.memory_space<vmem>>, vector<1x1x16xf32>,
        %swap3A_617 = arith.constant 3 : i32
        %swap3A_618 = arith.index_cast %swap3A_617 : i32 to index
        %swap3A_619 = arith.index_cast %add3A_609 : i32 to index
        %swap3A_620 = arith.constant 16 : index
        %swap3A_621 = tpu.vector_load %arg7[%swap3A_618, %swap3A_619, %swap3A_620] {strides = array<i32>} : memref<8x128x32xf32, #tpu.memory_space<vmem>>, vector<1x1x16xf32>,
        %swap3A_622 = vector.shape_cast %swap3A_621 : vector<1x1x16xf32> to vector<16xf32>
        %swap3A_623 = vector.shape_cast %get3A_322 : vector<16xf32> to vector<1x1x16xf32>
        tpu.vector_store %arg7[%swap3A_618, %swap3A_619, %swap3A_620], %swap3A_623 {add = true, strides = array<i32>} : memref<8x128x32xf32, #tpu.memory_space<vmem>>, vector<1x1x16xf32>,
        %mul3A_624 = arith.constant 8 : i32
        %mul3A_625 = arith.muli %scan3A_570, %mul3A_624 : i32
        %add3A_626 = arith.constant 3 : i32
        %add3A_627 = arith.addi %mul3A_625, %add3A_626 : i32
        %swap3A_628 = arith.constant 3 : i32
        %swap3A_629 = arith.index_cast %swap3A_628 : i32 to index
        %swap3A_630 = arith.index_cast %add3A_627 : i32 to index
        %swap3A_631 = arith.constant 0 : index
        %swap3A_632 = tpu.vector_load %arg7[%swap3A_629, %swap3A_630, %swap3A_631] {strides = array<i32>} : memref<8x128x32xf32, #tpu.memory_space<vmem>>, vector<1x1x16xf32>,
        %swap3A_633 = vector.shape_cast %swap3A_632 : vector<1x1x16xf32> to vector<16xf32>
        %swap3A_634 = vector.shape_cast %get3A_318 : vector<16xf32> to vector<1x1x16xf32>
        tpu.vector_store %arg7[%swap3A_629, %swap3A_630, %swap3A_631], %swap3A_634 {add = true, strides = array<i32>} : memref<8x128x32xf32, #tpu.memory_space<vmem>>, vector<1x1x16xf32>,
        %swap3A_635 = arith.constant 3 : i32
        %swap3A_636 = arith.index_cast %swap3A_635 : i32 to index
        %swap3A_637 = arith.index_cast %add3A_627 : i32 to index
        %swap3A_638 = arith.constant 16 : index
        %swap3A_639 = tpu.vector_load %arg7[%swap3A_636, %swap3A_637, %swap3A_638] {strides = array<i32>} : memref<8x128x32xf32, #tpu.memory_space<vmem>>, vector<1x1x16xf32>,
        %swap3A_640 = vector.shape_cast %swap3A_639 : vector<1x1x16xf32> to vector<16xf32>
        %swap3A_641 = vector.shape_cast %get3A_322 : vector<16xf32> to vector<1x1x16xf32>
        tpu.vector_store %arg7[%swap3A_636, %swap3A_637, %swap3A_638], %swap3A_641 {add = true, strides = array<i32>} : memref<8x128x32xf32, #tpu.memory_space<vmem>>, vector<1x1x16xf32>,
        %mul3A_642 = arith.constant 8 : i32
        %mul3A_643 = arith.muli %scan3A_570, %mul3A_642 : i32
        %add3A_644 = arith.constant 4 : i32
        %add3A_645 = arith.addi %mul3A_643, %add3A_644 : i32
        %swap3A_646 = arith.constant 3 : i32
        %swap3A_647 = arith.index_cast %swap3A_646 : i32 to index
        %swap3A_648 = arith.index_cast %add3A_645 : i32 to index
        %swap3A_649 = arith.constant 0 : index
        %swap3A_650 = tpu.vector_load %arg7[%swap3A_647, %swap3A_648, %swap3A_649] {strides = array<i32>} : memref<8x128x32xf32, #tpu.memory_space<vmem>>, vector<1x1x16xf32>,
        %swap3A_651 = vector.shape_cast %swap3A_650 : vector<1x1x16xf32> to vector<16xf32>
        %swap3A_652 = vector.shape_cast %get3A_318 : vector<16xf32> to vector<1x1x16xf32>
        tpu.vector_store %arg7[%swap3A_647, %swap3A_648, %swap3A_649], %swap3A_652 {add = true, strides = array<i32>} : memref<8x128x32xf32, #tpu.memory_space<vmem>>, vector<1x1x16xf32>,
        %swap3A_653 = arith.constant 3 : i32
        %swap3A_654 = arith.index_cast %swap3A_653 : i32 to index
        %swap3A_655 = arith.index_cast %add3A_645 : i32 to index
        %swap3A_656 = arith.constant 16 : index
        %swap3A_657 = tpu.vector_load %arg7[%swap3A_654, %swap3A_655, %swap3A_656] {strides = array<i32>} : memref<8x128x32xf32, #tpu.memory_space<vmem>>, vector<1x1x16xf32>,
        %swap3A_658 = vector.shape_cast %swap3A_657 : vector<1x1x16xf32> to vector<16xf32>
        %swap3A_659 = vector.shape_cast %get3A_322 : vector<16xf32> to vector<1x1x16xf32>
        tpu.vector_store %arg7[%swap3A_654, %swap3A_655, %swap3A_656], %swap3A_659 {add = true, strides = array<i32>} : memref<8x128x32xf32, #tpu.memory_space<vmem>>, vector<1x1x16xf32>,
        %mul3A_660 = arith.constant 8 : i32
        %mul3A_661 = arith.muli %scan3A_570, %mul3A_660 : i32
        %add3A_662 = arith.constant 5 : i32
        %add3A_663 = arith.addi %mul3A_661, %add3A_662 : i32
        %swap3A_664 = arith.constant 3 : i32
        %swap3A_665 = arith.index_cast %swap3A_664 : i32 to index
        %swap3A_666 = arith.index_cast %add3A_663 : i32 to index
        %swap3A_667 = arith.constant 0 : index
        %swap3A_668 = tpu.vector_load %arg7[%swap3A_665, %swap3A_666, %swap3A_667] {strides = array<i32>} : memref<8x128x32xf32, #tpu.memory_space<vmem>>, vector<1x1x16xf32>,
        %swap3A_669 = vector.shape_cast %swap3A_668 : vector<1x1x16xf32> to vector<16xf32>
        %swap3A_670 = vector.shape_cast %get3A_318 : vector<16xf32> to vector<1x1x16xf32>
        tpu.vector_store %arg7[%swap3A_665, %swap3A_666, %swap3A_667], %swap3A_670 {add = true, strides = array<i32>} : memref<8x128x32xf32, #tpu.memory_space<vmem>>, vector<1x1x16xf32>,
        %swap3A_671 = arith.constant 3 : i32
        %swap3A_672 = arith.index_cast %swap3A_671 : i32 to index
        %swap3A_673 = arith.index_cast %add3A_663 : i32 to index
        %swap3A_674 = arith.constant 16 : index
        %swap3A_675 = tpu.vector_load %arg7[%swap3A_672, %swap3A_673, %swap3A_674] {strides = array<i32>} : memref<8x128x32xf32, #tpu.memory_space<vmem>>, vector<1x1x16xf32>,
        %swap3A_676 = vector.shape_cast %swap3A_675 : vector<1x1x16xf32> to vector<16xf32>
        %swap3A_677 = vector.shape_cast %get3A_322 : vector<16xf32> to vector<1x1x16xf32>
        tpu.vector_store %arg7[%swap3A_672, %swap3A_673, %swap3A_674], %swap3A_677 {add = true, strides = array<i32>} : memref<8x128x32xf32, #tpu.memory_space<vmem>>, vector<1x1x16xf32>,
        %mul3A_678 = arith.constant 8 : i32
        %mul3A_679 = arith.muli %scan3A_570, %mul3A_678 : i32
        %add3A_680 = arith.constant 6 : i32
        %add3A_681 = arith.addi %mul3A_679, %add3A_680 : i32
        %swap3A_682 = arith.constant 3 : i32
        %swap3A_683 = arith.index_cast %swap3A_682 : i32 to index
        %swap3A_684 = arith.index_cast %add3A_681 : i32 to index
        %swap3A_685 = arith.constant 0 : index
        %swap3A_686 = tpu.vector_load %arg7[%swap3A_683, %swap3A_684, %swap3A_685] {strides = array<i32>} : memref<8x128x32xf32, #tpu.memory_space<vmem>>, vector<1x1x16xf32>,
        %swap3A_687 = vector.shape_cast %swap3A_686 : vector<1x1x16xf32> to vector<16xf32>
        %swap3A_688 = vector.shape_cast %get3A_318 : vector<16xf32> to vector<1x1x16xf32>
        tpu.vector_store %arg7[%swap3A_683, %swap3A_684, %swap3A_685], %swap3A_688 {add = true, strides = array<i32>} : memref<8x128x32xf32, #tpu.memory_space<vmem>>, vector<1x1x16xf32>,
        %swap3A_689 = arith.constant 3 : i32
        %swap3A_690 = arith.index_cast %swap3A_689 : i32 to index
        %swap3A_691 = arith.index_cast %add3A_681 : i32 to index
        %swap3A_692 = arith.constant 16 : index
        %swap3A_693 = tpu.vector_load %arg7[%swap3A_690, %swap3A_691, %swap3A_692] {strides = array<i32>} : memref<8x128x32xf32, #tpu.memory_space<vmem>>, vector<1x1x16xf32>,
        %swap3A_694 = vector.shape_cast %swap3A_693 : vector<1x1x16xf32> to vector<16xf32>
        %swap3A_695 = vector.shape_cast %get3A_322 : vector<16xf32> to vector<1x1x16xf32>
        tpu.vector_store %arg7[%swap3A_690, %swap3A_691, %swap3A_692], %swap3A_695 {add = true, strides = array<i32>} : memref<8x128x32xf32, #tpu.memory_space<vmem>>, vector<1x1x16xf32>,
        %mul3A_696 = arith.constant 8 : i32
        %mul3A_697 = arith.muli %scan3A_570, %mul3A_696 : i32
        %add3A_698 = arith.constant 7 : i32
        %add3A_699 = arith.addi %mul3A_697, %add3A_698 : i32
        %swap3A_700 = arith.constant 3 : i32
        %swap3A_701 = arith.index_cast %swap3A_700 : i32 to index
        %swap3A_702 = arith.index_cast %add3A_699 : i32 to index
        %swap3A_703 = arith.constant 0 : index
        %swap3A_704 = tpu.vector_load %arg7[%swap3A_701, %swap3A_702, %swap3A_703] {strides = array<i32>} : memref<8x128x32xf32, #tpu.memory_space<vmem>>, vector<1x1x16xf32>,
        %swap3A_705 = vector.shape_cast %swap3A_704 : vector<1x1x16xf32> to vector<16xf32>
        %swap3A_706 = vector.shape_cast %get3A_318 : vector<16xf32> to vector<1x1x16xf32>
        tpu.vector_store %arg7[%swap3A_701, %swap3A_702, %swap3A_703], %swap3A_706 {add = true, strides = array<i32>} : memref<8x128x32xf32, #tpu.memory_space<vmem>>, vector<1x1x16xf32>,
        %swap3A_707 = arith.constant 3 : i32
        %swap3A_708 = arith.index_cast %swap3A_707 : i32 to index
        %swap3A_709 = arith.index_cast %add3A_699 : i32 to index
        %swap3A_710 = arith.constant 16 : index
        %swap3A_711 = tpu.vector_load %arg7[%swap3A_708, %swap3A_709, %swap3A_710] {strides = array<i32>} : memref<8x128x32xf32, #tpu.memory_space<vmem>>, vector<1x1x16xf32>,
        %swap3A_712 = vector.shape_cast %swap3A_711 : vector<1x1x16xf32> to vector<16xf32>
        %swap3A_713 = vector.shape_cast %get3A_322 : vector<16xf32> to vector<1x1x16xf32>
        tpu.vector_store %arg7[%swap3A_708, %swap3A_709, %swap3A_710], %swap3A_713 {add = true, strides = array<i32>} : memref<8x128x32xf32, #tpu.memory_space<vmem>>, vector<1x1x16xf32>,
      }
      %scan3A_328 = arith.constant 16 : i32
      %dma_start3A_329 = arith.constant 3 : i32
      %dma_start3A_330 = arith.constant 0 : i32
      %dma_start3A_331 = arith.constant 0 : i32
      %dma_start3A_332 = tpu.memref_slice %arg7[%dma_start3A_329, %dma_start3A_330, %dma_start3A_331] : memref<8x128x32xf32, #tpu.memory_space<vmem>> -> memref<1x128x32xf32, #tpu.memory_space<vmem>>
      %dma_start3A_333 = tpu.memref_squeeze %dma_start3A_332 : memref<1x128x32xf32, #tpu.memory_space<vmem>> -> memref<128x32xf32, #tpu.memory_space<vmem>>
      %dma_start3A_334 = arith.constant 0 : i32
      %dma_start3A_335 = arith.constant 0 : i32
      %dma_start3A_336 = tpu.memref_slice %arg5[%add3A_293, %add3A, %dma_start3A_334, %dma_start3A_335] : memref<200x32x128x32xf32, #tpu.memory_space<hbm>> -> memref<1x1x128x32xf32, #tpu.memory_space<hbm>>
      %dma_start3A_337 = tpu.memref_squeeze %dma_start3A_336 : memref<1x1x128x32xf32, #tpu.memory_space<hbm>> -> memref<128x32xf32, #tpu.memory_space<hbm>>
      %dma_start3A_338 = arith.constant 0 : i32
      %dma_start3A_339 = arith.constant 0 : i32
      %dma_start3A_340 = tpu.memref_slice %arg5[%add3A_293, %add3A, %dma_start3A_338, %dma_start3A_339] : memref<200x32x128x32xf32, #tpu.memory_space<hbm>> -> memref<1x1x128x32xf32, #tpu.memory_space<hbm>>
      %dma_start3A_341 = tpu.memref_squeeze %dma_start3A_340 : memref<1x1x128x32xf32, #tpu.memory_space<hbm>> -> memref<128x32xf32, #tpu.memory_space<hbm>>
      %dma_start3A_342 = arith.constant 0 : i32
      %dma_start3A_343 = arith.constant 0 : i32
      %dma_start3A_344 = tpu.memref_slice %arg7[%dma_start3A_329, %dma_start3A_342, %dma_start3A_343] : memref<8x128x32xf32, #tpu.memory_space<vmem>> -> memref<1x128x32xf32, #tpu.memory_space<vmem>>
      %dma_start3A_345 = tpu.memref_squeeze %dma_start3A_344 : memref<1x128x32xf32, #tpu.memory_space<vmem>> -> memref<128x32xf32, #tpu.memory_space<vmem>>
      tpu.enqueue_dma source(%dma_start3A_345 : memref<128x32xf32, #tpu.memory_space<vmem>>) target(%dma_start3A_341 : memref<128x32xf32, #tpu.memory_space<hbm>>) target_semaphore(%arg20 : memref<!tpu.dma_semaphore, #tpu.memory_space<semaphore_mem>>)
      %mul3A_346 = arith.constant 8 : i32
      %mul3A_347 = arith.muli %scan3A_126, %mul3A_346 : i32
      %add3A_348 = arith.constant 4 : i32
      %add3A_349 = arith.addi %mul3A_347, %add3A_348 : i32
      %ge3A_350 = arith.constant 4 : i32
      %ge3A_351 = arith.cmpi sge, %add3A_349, %ge3A_350 : i32
      %convert_element_type3A_352 = arith.extui %ge3A_351 : i1 to i32
      %cond3A_353 = arith.constant 0 : i32
      %cond3A_354 = arith.cmpi ne, %convert_element_type3A_352, %cond3A_353 : i32
      scf.if %cond3A_354 {
        %sub3A = arith.constant 4 : i32
        %sub3A_570 = arith.subi %add3A_349, %sub3A : i32
        %dma_wait3A_571 = arith.constant 0 : i32
        %dma_wait3A_572 = arith.constant 0 : i32
        %dma_wait3A_573 = arith.constant 0 : i32
        %dma_wait3A_574 = tpu.memref_slice %arg7[%dma_wait3A_571, %dma_wait3A_572, %dma_wait3A_573] : memref<8x128x32xf32, #tpu.memory_space<vmem>> -> memref<1x128x32xf32, #tpu.memory_space<vmem>>
        %dma_wait3A_575 = tpu.memref_squeeze %dma_wait3A_574 : memref<1x128x32xf32, #tpu.memory_space<vmem>> -> memref<128x32xf32, #tpu.memory_space<vmem>>
        %dma_wait3A_576 = arith.constant 0 : i32
        %dma_wait3A_577 = arith.constant 0 : i32
        %dma_wait3A_578 = tpu.memref_slice %arg5[%sub3A_570, %add3A, %dma_wait3A_576, %dma_wait3A_577] : memref<200x32x128x32xf32, #tpu.memory_space<hbm>> -> memref<1x1x128x32xf32, #tpu.memory_space<hbm>>
        %dma_wait3A_579 = tpu.memref_squeeze %dma_wait3A_578 : memref<1x1x128x32xf32, #tpu.memory_space<hbm>> -> memref<128x32xf32, #tpu.memory_space<hbm>>
        %dma_wait3A_580 = arith.constant 0 : i32
        %dma_wait3A_581 = arith.constant 0 : i32
        %dma_wait3A_582 = tpu.memref_slice %arg5[%sub3A_570, %add3A, %dma_wait3A_580, %dma_wait3A_581] : memref<200x32x128x32xf32, #tpu.memory_space<hbm>> -> memref<1x1x128x32xf32, #tpu.memory_space<hbm>>
        %dma_wait3A_583 = tpu.memref_squeeze %dma_wait3A_582 : memref<1x1x128x32xf32, #tpu.memory_space<hbm>> -> memref<128x32xf32, #tpu.memory_space<hbm>>
        %dma_wait3A_584 = arith.constant 0 : i32
        %dma_wait3A_585 = arith.constant 0 : i32
        %dma_wait3A_586 = tpu.memref_slice %arg7[%dma_wait3A_571, %dma_wait3A_584, %dma_wait3A_585] : memref<8x128x32xf32, #tpu.memory_space<vmem>> -> memref<1x128x32xf32, #tpu.memory_space<vmem>>
        %dma_wait3A_587 = tpu.memref_squeeze %dma_wait3A_586 : memref<1x128x32xf32, #tpu.memory_space<vmem>> -> memref<128x32xf32, #tpu.memory_space<vmem>>
        tpu.wait_dma2 semaphore(%arg17 : memref<!tpu.dma_semaphore, #tpu.memory_space<semaphore_mem>>) src(%dma_wait3A_587 : memref<128x32xf32, #tpu.memory_space<vmem>>) dst(%dma_wait3A_583 : memref<128x32xf32, #tpu.memory_space<hbm>>)
      } else {
      }
      %lt3A_355 = arith.constant 196 : i32
      %lt3A_356 = arith.cmpi slt, %add3A_349, %lt3A_355 : i32
      %convert_element_type3A_357 = arith.extui %lt3A_356 : i1 to i32
      %cond3A_358 = arith.constant 0 : i32
      %cond3A_359 = arith.cmpi ne, %convert_element_type3A_357, %cond3A_358 : i32
      scf.if %cond3A_359 {
        %add3A_570 = arith.constant 4 : i32
        %add3A_571 = arith.addi %add3A_349, %add3A_570 : i32
        %dma_start3A_572 = arith.constant 0 : i32
        %dma_start3A_573 = arith.constant 0 : i32
        %dma_start3A_574 = arith.constant 0 : i32
        %dma_start3A_575 = tpu.memref_slice %arg7[%dma_start3A_572, %dma_start3A_573, %dma_start3A_574] : memref<8x128x32xf32, #tpu.memory_space<vmem>> -> memref<1x128x32xf32, #tpu.memory_space<vmem>>
        %dma_start3A_576 = tpu.memref_squeeze %dma_start3A_575 : memref<1x128x32xf32, #tpu.memory_space<vmem>> -> memref<128x32xf32, #tpu.memory_space<vmem>>
        %dma_start3A_577 = arith.constant 0 : i32
        %dma_start3A_578 = tpu.memref_slice %arg6[%add3A_571, %dma_start3A_577] : memref<200x128xi32, #tpu.memory_space<vmem>> -> memref<1x128xi32, #tpu.memory_space<vmem>>
        %dma_start3A_579 = tpu.memref_squeeze %dma_start3A_578 : memref<1x128xi32, #tpu.memory_space<vmem>> -> memref<128xi32, #tpu.memory_space<vmem>>
        %dma_start3A_580 = arith.constant 0 : i32
        %dma_start3A_581 = arith.constant 0 : i32
        %dma_start3A_582 = tpu.memref_slice %arg3[%dma_start3A_580, %dma_start3A_581] : memref<1000000x32xf32, #tpu.memory_space<hbm>> -> memref<1000000x32xf32, #tpu.memory_space<hbm>>
        tpu.enqueue_indirect_dma source(%dma_start3A_582 : memref<1000000x32xf32, #tpu.memory_space<hbm>>) target(%dma_start3A_576 : memref<128x32xf32, #tpu.memory_space<vmem>>) offsets(%dma_start3A_579 : memref<128xi32, #tpu.memory_space<vmem>>) semaphore(%arg9 : memref<!tpu.dma_semaphore, #tpu.memory_space<semaphore_mem>>)
      } else {
      }
      %dma_wait3A_360 = arith.constant 4 : i32
      %dma_wait3A_361 = arith.constant 0 : i32
      %dma_wait3A_362 = arith.constant 0 : i32
      %dma_wait3A_363 = tpu.memref_slice %arg7[%dma_wait3A_360, %dma_wait3A_361, %dma_wait3A_362] : memref<8x128x32xf32, #tpu.memory_space<vmem>> -> memref<1x128x32xf32, #tpu.memory_space<vmem>>
      %dma_wait3A_364 = tpu.memref_squeeze %dma_wait3A_363 : memref<1x128x32xf32, #tpu.memory_space<vmem>> -> memref<128x32xf32, #tpu.memory_space<vmem>>
      %dma_wait3A_365 = arith.constant 0 : i32
      %dma_wait3A_366 = tpu.memref_slice %arg6[%add3A_349, %dma_wait3A_365] : memref<200x128xi32, #tpu.memory_space<vmem>> -> memref<1x128xi32, #tpu.memory_space<vmem>>
      %dma_wait3A_367 = tpu.memref_squeeze %dma_wait3A_366 : memref<1x128xi32, #tpu.memory_space<vmem>> -> memref<128xi32, #tpu.memory_space<vmem>>
      %dma_wait3A_368 = arith.constant 0 : i32
      %dma_wait3A_369 = arith.constant 0 : i32
      %dma_wait3A_370 = tpu.memref_slice %arg3[%dma_wait3A_368, %dma_wait3A_369] : memref<1000000x32xf32, #tpu.memory_space<hbm>> -> memref<1000000x32xf32, #tpu.memory_space<hbm>>
      tpu.wait_indirect_dma semaphore(%arg13 : memref<!tpu.dma_semaphore, #tpu.memory_space<semaphore_mem>>) src(%dma_wait3A_370 : memref<1000000x32xf32, #tpu.memory_space<hbm>>) dst(%dma_wait3A_364 : memref<128x32xf32, #tpu.memory_space<vmem>>)
      %get3A_371 = arith.index_cast %add3A_349 : i32 to index
      %get3A_372 = arith.constant 0 : index
      %get3A_373 = tpu.vector_load %arg8[%get3A_371, %get3A_372] {strides = array<i32>} : memref<200x32xf32, #tpu.memory_space<vmem>>, vector<1x16xf32>,
      %get3A_374 = vector.shape_cast %get3A_373 : vector<1x16xf32> to vector<16xf32>
      %get3A_375 = arith.index_cast %add3A_349 : i32 to index
      %get3A_376 = arith.constant 16 : index
      %get3A_377 = tpu.vector_load %arg8[%get3A_375, %get3A_376] {strides = array<i32>} : memref<200x32xf32, #tpu.memory_space<vmem>>, vector<1x16xf32>,
      %get3A_378 = vector.shape_cast %get3A_377 : vector<1x16xf32> to vector<16xf32>
      %scan3A_379 = arith.constant 0 : i32
      %scan3A_380 = arith.constant 0 : i32
      %scan3A_381 = arith.constant 16 : i32
      %scan3A_382 = arith.addi %scan3A_380, %scan3A_381 : i32
      %scan3A_383 = arith.constant 1 : i32
      scf.for %scan3A_570 = %scan3A_380 to %scan3A_382 step %scan3A_383  : i32 {
        %mul3A_571 = arith.constant 8 : i32
        %mul3A_572 = arith.muli %scan3A_570, %mul3A_571 : i32
        %add3A_573 = arith.constant 0 : i32
        %add3A_574 = arith.addi %mul3A_572, %add3A_573 : i32
        %swap3A = arith.constant 4 : i32
        %swap3A_575 = arith.index_cast %swap3A : i32 to index
        %swap3A_576 = arith.index_cast %add3A_574 : i32 to index
        %swap3A_577 = arith.constant 0 : index
        %swap3A_578 = tpu.vector_load %arg7[%swap3A_575, %swap3A_576, %swap3A_577] {strides = array<i32>} : memref<8x128x32xf32, #tpu.memory_space<vmem>>, vector<1x1x16xf32>,
        %swap3A_579 = vector.shape_cast %swap3A_578 : vector<1x1x16xf32> to vector<16xf32>
        %swap3A_580 = vector.shape_cast %get3A_374 : vector<16xf32> to vector<1x1x16xf32>
        tpu.vector_store %arg7[%swap3A_575, %swap3A_576, %swap3A_577], %swap3A_580 {add = true, strides = array<i32>} : memref<8x128x32xf32, #tpu.memory_space<vmem>>, vector<1x1x16xf32>,
        %swap3A_581 = arith.constant 4 : i32
        %swap3A_582 = arith.index_cast %swap3A_581 : i32 to index
        %swap3A_583 = arith.index_cast %add3A_574 : i32 to index
        %swap3A_584 = arith.constant 16 : index
        %swap3A_585 = tpu.vector_load %arg7[%swap3A_582, %swap3A_583, %swap3A_584] {strides = array<i32>} : memref<8x128x32xf32, #tpu.memory_space<vmem>>, vector<1x1x16xf32>,
        %swap3A_586 = vector.shape_cast %swap3A_585 : vector<1x1x16xf32> to vector<16xf32>
        %swap3A_587 = vector.shape_cast %get3A_378 : vector<16xf32> to vector<1x1x16xf32>
        tpu.vector_store %arg7[%swap3A_582, %swap3A_583, %swap3A_584], %swap3A_587 {add = true, strides = array<i32>} : memref<8x128x32xf32, #tpu.memory_space<vmem>>, vector<1x1x16xf32>,
        %mul3A_588 = arith.constant 8 : i32
        %mul3A_589 = arith.muli %scan3A_570, %mul3A_588 : i32
        %add3A_590 = arith.constant 1 : i32
        %add3A_591 = arith.addi %mul3A_589, %add3A_590 : i32
        %swap3A_592 = arith.constant 4 : i32
        %swap3A_593 = arith.index_cast %swap3A_592 : i32 to index
        %swap3A_594 = arith.index_cast %add3A_591 : i32 to index
        %swap3A_595 = arith.constant 0 : index
        %swap3A_596 = tpu.vector_load %arg7[%swap3A_593, %swap3A_594, %swap3A_595] {strides = array<i32>} : memref<8x128x32xf32, #tpu.memory_space<vmem>>, vector<1x1x16xf32>,
        %swap3A_597 = vector.shape_cast %swap3A_596 : vector<1x1x16xf32> to vector<16xf32>
        %swap3A_598 = vector.shape_cast %get3A_374 : vector<16xf32> to vector<1x1x16xf32>
        tpu.vector_store %arg7[%swap3A_593, %swap3A_594, %swap3A_595], %swap3A_598 {add = true, strides = array<i32>} : memref<8x128x32xf32, #tpu.memory_space<vmem>>, vector<1x1x16xf32>,
        %swap3A_599 = arith.constant 4 : i32
        %swap3A_600 = arith.index_cast %swap3A_599 : i32 to index
        %swap3A_601 = arith.index_cast %add3A_591 : i32 to index
        %swap3A_602 = arith.constant 16 : index
        %swap3A_603 = tpu.vector_load %arg7[%swap3A_600, %swap3A_601, %swap3A_602] {strides = array<i32>} : memref<8x128x32xf32, #tpu.memory_space<vmem>>, vector<1x1x16xf32>,
        %swap3A_604 = vector.shape_cast %swap3A_603 : vector<1x1x16xf32> to vector<16xf32>
        %swap3A_605 = vector.shape_cast %get3A_378 : vector<16xf32> to vector<1x1x16xf32>
        tpu.vector_store %arg7[%swap3A_600, %swap3A_601, %swap3A_602], %swap3A_605 {add = true, strides = array<i32>} : memref<8x128x32xf32, #tpu.memory_space<vmem>>, vector<1x1x16xf32>,
        %mul3A_606 = arith.constant 8 : i32
        %mul3A_607 = arith.muli %scan3A_570, %mul3A_606 : i32
        %add3A_608 = arith.constant 2 : i32
        %add3A_609 = arith.addi %mul3A_607, %add3A_608 : i32
        %swap3A_610 = arith.constant 4 : i32
        %swap3A_611 = arith.index_cast %swap3A_610 : i32 to index
        %swap3A_612 = arith.index_cast %add3A_609 : i32 to index
        %swap3A_613 = arith.constant 0 : index
        %swap3A_614 = tpu.vector_load %arg7[%swap3A_611, %swap3A_612, %swap3A_613] {strides = array<i32>} : memref<8x128x32xf32, #tpu.memory_space<vmem>>, vector<1x1x16xf32>,
        %swap3A_615 = vector.shape_cast %swap3A_614 : vector<1x1x16xf32> to vector<16xf32>
        %swap3A_616 = vector.shape_cast %get3A_374 : vector<16xf32> to vector<1x1x16xf32>
        tpu.vector_store %arg7[%swap3A_611, %swap3A_612, %swap3A_613], %swap3A_616 {add = true, strides = array<i32>} : memref<8x128x32xf32, #tpu.memory_space<vmem>>, vector<1x1x16xf32>,
        %swap3A_617 = arith.constant 4 : i32
        %swap3A_618 = arith.index_cast %swap3A_617 : i32 to index
        %swap3A_619 = arith.index_cast %add3A_609 : i32 to index
        %swap3A_620 = arith.constant 16 : index
        %swap3A_621 = tpu.vector_load %arg7[%swap3A_618, %swap3A_619, %swap3A_620] {strides = array<i32>} : memref<8x128x32xf32, #tpu.memory_space<vmem>>, vector<1x1x16xf32>,
        %swap3A_622 = vector.shape_cast %swap3A_621 : vector<1x1x16xf32> to vector<16xf32>
        %swap3A_623 = vector.shape_cast %get3A_378 : vector<16xf32> to vector<1x1x16xf32>
        tpu.vector_store %arg7[%swap3A_618, %swap3A_619, %swap3A_620], %swap3A_623 {add = true, strides = array<i32>} : memref<8x128x32xf32, #tpu.memory_space<vmem>>, vector<1x1x16xf32>,
        %mul3A_624 = arith.constant 8 : i32
        %mul3A_625 = arith.muli %scan3A_570, %mul3A_624 : i32
        %add3A_626 = arith.constant 3 : i32
        %add3A_627 = arith.addi %mul3A_625, %add3A_626 : i32
        %swap3A_628 = arith.constant 4 : i32
        %swap3A_629 = arith.index_cast %swap3A_628 : i32 to index
        %swap3A_630 = arith.index_cast %add3A_627 : i32 to index
        %swap3A_631 = arith.constant 0 : index
        %swap3A_632 = tpu.vector_load %arg7[%swap3A_629, %swap3A_630, %swap3A_631] {strides = array<i32>} : memref<8x128x32xf32, #tpu.memory_space<vmem>>, vector<1x1x16xf32>,
        %swap3A_633 = vector.shape_cast %swap3A_632 : vector<1x1x16xf32> to vector<16xf32>
        %swap3A_634 = vector.shape_cast %get3A_374 : vector<16xf32> to vector<1x1x16xf32>
        tpu.vector_store %arg7[%swap3A_629, %swap3A_630, %swap3A_631], %swap3A_634 {add = true, strides = array<i32>} : memref<8x128x32xf32, #tpu.memory_space<vmem>>, vector<1x1x16xf32>,
        %swap3A_635 = arith.constant 4 : i32
        %swap3A_636 = arith.index_cast %swap3A_635 : i32 to index
        %swap3A_637 = arith.index_cast %add3A_627 : i32 to index
        %swap3A_638 = arith.constant 16 : index
        %swap3A_639 = tpu.vector_load %arg7[%swap3A_636, %swap3A_637, %swap3A_638] {strides = array<i32>} : memref<8x128x32xf32, #tpu.memory_space<vmem>>, vector<1x1x16xf32>,
        %swap3A_640 = vector.shape_cast %swap3A_639 : vector<1x1x16xf32> to vector<16xf32>
        %swap3A_641 = vector.shape_cast %get3A_378 : vector<16xf32> to vector<1x1x16xf32>
        tpu.vector_store %arg7[%swap3A_636, %swap3A_637, %swap3A_638], %swap3A_641 {add = true, strides = array<i32>} : memref<8x128x32xf32, #tpu.memory_space<vmem>>, vector<1x1x16xf32>,
        %mul3A_642 = arith.constant 8 : i32
        %mul3A_643 = arith.muli %scan3A_570, %mul3A_642 : i32
        %add3A_644 = arith.constant 4 : i32
        %add3A_645 = arith.addi %mul3A_643, %add3A_644 : i32
        %swap3A_646 = arith.constant 4 : i32
        %swap3A_647 = arith.index_cast %swap3A_646 : i32 to index
        %swap3A_648 = arith.index_cast %add3A_645 : i32 to index
        %swap3A_649 = arith.constant 0 : index
        %swap3A_650 = tpu.vector_load %arg7[%swap3A_647, %swap3A_648, %swap3A_649] {strides = array<i32>} : memref<8x128x32xf32, #tpu.memory_space<vmem>>, vector<1x1x16xf32>,
        %swap3A_651 = vector.shape_cast %swap3A_650 : vector<1x1x16xf32> to vector<16xf32>
        %swap3A_652 = vector.shape_cast %get3A_374 : vector<16xf32> to vector<1x1x16xf32>
        tpu.vector_store %arg7[%swap3A_647, %swap3A_648, %swap3A_649], %swap3A_652 {add = true, strides = array<i32>} : memref<8x128x32xf32, #tpu.memory_space<vmem>>, vector<1x1x16xf32>,
        %swap3A_653 = arith.constant 4 : i32
        %swap3A_654 = arith.index_cast %swap3A_653 : i32 to index
        %swap3A_655 = arith.index_cast %add3A_645 : i32 to index
        %swap3A_656 = arith.constant 16 : index
        %swap3A_657 = tpu.vector_load %arg7[%swap3A_654, %swap3A_655, %swap3A_656] {strides = array<i32>} : memref<8x128x32xf32, #tpu.memory_space<vmem>>, vector<1x1x16xf32>,
        %swap3A_658 = vector.shape_cast %swap3A_657 : vector<1x1x16xf32> to vector<16xf32>
        %swap3A_659 = vector.shape_cast %get3A_378 : vector<16xf32> to vector<1x1x16xf32>
        tpu.vector_store %arg7[%swap3A_654, %swap3A_655, %swap3A_656], %swap3A_659 {add = true, strides = array<i32>} : memref<8x128x32xf32, #tpu.memory_space<vmem>>, vector<1x1x16xf32>,
        %mul3A_660 = arith.constant 8 : i32
        %mul3A_661 = arith.muli %scan3A_570, %mul3A_660 : i32
        %add3A_662 = arith.constant 5 : i32
        %add3A_663 = arith.addi %mul3A_661, %add3A_662 : i32
        %swap3A_664 = arith.constant 4 : i32
        %swap3A_665 = arith.index_cast %swap3A_664 : i32 to index
        %swap3A_666 = arith.index_cast %add3A_663 : i32 to index
        %swap3A_667 = arith.constant 0 : index
        %swap3A_668 = tpu.vector_load %arg7[%swap3A_665, %swap3A_666, %swap3A_667] {strides = array<i32>} : memref<8x128x32xf32, #tpu.memory_space<vmem>>, vector<1x1x16xf32>,
        %swap3A_669 = vector.shape_cast %swap3A_668 : vector<1x1x16xf32> to vector<16xf32>
        %swap3A_670 = vector.shape_cast %get3A_374 : vector<16xf32> to vector<1x1x16xf32>
        tpu.vector_store %arg7[%swap3A_665, %swap3A_666, %swap3A_667], %swap3A_670 {add = true, strides = array<i32>} : memref<8x128x32xf32, #tpu.memory_space<vmem>>, vector<1x1x16xf32>,
        %swap3A_671 = arith.constant 4 : i32
        %swap3A_672 = arith.index_cast %swap3A_671 : i32 to index
        %swap3A_673 = arith.index_cast %add3A_663 : i32 to index
        %swap3A_674 = arith.constant 16 : index
        %swap3A_675 = tpu.vector_load %arg7[%swap3A_672, %swap3A_673, %swap3A_674] {strides = array<i32>} : memref<8x128x32xf32, #tpu.memory_space<vmem>>, vector<1x1x16xf32>,
        %swap3A_676 = vector.shape_cast %swap3A_675 : vector<1x1x16xf32> to vector<16xf32>
        %swap3A_677 = vector.shape_cast %get3A_378 : vector<16xf32> to vector<1x1x16xf32>
        tpu.vector_store %arg7[%swap3A_672, %swap3A_673, %swap3A_674], %swap3A_677 {add = true, strides = array<i32>} : memref<8x128x32xf32, #tpu.memory_space<vmem>>, vector<1x1x16xf32>,
        %mul3A_678 = arith.constant 8 : i32
        %mul3A_679 = arith.muli %scan3A_570, %mul3A_678 : i32
        %add3A_680 = arith.constant 6 : i32
        %add3A_681 = arith.addi %mul3A_679, %add3A_680 : i32
        %swap3A_682 = arith.constant 4 : i32
        %swap3A_683 = arith.index_cast %swap3A_682 : i32 to index
        %swap3A_684 = arith.index_cast %add3A_681 : i32 to index
        %swap3A_685 = arith.constant 0 : index
        %swap3A_686 = tpu.vector_load %arg7[%swap3A_683, %swap3A_684, %swap3A_685] {strides = array<i32>} : memref<8x128x32xf32, #tpu.memory_space<vmem>>, vector<1x1x16xf32>,
        %swap3A_687 = vector.shape_cast %swap3A_686 : vector<1x1x16xf32> to vector<16xf32>
        %swap3A_688 = vector.shape_cast %get3A_374 : vector<16xf32> to vector<1x1x16xf32>
        tpu.vector_store %arg7[%swap3A_683, %swap3A_684, %swap3A_685], %swap3A_688 {add = true, strides = array<i32>} : memref<8x128x32xf32, #tpu.memory_space<vmem>>, vector<1x1x16xf32>,
        %swap3A_689 = arith.constant 4 : i32
        %swap3A_690 = arith.index_cast %swap3A_689 : i32 to index
        %swap3A_691 = arith.index_cast %add3A_681 : i32 to index
        %swap3A_692 = arith.constant 16 : index
        %swap3A_693 = tpu.vector_load %arg7[%swap3A_690, %swap3A_691, %swap3A_692] {strides = array<i32>} : memref<8x128x32xf32, #tpu.memory_space<vmem>>, vector<1x1x16xf32>,
        %swap3A_694 = vector.shape_cast %swap3A_693 : vector<1x1x16xf32> to vector<16xf32>
        %swap3A_695 = vector.shape_cast %get3A_378 : vector<16xf32> to vector<1x1x16xf32>
        tpu.vector_store %arg7[%swap3A_690, %swap3A_691, %swap3A_692], %swap3A_695 {add = true, strides = array<i32>} : memref<8x128x32xf32, #tpu.memory_space<vmem>>, vector<1x1x16xf32>,
        %mul3A_696 = arith.constant 8 : i32
        %mul3A_697 = arith.muli %scan3A_570, %mul3A_696 : i32
        %add3A_698 = arith.constant 7 : i32
        %add3A_699 = arith.addi %mul3A_697, %add3A_698 : i32
        %swap3A_700 = arith.constant 4 : i32
        %swap3A_701 = arith.index_cast %swap3A_700 : i32 to index
        %swap3A_702 = arith.index_cast %add3A_699 : i32 to index
        %swap3A_703 = arith.constant 0 : index
        %swap3A_704 = tpu.vector_load %arg7[%swap3A_701, %swap3A_702, %swap3A_703] {strides = array<i32>} : memref<8x128x32xf32, #tpu.memory_space<vmem>>, vector<1x1x16xf32>,
        %swap3A_705 = vector.shape_cast %swap3A_704 : vector<1x1x16xf32> to vector<16xf32>
        %swap3A_706 = vector.shape_cast %get3A_374 : vector<16xf32> to vector<1x1x16xf32>
        tpu.vector_store %arg7[%swap3A_701, %swap3A_702, %swap3A_703], %swap3A_706 {add = true, strides = array<i32>} : memref<8x128x32xf32, #tpu.memory_space<vmem>>, vector<1x1x16xf32>,
        %swap3A_707 = arith.constant 4 : i32
        %swap3A_708 = arith.index_cast %swap3A_707 : i32 to index
        %swap3A_709 = arith.index_cast %add3A_699 : i32 to index
        %swap3A_710 = arith.constant 16 : index
        %swap3A_711 = tpu.vector_load %arg7[%swap3A_708, %swap3A_709, %swap3A_710] {strides = array<i32>} : memref<8x128x32xf32, #tpu.memory_space<vmem>>, vector<1x1x16xf32>,
        %swap3A_712 = vector.shape_cast %swap3A_711 : vector<1x1x16xf32> to vector<16xf32>
        %swap3A_713 = vector.shape_cast %get3A_378 : vector<16xf32> to vector<1x1x16xf32>
        tpu.vector_store %arg7[%swap3A_708, %swap3A_709, %swap3A_710], %swap3A_713 {add = true, strides = array<i32>} : memref<8x128x32xf32, #tpu.memory_space<vmem>>, vector<1x1x16xf32>,
      }
      %scan3A_384 = arith.constant 16 : i32
      %dma_start3A_385 = arith.constant 4 : i32
      %dma_start3A_386 = arith.constant 0 : i32
      %dma_start3A_387 = arith.constant 0 : i32
      %dma_start3A_388 = tpu.memref_slice %arg7[%dma_start3A_385, %dma_start3A_386, %dma_start3A_387] : memref<8x128x32xf32, #tpu.memory_space<vmem>> -> memref<1x128x32xf32, #tpu.memory_space<vmem>>
      %dma_start3A_389 = tpu.memref_squeeze %dma_start3A_388 : memref<1x128x32xf32, #tpu.memory_space<vmem>> -> memref<128x32xf32, #tpu.memory_space<vmem>>
      %dma_start3A_390 = arith.constant 0 : i32
      %dma_start3A_391 = arith.constant 0 : i32
      %dma_start3A_392 = tpu.memref_slice %arg5[%add3A_349, %add3A, %dma_start3A_390, %dma_start3A_391] : memref<200x32x128x32xf32, #tpu.memory_space<hbm>> -> memref<1x1x128x32xf32, #tpu.memory_space<hbm>>
      %dma_start3A_393 = tpu.memref_squeeze %dma_start3A_392 : memref<1x1x128x32xf32, #tpu.memory_space<hbm>> -> memref<128x32xf32, #tpu.memory_space<hbm>>
      %dma_start3A_394 = arith.constant 0 : i32
      %dma_start3A_395 = arith.constant 0 : i32
      %dma_start3A_396 = tpu.memref_slice %arg5[%add3A_349, %add3A, %dma_start3A_394, %dma_start3A_395] : memref<200x32x128x32xf32, #tpu.memory_space<hbm>> -> memref<1x1x128x32xf32, #tpu.memory_space<hbm>>
      %dma_start3A_397 = tpu.memref_squeeze %dma_start3A_396 : memref<1x1x128x32xf32, #tpu.memory_space<hbm>> -> memref<128x32xf32, #tpu.memory_space<hbm>>
      %dma_start3A_398 = arith.constant 0 : i32
      %dma_start3A_399 = arith.constant 0 : i32
      %dma_start3A_400 = tpu.memref_slice %arg7[%dma_start3A_385, %dma_start3A_398, %dma_start3A_399] : memref<8x128x32xf32, #tpu.memory_space<vmem>> -> memref<1x128x32xf32, #tpu.memory_space<vmem>>
      %dma_start3A_401 = tpu.memref_squeeze %dma_start3A_400 : memref<1x128x32xf32, #tpu.memory_space<vmem>> -> memref<128x32xf32, #tpu.memory_space<vmem>>
      tpu.enqueue_dma source(%dma_start3A_401 : memref<128x32xf32, #tpu.memory_space<vmem>>) target(%dma_start3A_397 : memref<128x32xf32, #tpu.memory_space<hbm>>) target_semaphore(%arg21 : memref<!tpu.dma_semaphore, #tpu.memory_space<semaphore_mem>>)
      %mul3A_402 = arith.constant 8 : i32
      %mul3A_403 = arith.muli %scan3A_126, %mul3A_402 : i32
      %add3A_404 = arith.constant 5 : i32
      %add3A_405 = arith.addi %mul3A_403, %add3A_404 : i32
      %ge3A_406 = arith.constant 4 : i32
      %ge3A_407 = arith.cmpi sge, %add3A_405, %ge3A_406 : i32
      %convert_element_type3A_408 = arith.extui %ge3A_407 : i1 to i32
      %cond3A_409 = arith.constant 0 : i32
      %cond3A_410 = arith.cmpi ne, %convert_element_type3A_408, %cond3A_409 : i32
      scf.if %cond3A_410 {
        %sub3A = arith.constant 4 : i32
        %sub3A_570 = arith.subi %add3A_405, %sub3A : i32
        %dma_wait3A_571 = arith.constant 1 : i32
        %dma_wait3A_572 = arith.constant 0 : i32
        %dma_wait3A_573 = arith.constant 0 : i32
        %dma_wait3A_574 = tpu.memref_slice %arg7[%dma_wait3A_571, %dma_wait3A_572, %dma_wait3A_573] : memref<8x128x32xf32, #tpu.memory_space<vmem>> -> memref<1x128x32xf32, #tpu.memory_space<vmem>>
        %dma_wait3A_575 = tpu.memref_squeeze %dma_wait3A_574 : memref<1x128x32xf32, #tpu.memory_space<vmem>> -> memref<128x32xf32, #tpu.memory_space<vmem>>
        %dma_wait3A_576 = arith.constant 0 : i32
        %dma_wait3A_577 = arith.constant 0 : i32
        %dma_wait3A_578 = tpu.memref_slice %arg5[%sub3A_570, %add3A, %dma_wait3A_576, %dma_wait3A_577] : memref<200x32x128x32xf32, #tpu.memory_space<hbm>> -> memref<1x1x128x32xf32, #tpu.memory_space<hbm>>
        %dma_wait3A_579 = tpu.memref_squeeze %dma_wait3A_578 : memref<1x1x128x32xf32, #tpu.memory_space<hbm>> -> memref<128x32xf32, #tpu.memory_space<hbm>>
        %dma_wait3A_580 = arith.constant 0 : i32
        %dma_wait3A_581 = arith.constant 0 : i32
        %dma_wait3A_582 = tpu.memref_slice %arg5[%sub3A_570, %add3A, %dma_wait3A_580, %dma_wait3A_581] : memref<200x32x128x32xf32, #tpu.memory_space<hbm>> -> memref<1x1x128x32xf32, #tpu.memory_space<hbm>>
        %dma_wait3A_583 = tpu.memref_squeeze %dma_wait3A_582 : memref<1x1x128x32xf32, #tpu.memory_space<hbm>> -> memref<128x32xf32, #tpu.memory_space<hbm>>
        %dma_wait3A_584 = arith.constant 0 : i32
        %dma_wait3A_585 = arith.constant 0 : i32
        %dma_wait3A_586 = tpu.memref_slice %arg7[%dma_wait3A_571, %dma_wait3A_584, %dma_wait3A_585] : memref<8x128x32xf32, #tpu.memory_space<vmem>> -> memref<1x128x32xf32, #tpu.memory_space<vmem>>
        %dma_wait3A_587 = tpu.memref_squeeze %dma_wait3A_586 : memref<1x128x32xf32, #tpu.memory_space<vmem>> -> memref<128x32xf32, #tpu.memory_space<vmem>>
        tpu.wait_dma2 semaphore(%arg18 : memref<!tpu.dma_semaphore, #tpu.memory_space<semaphore_mem>>) src(%dma_wait3A_587 : memref<128x32xf32, #tpu.memory_space<vmem>>) dst(%dma_wait3A_583 : memref<128x32xf32, #tpu.memory_space<hbm>>)
      } else {
      }
      %lt3A_411 = arith.constant 196 : i32
      %lt3A_412 = arith.cmpi slt, %add3A_405, %lt3A_411 : i32
      %convert_element_type3A_413 = arith.extui %lt3A_412 : i1 to i32
      %cond3A_414 = arith.constant 0 : i32
      %cond3A_415 = arith.cmpi ne, %convert_element_type3A_413, %cond3A_414 : i32
      scf.if %cond3A_415 {
        %add3A_570 = arith.constant 4 : i32
        %add3A_571 = arith.addi %add3A_405, %add3A_570 : i32
        %dma_start3A_572 = arith.constant 1 : i32
        %dma_start3A_573 = arith.constant 0 : i32
        %dma_start3A_574 = arith.constant 0 : i32
        %dma_start3A_575 = tpu.memref_slice %arg7[%dma_start3A_572, %dma_start3A_573, %dma_start3A_574] : memref<8x128x32xf32, #tpu.memory_space<vmem>> -> memref<1x128x32xf32, #tpu.memory_space<vmem>>
        %dma_start3A_576 = tpu.memref_squeeze %dma_start3A_575 : memref<1x128x32xf32, #tpu.memory_space<vmem>> -> memref<128x32xf32, #tpu.memory_space<vmem>>
        %dma_start3A_577 = arith.constant 0 : i32
        %dma_start3A_578 = tpu.memref_slice %arg6[%add3A_571, %dma_start3A_577] : memref<200x128xi32, #tpu.memory_space<vmem>> -> memref<1x128xi32, #tpu.memory_space<vmem>>
        %dma_start3A_579 = tpu.memref_squeeze %dma_start3A_578 : memref<1x128xi32, #tpu.memory_space<vmem>> -> memref<128xi32, #tpu.memory_space<vmem>>
        %dma_start3A_580 = arith.constant 0 : i32
        %dma_start3A_581 = arith.constant 0 : i32
        %dma_start3A_582 = tpu.memref_slice %arg3[%dma_start3A_580, %dma_start3A_581] : memref<1000000x32xf32, #tpu.memory_space<hbm>> -> memref<1000000x32xf32, #tpu.memory_space<hbm>>
        tpu.enqueue_indirect_dma source(%dma_start3A_582 : memref<1000000x32xf32, #tpu.memory_space<hbm>>) target(%dma_start3A_576 : memref<128x32xf32, #tpu.memory_space<vmem>>) offsets(%dma_start3A_579 : memref<128xi32, #tpu.memory_space<vmem>>) semaphore(%arg10 : memref<!tpu.dma_semaphore, #tpu.memory_space<semaphore_mem>>)
      } else {
      }
      %dma_wait3A_416 = arith.constant 5 : i32
      %dma_wait3A_417 = arith.constant 0 : i32
      %dma_wait3A_418 = arith.constant 0 : i32
      %dma_wait3A_419 = tpu.memref_slice %arg7[%dma_wait3A_416, %dma_wait3A_417, %dma_wait3A_418] : memref<8x128x32xf32, #tpu.memory_space<vmem>> -> memref<1x128x32xf32, #tpu.memory_space<vmem>>
      %dma_wait3A_420 = tpu.memref_squeeze %dma_wait3A_419 : memref<1x128x32xf32, #tpu.memory_space<vmem>> -> memref<128x32xf32, #tpu.memory_space<vmem>>
      %dma_wait3A_421 = arith.constant 0 : i32
      %dma_wait3A_422 = tpu.memref_slice %arg6[%add3A_405, %dma_wait3A_421] : memref<200x128xi32, #tpu.memory_space<vmem>> -> memref<1x128xi32, #tpu.memory_space<vmem>>
      %dma_wait3A_423 = tpu.memref_squeeze %dma_wait3A_422 : memref<1x128xi32, #tpu.memory_space<vmem>> -> memref<128xi32, #tpu.memory_space<vmem>>
      %dma_wait3A_424 = arith.constant 0 : i32
      %dma_wait3A_425 = arith.constant 0 : i32
      %dma_wait3A_426 = tpu.memref_slice %arg3[%dma_wait3A_424, %dma_wait3A_425] : memref<1000000x32xf32, #tpu.memory_space<hbm>> -> memref<1000000x32xf32, #tpu.memory_space<hbm>>
      tpu.wait_indirect_dma semaphore(%arg14 : memref<!tpu.dma_semaphore, #tpu.memory_space<semaphore_mem>>) src(%dma_wait3A_426 : memref<1000000x32xf32, #tpu.memory_space<hbm>>) dst(%dma_wait3A_420 : memref<128x32xf32, #tpu.memory_space<vmem>>)
      %get3A_427 = arith.index_cast %add3A_405 : i32 to index
      %get3A_428 = arith.constant 0 : index
      %get3A_429 = tpu.vector_load %arg8[%get3A_427, %get3A_428] {strides = array<i32>} : memref<200x32xf32, #tpu.memory_space<vmem>>, vector<1x16xf32>,
      %get3A_430 = vector.shape_cast %get3A_429 : vector<1x16xf32> to vector<16xf32>
      %get3A_431 = arith.index_cast %add3A_405 : i32 to index
      %get3A_432 = arith.constant 16 : index
      %get3A_433 = tpu.vector_load %arg8[%get3A_431, %get3A_432] {strides = array<i32>} : memref<200x32xf32, #tpu.memory_space<vmem>>, vector<1x16xf32>,
      %get3A_434 = vector.shape_cast %get3A_433 : vector<1x16xf32> to vector<16xf32>
      %scan3A_435 = arith.constant 0 : i32
      %scan3A_436 = arith.constant 0 : i32
      %scan3A_437 = arith.constant 16 : i32
      %scan3A_438 = arith.addi %scan3A_436, %scan3A_437 : i32
      %scan3A_439 = arith.constant 1 : i32
      scf.for %scan3A_570 = %scan3A_436 to %scan3A_438 step %scan3A_439  : i32 {
        %mul3A_571 = arith.constant 8 : i32
        %mul3A_572 = arith.muli %scan3A_570, %mul3A_571 : i32
        %add3A_573 = arith.constant 0 : i32
        %add3A_574 = arith.addi %mul3A_572, %add3A_573 : i32
        %swap3A = arith.constant 5 : i32
        %swap3A_575 = arith.index_cast %swap3A : i32 to index
        %swap3A_576 = arith.index_cast %add3A_574 : i32 to index
        %swap3A_577 = arith.constant 0 : index
        %swap3A_578 = tpu.vector_load %arg7[%swap3A_575, %swap3A_576, %swap3A_577] {strides = array<i32>} : memref<8x128x32xf32, #tpu.memory_space<vmem>>, vector<1x1x16xf32>,
        %swap3A_579 = vector.shape_cast %swap3A_578 : vector<1x1x16xf32> to vector<16xf32>
        %swap3A_580 = vector.shape_cast %get3A_430 : vector<16xf32> to vector<1x1x16xf32>
        tpu.vector_store %arg7[%swap3A_575, %swap3A_576, %swap3A_577], %swap3A_580 {add = true, strides = array<i32>} : memref<8x128x32xf32, #tpu.memory_space<vmem>>, vector<1x1x16xf32>,
        %swap3A_581 = arith.constant 5 : i32
        %swap3A_582 = arith.index_cast %swap3A_581 : i32 to index
        %swap3A_583 = arith.index_cast %add3A_574 : i32 to index
        %swap3A_584 = arith.constant 16 : index
        %swap3A_585 = tpu.vector_load %arg7[%swap3A_582, %swap3A_583, %swap3A_584] {strides = array<i32>} : memref<8x128x32xf32, #tpu.memory_space<vmem>>, vector<1x1x16xf32>,
        %swap3A_586 = vector.shape_cast %swap3A_585 : vector<1x1x16xf32> to vector<16xf32>
        %swap3A_587 = vector.shape_cast %get3A_434 : vector<16xf32> to vector<1x1x16xf32>
        tpu.vector_store %arg7[%swap3A_582, %swap3A_583, %swap3A_584], %swap3A_587 {add = true, strides = array<i32>} : memref<8x128x32xf32, #tpu.memory_space<vmem>>, vector<1x1x16xf32>,
        %mul3A_588 = arith.constant 8 : i32
        %mul3A_589 = arith.muli %scan3A_570, %mul3A_588 : i32
        %add3A_590 = arith.constant 1 : i32
        %add3A_591 = arith.addi %mul3A_589, %add3A_590 : i32
        %swap3A_592 = arith.constant 5 : i32
        %swap3A_593 = arith.index_cast %swap3A_592 : i32 to index
        %swap3A_594 = arith.index_cast %add3A_591 : i32 to index
        %swap3A_595 = arith.constant 0 : index
        %swap3A_596 = tpu.vector_load %arg7[%swap3A_593, %swap3A_594, %swap3A_595] {strides = array<i32>} : memref<8x128x32xf32, #tpu.memory_space<vmem>>, vector<1x1x16xf32>,
        %swap3A_597 = vector.shape_cast %swap3A_596 : vector<1x1x16xf32> to vector<16xf32>
        %swap3A_598 = vector.shape_cast %get3A_430 : vector<16xf32> to vector<1x1x16xf32>
        tpu.vector_store %arg7[%swap3A_593, %swap3A_594, %swap3A_595], %swap3A_598 {add = true, strides = array<i32>} : memref<8x128x32xf32, #tpu.memory_space<vmem>>, vector<1x1x16xf32>,
        %swap3A_599 = arith.constant 5 : i32
        %swap3A_600 = arith.index_cast %swap3A_599 : i32 to index
        %swap3A_601 = arith.index_cast %add3A_591 : i32 to index
        %swap3A_602 = arith.constant 16 : index
        %swap3A_603 = tpu.vector_load %arg7[%swap3A_600, %swap3A_601, %swap3A_602] {strides = array<i32>} : memref<8x128x32xf32, #tpu.memory_space<vmem>>, vector<1x1x16xf32>,
        %swap3A_604 = vector.shape_cast %swap3A_603 : vector<1x1x16xf32> to vector<16xf32>
        %swap3A_605 = vector.shape_cast %get3A_434 : vector<16xf32> to vector<1x1x16xf32>
        tpu.vector_store %arg7[%swap3A_600, %swap3A_601, %swap3A_602], %swap3A_605 {add = true, strides = array<i32>} : memref<8x128x32xf32, #tpu.memory_space<vmem>>, vector<1x1x16xf32>,
        %mul3A_606 = arith.constant 8 : i32
        %mul3A_607 = arith.muli %scan3A_570, %mul3A_606 : i32
        %add3A_608 = arith.constant 2 : i32
        %add3A_609 = arith.addi %mul3A_607, %add3A_608 : i32
        %swap3A_610 = arith.constant 5 : i32
        %swap3A_611 = arith.index_cast %swap3A_610 : i32 to index
        %swap3A_612 = arith.index_cast %add3A_609 : i32 to index
        %swap3A_613 = arith.constant 0 : index
        %swap3A_614 = tpu.vector_load %arg7[%swap3A_611, %swap3A_612, %swap3A_613] {strides = array<i32>} : memref<8x128x32xf32, #tpu.memory_space<vmem>>, vector<1x1x16xf32>,
        %swap3A_615 = vector.shape_cast %swap3A_614 : vector<1x1x16xf32> to vector<16xf32>
        %swap3A_616 = vector.shape_cast %get3A_430 : vector<16xf32> to vector<1x1x16xf32>
        tpu.vector_store %arg7[%swap3A_611, %swap3A_612, %swap3A_613], %swap3A_616 {add = true, strides = array<i32>} : memref<8x128x32xf32, #tpu.memory_space<vmem>>, vector<1x1x16xf32>,
        %swap3A_617 = arith.constant 5 : i32
        %swap3A_618 = arith.index_cast %swap3A_617 : i32 to index
        %swap3A_619 = arith.index_cast %add3A_609 : i32 to index
        %swap3A_620 = arith.constant 16 : index
        %swap3A_621 = tpu.vector_load %arg7[%swap3A_618, %swap3A_619, %swap3A_620] {strides = array<i32>} : memref<8x128x32xf32, #tpu.memory_space<vmem>>, vector<1x1x16xf32>,
        %swap3A_622 = vector.shape_cast %swap3A_621 : vector<1x1x16xf32> to vector<16xf32>
        %swap3A_623 = vector.shape_cast %get3A_434 : vector<16xf32> to vector<1x1x16xf32>
        tpu.vector_store %arg7[%swap3A_618, %swap3A_619, %swap3A_620], %swap3A_623 {add = true, strides = array<i32>} : memref<8x128x32xf32, #tpu.memory_space<vmem>>, vector<1x1x16xf32>,
        %mul3A_624 = arith.constant 8 : i32
        %mul3A_625 = arith.muli %scan3A_570, %mul3A_624 : i32
        %add3A_626 = arith.constant 3 : i32
        %add3A_627 = arith.addi %mul3A_625, %add3A_626 : i32
        %swap3A_628 = arith.constant 5 : i32
        %swap3A_629 = arith.index_cast %swap3A_628 : i32 to index
        %swap3A_630 = arith.index_cast %add3A_627 : i32 to index
        %swap3A_631 = arith.constant 0 : index
        %swap3A_632 = tpu.vector_load %arg7[%swap3A_629, %swap3A_630, %swap3A_631] {strides = array<i32>} : memref<8x128x32xf32, #tpu.memory_space<vmem>>, vector<1x1x16xf32>,
        %swap3A_633 = vector.shape_cast %swap3A_632 : vector<1x1x16xf32> to vector<16xf32>
        %swap3A_634 = vector.shape_cast %get3A_430 : vector<16xf32> to vector<1x1x16xf32>
        tpu.vector_store %arg7[%swap3A_629, %swap3A_630, %swap3A_631], %swap3A_634 {add = true, strides = array<i32>} : memref<8x128x32xf32, #tpu.memory_space<vmem>>, vector<1x1x16xf32>,
        %swap3A_635 = arith.constant 5 : i32
        %swap3A_636 = arith.index_cast %swap3A_635 : i32 to index
        %swap3A_637 = arith.index_cast %add3A_627 : i32 to index
        %swap3A_638 = arith.constant 16 : index
        %swap3A_639 = tpu.vector_load %arg7[%swap3A_636, %swap3A_637, %swap3A_638] {strides = array<i32>} : memref<8x128x32xf32, #tpu.memory_space<vmem>>, vector<1x1x16xf32>,
        %swap3A_640 = vector.shape_cast %swap3A_639 : vector<1x1x16xf32> to vector<16xf32>
        %swap3A_641 = vector.shape_cast %get3A_434 : vector<16xf32> to vector<1x1x16xf32>
        tpu.vector_store %arg7[%swap3A_636, %swap3A_637, %swap3A_638], %swap3A_641 {add = true, strides = array<i32>} : memref<8x128x32xf32, #tpu.memory_space<vmem>>, vector<1x1x16xf32>,
        %mul3A_642 = arith.constant 8 : i32
        %mul3A_643 = arith.muli %scan3A_570, %mul3A_642 : i32
        %add3A_644 = arith.constant 4 : i32
        %add3A_645 = arith.addi %mul3A_643, %add3A_644 : i32
        %swap3A_646 = arith.constant 5 : i32
        %swap3A_647 = arith.index_cast %swap3A_646 : i32 to index
        %swap3A_648 = arith.index_cast %add3A_645 : i32 to index
        %swap3A_649 = arith.constant 0 : index
        %swap3A_650 = tpu.vector_load %arg7[%swap3A_647, %swap3A_648, %swap3A_649] {strides = array<i32>} : memref<8x128x32xf32, #tpu.memory_space<vmem>>, vector<1x1x16xf32>,
        %swap3A_651 = vector.shape_cast %swap3A_650 : vector<1x1x16xf32> to vector<16xf32>
        %swap3A_652 = vector.shape_cast %get3A_430 : vector<16xf32> to vector<1x1x16xf32>
        tpu.vector_store %arg7[%swap3A_647, %swap3A_648, %swap3A_649], %swap3A_652 {add = true, strides = array<i32>} : memref<8x128x32xf32, #tpu.memory_space<vmem>>, vector<1x1x16xf32>,
        %swap3A_653 = arith.constant 5 : i32
        %swap3A_654 = arith.index_cast %swap3A_653 : i32 to index
        %swap3A_655 = arith.index_cast %add3A_645 : i32 to index
        %swap3A_656 = arith.constant 16 : index
        %swap3A_657 = tpu.vector_load %arg7[%swap3A_654, %swap3A_655, %swap3A_656] {strides = array<i32>} : memref<8x128x32xf32, #tpu.memory_space<vmem>>, vector<1x1x16xf32>,
        %swap3A_658 = vector.shape_cast %swap3A_657 : vector<1x1x16xf32> to vector<16xf32>
        %swap3A_659 = vector.shape_cast %get3A_434 : vector<16xf32> to vector<1x1x16xf32>
        tpu.vector_store %arg7[%swap3A_654, %swap3A_655, %swap3A_656], %swap3A_659 {add = true, strides = array<i32>} : memref<8x128x32xf32, #tpu.memory_space<vmem>>, vector<1x1x16xf32>,
        %mul3A_660 = arith.constant 8 : i32
        %mul3A_661 = arith.muli %scan3A_570, %mul3A_660 : i32
        %add3A_662 = arith.constant 5 : i32
        %add3A_663 = arith.addi %mul3A_661, %add3A_662 : i32
        %swap3A_664 = arith.constant 5 : i32
        %swap3A_665 = arith.index_cast %swap3A_664 : i32 to index
        %swap3A_666 = arith.index_cast %add3A_663 : i32 to index
        %swap3A_667 = arith.constant 0 : index
        %swap3A_668 = tpu.vector_load %arg7[%swap3A_665, %swap3A_666, %swap3A_667] {strides = array<i32>} : memref<8x128x32xf32, #tpu.memory_space<vmem>>, vector<1x1x16xf32>,
        %swap3A_669 = vector.shape_cast %swap3A_668 : vector<1x1x16xf32> to vector<16xf32>
        %swap3A_670 = vector.shape_cast %get3A_430 : vector<16xf32> to vector<1x1x16xf32>
        tpu.vector_store %arg7[%swap3A_665, %swap3A_666, %swap3A_667], %swap3A_670 {add = true, strides = array<i32>} : memref<8x128x32xf32, #tpu.memory_space<vmem>>, vector<1x1x16xf32>,
        %swap3A_671 = arith.constant 5 : i32
        %swap3A_672 = arith.index_cast %swap3A_671 : i32 to index
        %swap3A_673 = arith.index_cast %add3A_663 : i32 to index
        %swap3A_674 = arith.constant 16 : index
        %swap3A_675 = tpu.vector_load %arg7[%swap3A_672, %swap3A_673, %swap3A_674] {strides = array<i32>} : memref<8x128x32xf32, #tpu.memory_space<vmem>>, vector<1x1x16xf32>,
        %swap3A_676 = vector.shape_cast %swap3A_675 : vector<1x1x16xf32> to vector<16xf32>
        %swap3A_677 = vector.shape_cast %get3A_434 : vector<16xf32> to vector<1x1x16xf32>
        tpu.vector_store %arg7[%swap3A_672, %swap3A_673, %swap3A_674], %swap3A_677 {add = true, strides = array<i32>} : memref<8x128x32xf32, #tpu.memory_space<vmem>>, vector<1x1x16xf32>,
        %mul3A_678 = arith.constant 8 : i32
        %mul3A_679 = arith.muli %scan3A_570, %mul3A_678 : i32
        %add3A_680 = arith.constant 6 : i32
        %add3A_681 = arith.addi %mul3A_679, %add3A_680 : i32
        %swap3A_682 = arith.constant 5 : i32
        %swap3A_683 = arith.index_cast %swap3A_682 : i32 to index
        %swap3A_684 = arith.index_cast %add3A_681 : i32 to index
        %swap3A_685 = arith.constant 0 : index
        %swap3A_686 = tpu.vector_load %arg7[%swap3A_683, %swap3A_684, %swap3A_685] {strides = array<i32>} : memref<8x128x32xf32, #tpu.memory_space<vmem>>, vector<1x1x16xf32>,
        %swap3A_687 = vector.shape_cast %swap3A_686 : vector<1x1x16xf32> to vector<16xf32>
        %swap3A_688 = vector.shape_cast %get3A_430 : vector<16xf32> to vector<1x1x16xf32>
        tpu.vector_store %arg7[%swap3A_683, %swap3A_684, %swap3A_685], %swap3A_688 {add = true, strides = array<i32>} : memref<8x128x32xf32, #tpu.memory_space<vmem>>, vector<1x1x16xf32>,
        %swap3A_689 = arith.constant 5 : i32
        %swap3A_690 = arith.index_cast %swap3A_689 : i32 to index
        %swap3A_691 = arith.index_cast %add3A_681 : i32 to index
        %swap3A_692 = arith.constant 16 : index
        %swap3A_693 = tpu.vector_load %arg7[%swap3A_690, %swap3A_691, %swap3A_692] {strides = array<i32>} : memref<8x128x32xf32, #tpu.memory_space<vmem>>, vector<1x1x16xf32>,
        %swap3A_694 = vector.shape_cast %swap3A_693 : vector<1x1x16xf32> to vector<16xf32>
        %swap3A_695 = vector.shape_cast %get3A_434 : vector<16xf32> to vector<1x1x16xf32>
        tpu.vector_store %arg7[%swap3A_690, %swap3A_691, %swap3A_692], %swap3A_695 {add = true, strides = array<i32>} : memref<8x128x32xf32, #tpu.memory_space<vmem>>, vector<1x1x16xf32>,
        %mul3A_696 = arith.constant 8 : i32
        %mul3A_697 = arith.muli %scan3A_570, %mul3A_696 : i32
        %add3A_698 = arith.constant 7 : i32
        %add3A_699 = arith.addi %mul3A_697, %add3A_698 : i32
        %swap3A_700 = arith.constant 5 : i32
        %swap3A_701 = arith.index_cast %swap3A_700 : i32 to index
        %swap3A_702 = arith.index_cast %add3A_699 : i32 to index
        %swap3A_703 = arith.constant 0 : index
        %swap3A_704 = tpu.vector_load %arg7[%swap3A_701, %swap3A_702, %swap3A_703] {strides = array<i32>} : memref<8x128x32xf32, #tpu.memory_space<vmem>>, vector<1x1x16xf32>,
        %swap3A_705 = vector.shape_cast %swap3A_704 : vector<1x1x16xf32> to vector<16xf32>
        %swap3A_706 = vector.shape_cast %get3A_430 : vector<16xf32> to vector<1x1x16xf32>
        tpu.vector_store %arg7[%swap3A_701, %swap3A_702, %swap3A_703], %swap3A_706 {add = true, strides = array<i32>} : memref<8x128x32xf32, #tpu.memory_space<vmem>>, vector<1x1x16xf32>,
        %swap3A_707 = arith.constant 5 : i32
        %swap3A_708 = arith.index_cast %swap3A_707 : i32 to index
        %swap3A_709 = arith.index_cast %add3A_699 : i32 to index
        %swap3A_710 = arith.constant 16 : index
        %swap3A_711 = tpu.vector_load %arg7[%swap3A_708, %swap3A_709, %swap3A_710] {strides = array<i32>} : memref<8x128x32xf32, #tpu.memory_space<vmem>>, vector<1x1x16xf32>,
        %swap3A_712 = vector.shape_cast %swap3A_711 : vector<1x1x16xf32> to vector<16xf32>
        %swap3A_713 = vector.shape_cast %get3A_434 : vector<16xf32> to vector<1x1x16xf32>
        tpu.vector_store %arg7[%swap3A_708, %swap3A_709, %swap3A_710], %swap3A_713 {add = true, strides = array<i32>} : memref<8x128x32xf32, #tpu.memory_space<vmem>>, vector<1x1x16xf32>,
      }
      %scan3A_440 = arith.constant 16 : i32
      %dma_start3A_441 = arith.constant 5 : i32
      %dma_start3A_442 = arith.constant 0 : i32
      %dma_start3A_443 = arith.constant 0 : i32
      %dma_start3A_444 = tpu.memref_slice %arg7[%dma_start3A_441, %dma_start3A_442, %dma_start3A_443] : memref<8x128x32xf32, #tpu.memory_space<vmem>> -> memref<1x128x32xf32, #tpu.memory_space<vmem>>
      %dma_start3A_445 = tpu.memref_squeeze %dma_start3A_444 : memref<1x128x32xf32, #tpu.memory_space<vmem>> -> memref<128x32xf32, #tpu.memory_space<vmem>>
      %dma_start3A_446 = arith.constant 0 : i32
      %dma_start3A_447 = arith.constant 0 : i32
      %dma_start3A_448 = tpu.memref_slice %arg5[%add3A_405, %add3A, %dma_start3A_446, %dma_start3A_447] : memref<200x32x128x32xf32, #tpu.memory_space<hbm>> -> memref<1x1x128x32xf32, #tpu.memory_space<hbm>>
      %dma_start3A_449 = tpu.memref_squeeze %dma_start3A_448 : memref<1x1x128x32xf32, #tpu.memory_space<hbm>> -> memref<128x32xf32, #tpu.memory_space<hbm>>
      %dma_start3A_450 = arith.constant 0 : i32
      %dma_start3A_451 = arith.constant 0 : i32
      %dma_start3A_452 = tpu.memref_slice %arg5[%add3A_405, %add3A, %dma_start3A_450, %dma_start3A_451] : memref<200x32x128x32xf32, #tpu.memory_space<hbm>> -> memref<1x1x128x32xf32, #tpu.memory_space<hbm>>
      %dma_start3A_453 = tpu.memref_squeeze %dma_start3A_452 : memref<1x1x128x32xf32, #tpu.memory_space<hbm>> -> memref<128x32xf32, #tpu.memory_space<hbm>>
      %dma_start3A_454 = arith.constant 0 : i32
      %dma_start3A_455 = arith.constant 0 : i32
      %dma_start3A_456 = tpu.memref_slice %arg7[%dma_start3A_441, %dma_start3A_454, %dma_start3A_455] : memref<8x128x32xf32, #tpu.memory_space<vmem>> -> memref<1x128x32xf32, #tpu.memory_space<vmem>>
      %dma_start3A_457 = tpu.memref_squeeze %dma_start3A_456 : memref<1x128x32xf32, #tpu.memory_space<vmem>> -> memref<128x32xf32, #tpu.memory_space<vmem>>
      tpu.enqueue_dma source(%dma_start3A_457 : memref<128x32xf32, #tpu.memory_space<vmem>>) target(%dma_start3A_453 : memref<128x32xf32, #tpu.memory_space<hbm>>) target_semaphore(%arg22 : memref<!tpu.dma_semaphore, #tpu.memory_space<semaphore_mem>>)
      %mul3A_458 = arith.constant 8 : i32
      %mul3A_459 = arith.muli %scan3A_126, %mul3A_458 : i32
      %add3A_460 = arith.constant 6 : i32
      %add3A_461 = arith.addi %mul3A_459, %add3A_460 : i32
      %ge3A_462 = arith.constant 4 : i32
      %ge3A_463 = arith.cmpi sge, %add3A_461, %ge3A_462 : i32
      %convert_element_type3A_464 = arith.extui %ge3A_463 : i1 to i32
      %cond3A_465 = arith.constant 0 : i32
      %cond3A_466 = arith.cmpi ne, %convert_element_type3A_464, %cond3A_465 : i32
      scf.if %cond3A_466 {
        %sub3A = arith.constant 4 : i32
        %sub3A_570 = arith.subi %add3A_461, %sub3A : i32
        %dma_wait3A_571 = arith.constant 2 : i32
        %dma_wait3A_572 = arith.constant 0 : i32
        %dma_wait3A_573 = arith.constant 0 : i32
        %dma_wait3A_574 = tpu.memref_slice %arg7[%dma_wait3A_571, %dma_wait3A_572, %dma_wait3A_573] : memref<8x128x32xf32, #tpu.memory_space<vmem>> -> memref<1x128x32xf32, #tpu.memory_space<vmem>>
        %dma_wait3A_575 = tpu.memref_squeeze %dma_wait3A_574 : memref<1x128x32xf32, #tpu.memory_space<vmem>> -> memref<128x32xf32, #tpu.memory_space<vmem>>
        %dma_wait3A_576 = arith.constant 0 : i32
        %dma_wait3A_577 = arith.constant 0 : i32
        %dma_wait3A_578 = tpu.memref_slice %arg5[%sub3A_570, %add3A, %dma_wait3A_576, %dma_wait3A_577] : memref<200x32x128x32xf32, #tpu.memory_space<hbm>> -> memref<1x1x128x32xf32, #tpu.memory_space<hbm>>
        %dma_wait3A_579 = tpu.memref_squeeze %dma_wait3A_578 : memref<1x1x128x32xf32, #tpu.memory_space<hbm>> -> memref<128x32xf32, #tpu.memory_space<hbm>>
        %dma_wait3A_580 = arith.constant 0 : i32
        %dma_wait3A_581 = arith.constant 0 : i32
        %dma_wait3A_582 = tpu.memref_slice %arg5[%sub3A_570, %add3A, %dma_wait3A_580, %dma_wait3A_581] : memref<200x32x128x32xf32, #tpu.memory_space<hbm>> -> memref<1x1x128x32xf32, #tpu.memory_space<hbm>>
        %dma_wait3A_583 = tpu.memref_squeeze %dma_wait3A_582 : memref<1x1x128x32xf32, #tpu.memory_space<hbm>> -> memref<128x32xf32, #tpu.memory_space<hbm>>
        %dma_wait3A_584 = arith.constant 0 : i32
        %dma_wait3A_585 = arith.constant 0 : i32
        %dma_wait3A_586 = tpu.memref_slice %arg7[%dma_wait3A_571, %dma_wait3A_584, %dma_wait3A_585] : memref<8x128x32xf32, #tpu.memory_space<vmem>> -> memref<1x128x32xf32, #tpu.memory_space<vmem>>
        %dma_wait3A_587 = tpu.memref_squeeze %dma_wait3A_586 : memref<1x128x32xf32, #tpu.memory_space<vmem>> -> memref<128x32xf32, #tpu.memory_space<vmem>>
        tpu.wait_dma2 semaphore(%arg19 : memref<!tpu.dma_semaphore, #tpu.memory_space<semaphore_mem>>) src(%dma_wait3A_587 : memref<128x32xf32, #tpu.memory_space<vmem>>) dst(%dma_wait3A_583 : memref<128x32xf32, #tpu.memory_space<hbm>>)
      } else {
      }
      %lt3A_467 = arith.constant 196 : i32
      %lt3A_468 = arith.cmpi slt, %add3A_461, %lt3A_467 : i32
      %convert_element_type3A_469 = arith.extui %lt3A_468 : i1 to i32
      %cond3A_470 = arith.constant 0 : i32
      %cond3A_471 = arith.cmpi ne, %convert_element_type3A_469, %cond3A_470 : i32
      scf.if %cond3A_471 {
        %add3A_570 = arith.constant 4 : i32
        %add3A_571 = arith.addi %add3A_461, %add3A_570 : i32
        %dma_start3A_572 = arith.constant 2 : i32
        %dma_start3A_573 = arith.constant 0 : i32
        %dma_start3A_574 = arith.constant 0 : i32
        %dma_start3A_575 = tpu.memref_slice %arg7[%dma_start3A_572, %dma_start3A_573, %dma_start3A_574] : memref<8x128x32xf32, #tpu.memory_space<vmem>> -> memref<1x128x32xf32, #tpu.memory_space<vmem>>
        %dma_start3A_576 = tpu.memref_squeeze %dma_start3A_575 : memref<1x128x32xf32, #tpu.memory_space<vmem>> -> memref<128x32xf32, #tpu.memory_space<vmem>>
        %dma_start3A_577 = arith.constant 0 : i32
        %dma_start3A_578 = tpu.memref_slice %arg6[%add3A_571, %dma_start3A_577] : memref<200x128xi32, #tpu.memory_space<vmem>> -> memref<1x128xi32, #tpu.memory_space<vmem>>
        %dma_start3A_579 = tpu.memref_squeeze %dma_start3A_578 : memref<1x128xi32, #tpu.memory_space<vmem>> -> memref<128xi32, #tpu.memory_space<vmem>>
        %dma_start3A_580 = arith.constant 0 : i32
        %dma_start3A_581 = arith.constant 0 : i32
        %dma_start3A_582 = tpu.memref_slice %arg3[%dma_start3A_580, %dma_start3A_581] : memref<1000000x32xf32, #tpu.memory_space<hbm>> -> memref<1000000x32xf32, #tpu.memory_space<hbm>>
        tpu.enqueue_indirect_dma source(%dma_start3A_582 : memref<1000000x32xf32, #tpu.memory_space<hbm>>) target(%dma_start3A_576 : memref<128x32xf32, #tpu.memory_space<vmem>>) offsets(%dma_start3A_579 : memref<128xi32, #tpu.memory_space<vmem>>) semaphore(%arg11 : memref<!tpu.dma_semaphore, #tpu.memory_space<semaphore_mem>>)
      } else {
      }
      %dma_wait3A_472 = arith.constant 6 : i32
      %dma_wait3A_473 = arith.constant 0 : i32
      %dma_wait3A_474 = arith.constant 0 : i32
      %dma_wait3A_475 = tpu.memref_slice %arg7[%dma_wait3A_472, %dma_wait3A_473, %dma_wait3A_474] : memref<8x128x32xf32, #tpu.memory_space<vmem>> -> memref<1x128x32xf32, #tpu.memory_space<vmem>>
      %dma_wait3A_476 = tpu.memref_squeeze %dma_wait3A_475 : memref<1x128x32xf32, #tpu.memory_space<vmem>> -> memref<128x32xf32, #tpu.memory_space<vmem>>
      %dma_wait3A_477 = arith.constant 0 : i32
      %dma_wait3A_478 = tpu.memref_slice %arg6[%add3A_461, %dma_wait3A_477] : memref<200x128xi32, #tpu.memory_space<vmem>> -> memref<1x128xi32, #tpu.memory_space<vmem>>
      %dma_wait3A_479 = tpu.memref_squeeze %dma_wait3A_478 : memref<1x128xi32, #tpu.memory_space<vmem>> -> memref<128xi32, #tpu.memory_space<vmem>>
      %dma_wait3A_480 = arith.constant 0 : i32
      %dma_wait3A_481 = arith.constant 0 : i32
      %dma_wait3A_482 = tpu.memref_slice %arg3[%dma_wait3A_480, %dma_wait3A_481] : memref<1000000x32xf32, #tpu.memory_space<hbm>> -> memref<1000000x32xf32, #tpu.memory_space<hbm>>
      tpu.wait_indirect_dma semaphore(%arg15 : memref<!tpu.dma_semaphore, #tpu.memory_space<semaphore_mem>>) src(%dma_wait3A_482 : memref<1000000x32xf32, #tpu.memory_space<hbm>>) dst(%dma_wait3A_476 : memref<128x32xf32, #tpu.memory_space<vmem>>)
      %get3A_483 = arith.index_cast %add3A_461 : i32 to index
      %get3A_484 = arith.constant 0 : index
      %get3A_485 = tpu.vector_load %arg8[%get3A_483, %get3A_484] {strides = array<i32>} : memref<200x32xf32, #tpu.memory_space<vmem>>, vector<1x16xf32>,
      %get3A_486 = vector.shape_cast %get3A_485 : vector<1x16xf32> to vector<16xf32>
      %get3A_487 = arith.index_cast %add3A_461 : i32 to index
      %get3A_488 = arith.constant 16 : index
      %get3A_489 = tpu.vector_load %arg8[%get3A_487, %get3A_488] {strides = array<i32>} : memref<200x32xf32, #tpu.memory_space<vmem>>, vector<1x16xf32>,
      %get3A_490 = vector.shape_cast %get3A_489 : vector<1x16xf32> to vector<16xf32>
      %scan3A_491 = arith.constant 0 : i32
      %scan3A_492 = arith.constant 0 : i32
      %scan3A_493 = arith.constant 16 : i32
      %scan3A_494 = arith.addi %scan3A_492, %scan3A_493 : i32
      %scan3A_495 = arith.constant 1 : i32
      scf.for %scan3A_570 = %scan3A_492 to %scan3A_494 step %scan3A_495  : i32 {
        %mul3A_571 = arith.constant 8 : i32
        %mul3A_572 = arith.muli %scan3A_570, %mul3A_571 : i32
        %add3A_573 = arith.constant 0 : i32
        %add3A_574 = arith.addi %mul3A_572, %add3A_573 : i32
        %swap3A = arith.constant 6 : i32
        %swap3A_575 = arith.index_cast %swap3A : i32 to index
        %swap3A_576 = arith.index_cast %add3A_574 : i32 to index
        %swap3A_577 = arith.constant 0 : index
        %swap3A_578 = tpu.vector_load %arg7[%swap3A_575, %swap3A_576, %swap3A_577] {strides = array<i32>} : memref<8x128x32xf32, #tpu.memory_space<vmem>>, vector<1x1x16xf32>,
        %swap3A_579 = vector.shape_cast %swap3A_578 : vector<1x1x16xf32> to vector<16xf32>
        %swap3A_580 = vector.shape_cast %get3A_486 : vector<16xf32> to vector<1x1x16xf32>
        tpu.vector_store %arg7[%swap3A_575, %swap3A_576, %swap3A_577], %swap3A_580 {add = true, strides = array<i32>} : memref<8x128x32xf32, #tpu.memory_space<vmem>>, vector<1x1x16xf32>,
        %swap3A_581 = arith.constant 6 : i32
        %swap3A_582 = arith.index_cast %swap3A_581 : i32 to index
        %swap3A_583 = arith.index_cast %add3A_574 : i32 to index
        %swap3A_584 = arith.constant 16 : index
        %swap3A_585 = tpu.vector_load %arg7[%swap3A_582, %swap3A_583, %swap3A_584] {strides = array<i32>} : memref<8x128x32xf32, #tpu.memory_space<vmem>>, vector<1x1x16xf32>,
        %swap3A_586 = vector.shape_cast %swap3A_585 : vector<1x1x16xf32> to vector<16xf32>
        %swap3A_587 = vector.shape_cast %get3A_490 : vector<16xf32> to vector<1x1x16xf32>
        tpu.vector_store %arg7[%swap3A_582, %swap3A_583, %swap3A_584], %swap3A_587 {add = true, strides = array<i32>} : memref<8x128x32xf32, #tpu.memory_space<vmem>>, vector<1x1x16xf32>,
        %mul3A_588 = arith.constant 8 : i32
        %mul3A_589 = arith.muli %scan3A_570, %mul3A_588 : i32
        %add3A_590 = arith.constant 1 : i32
        %add3A_591 = arith.addi %mul3A_589, %add3A_590 : i32
        %swap3A_592 = arith.constant 6 : i32
        %swap3A_593 = arith.index_cast %swap3A_592 : i32 to index
        %swap3A_594 = arith.index_cast %add3A_591 : i32 to index
        %swap3A_595 = arith.constant 0 : index
        %swap3A_596 = tpu.vector_load %arg7[%swap3A_593, %swap3A_594, %swap3A_595] {strides = array<i32>} : memref<8x128x32xf32, #tpu.memory_space<vmem>>, vector<1x1x16xf32>,
        %swap3A_597 = vector.shape_cast %swap3A_596 : vector<1x1x16xf32> to vector<16xf32>
        %swap3A_598 = vector.shape_cast %get3A_486 : vector<16xf32> to vector<1x1x16xf32>
        tpu.vector_store %arg7[%swap3A_593, %swap3A_594, %swap3A_595], %swap3A_598 {add = true, strides = array<i32>} : memref<8x128x32xf32, #tpu.memory_space<vmem>>, vector<1x1x16xf32>,
        %swap3A_599 = arith.constant 6 : i32
        %swap3A_600 = arith.index_cast %swap3A_599 : i32 to index
        %swap3A_601 = arith.index_cast %add3A_591 : i32 to index
        %swap3A_602 = arith.constant 16 : index
        %swap3A_603 = tpu.vector_load %arg7[%swap3A_600, %swap3A_601, %swap3A_602] {strides = array<i32>} : memref<8x128x32xf32, #tpu.memory_space<vmem>>, vector<1x1x16xf32>,
        %swap3A_604 = vector.shape_cast %swap3A_603 : vector<1x1x16xf32> to vector<16xf32>
        %swap3A_605 = vector.shape_cast %get3A_490 : vector<16xf32> to vector<1x1x16xf32>
        tpu.vector_store %arg7[%swap3A_600, %swap3A_601, %swap3A_602], %swap3A_605 {add = true, strides = array<i32>} : memref<8x128x32xf32, #tpu.memory_space<vmem>>, vector<1x1x16xf32>,
        %mul3A_606 = arith.constant 8 : i32
        %mul3A_607 = arith.muli %scan3A_570, %mul3A_606 : i32
        %add3A_608 = arith.constant 2 : i32
        %add3A_609 = arith.addi %mul3A_607, %add3A_608 : i32
        %swap3A_610 = arith.constant 6 : i32
        %swap3A_611 = arith.index_cast %swap3A_610 : i32 to index
        %swap3A_612 = arith.index_cast %add3A_609 : i32 to index
        %swap3A_613 = arith.constant 0 : index
        %swap3A_614 = tpu.vector_load %arg7[%swap3A_611, %swap3A_612, %swap3A_613] {strides = array<i32>} : memref<8x128x32xf32, #tpu.memory_space<vmem>>, vector<1x1x16xf32>,
        %swap3A_615 = vector.shape_cast %swap3A_614 : vector<1x1x16xf32> to vector<16xf32>
        %swap3A_616 = vector.shape_cast %get3A_486 : vector<16xf32> to vector<1x1x16xf32>
        tpu.vector_store %arg7[%swap3A_611, %swap3A_612, %swap3A_613], %swap3A_616 {add = true, strides = array<i32>} : memref<8x128x32xf32, #tpu.memory_space<vmem>>, vector<1x1x16xf32>,
        %swap3A_617 = arith.constant 6 : i32
        %swap3A_618 = arith.index_cast %swap3A_617 : i32 to index
        %swap3A_619 = arith.index_cast %add3A_609 : i32 to index
        %swap3A_620 = arith.constant 16 : index
        %swap3A_621 = tpu.vector_load %arg7[%swap3A_618, %swap3A_619, %swap3A_620] {strides = array<i32>} : memref<8x128x32xf32, #tpu.memory_space<vmem>>, vector<1x1x16xf32>,
        %swap3A_622 = vector.shape_cast %swap3A_621 : vector<1x1x16xf32> to vector<16xf32>
        %swap3A_623 = vector.shape_cast %get3A_490 : vector<16xf32> to vector<1x1x16xf32>
        tpu.vector_store %arg7[%swap3A_618, %swap3A_619, %swap3A_620], %swap3A_623 {add = true, strides = array<i32>} : memref<8x128x32xf32, #tpu.memory_space<vmem>>, vector<1x1x16xf32>,
        %mul3A_624 = arith.constant 8 : i32
        %mul3A_625 = arith.muli %scan3A_570, %mul3A_624 : i32
        %add3A_626 = arith.constant 3 : i32
        %add3A_627 = arith.addi %mul3A_625, %add3A_626 : i32
        %swap3A_628 = arith.constant 6 : i32
        %swap3A_629 = arith.index_cast %swap3A_628 : i32 to index
        %swap3A_630 = arith.index_cast %add3A_627 : i32 to index
        %swap3A_631 = arith.constant 0 : index
        %swap3A_632 = tpu.vector_load %arg7[%swap3A_629, %swap3A_630, %swap3A_631] {strides = array<i32>} : memref<8x128x32xf32, #tpu.memory_space<vmem>>, vector<1x1x16xf32>,
        %swap3A_633 = vector.shape_cast %swap3A_632 : vector<1x1x16xf32> to vector<16xf32>
        %swap3A_634 = vector.shape_cast %get3A_486 : vector<16xf32> to vector<1x1x16xf32>
        tpu.vector_store %arg7[%swap3A_629, %swap3A_630, %swap3A_631], %swap3A_634 {add = true, strides = array<i32>} : memref<8x128x32xf32, #tpu.memory_space<vmem>>, vector<1x1x16xf32>,
        %swap3A_635 = arith.constant 6 : i32
        %swap3A_636 = arith.index_cast %swap3A_635 : i32 to index
        %swap3A_637 = arith.index_cast %add3A_627 : i32 to index
        %swap3A_638 = arith.constant 16 : index
        %swap3A_639 = tpu.vector_load %arg7[%swap3A_636, %swap3A_637, %swap3A_638] {strides = array<i32>} : memref<8x128x32xf32, #tpu.memory_space<vmem>>, vector<1x1x16xf32>,
        %swap3A_640 = vector.shape_cast %swap3A_639 : vector<1x1x16xf32> to vector<16xf32>
        %swap3A_641 = vector.shape_cast %get3A_490 : vector<16xf32> to vector<1x1x16xf32>
        tpu.vector_store %arg7[%swap3A_636, %swap3A_637, %swap3A_638], %swap3A_641 {add = true, strides = array<i32>} : memref<8x128x32xf32, #tpu.memory_space<vmem>>, vector<1x1x16xf32>,
        %mul3A_642 = arith.constant 8 : i32
        %mul3A_643 = arith.muli %scan3A_570, %mul3A_642 : i32
        %add3A_644 = arith.constant 4 : i32
        %add3A_645 = arith.addi %mul3A_643, %add3A_644 : i32
        %swap3A_646 = arith.constant 6 : i32
        %swap3A_647 = arith.index_cast %swap3A_646 : i32 to index
        %swap3A_648 = arith.index_cast %add3A_645 : i32 to index
        %swap3A_649 = arith.constant 0 : index
        %swap3A_650 = tpu.vector_load %arg7[%swap3A_647, %swap3A_648, %swap3A_649] {strides = array<i32>} : memref<8x128x32xf32, #tpu.memory_space<vmem>>, vector<1x1x16xf32>,
        %swap3A_651 = vector.shape_cast %swap3A_650 : vector<1x1x16xf32> to vector<16xf32>
        %swap3A_652 = vector.shape_cast %get3A_486 : vector<16xf32> to vector<1x1x16xf32>
        tpu.vector_store %arg7[%swap3A_647, %swap3A_648, %swap3A_649], %swap3A_652 {add = true, strides = array<i32>} : memref<8x128x32xf32, #tpu.memory_space<vmem>>, vector<1x1x16xf32>,
        %swap3A_653 = arith.constant 6 : i32
        %swap3A_654 = arith.index_cast %swap3A_653 : i32 to index
        %swap3A_655 = arith.index_cast %add3A_645 : i32 to index
        %swap3A_656 = arith.constant 16 : index
        %swap3A_657 = tpu.vector_load %arg7[%swap3A_654, %swap3A_655, %swap3A_656] {strides = array<i32>} : memref<8x128x32xf32, #tpu.memory_space<vmem>>, vector<1x1x16xf32>,
        %swap3A_658 = vector.shape_cast %swap3A_657 : vector<1x1x16xf32> to vector<16xf32>
        %swap3A_659 = vector.shape_cast %get3A_490 : vector<16xf32> to vector<1x1x16xf32>
        tpu.vector_store %arg7[%swap3A_654, %swap3A_655, %swap3A_656], %swap3A_659 {add = true, strides = array<i32>} : memref<8x128x32xf32, #tpu.memory_space<vmem>>, vector<1x1x16xf32>,
        %mul3A_660 = arith.constant 8 : i32
        %mul3A_661 = arith.muli %scan3A_570, %mul3A_660 : i32
        %add3A_662 = arith.constant 5 : i32
        %add3A_663 = arith.addi %mul3A_661, %add3A_662 : i32
        %swap3A_664 = arith.constant 6 : i32
        %swap3A_665 = arith.index_cast %swap3A_664 : i32 to index
        %swap3A_666 = arith.index_cast %add3A_663 : i32 to index
        %swap3A_667 = arith.constant 0 : index
        %swap3A_668 = tpu.vector_load %arg7[%swap3A_665, %swap3A_666, %swap3A_667] {strides = array<i32>} : memref<8x128x32xf32, #tpu.memory_space<vmem>>, vector<1x1x16xf32>,
        %swap3A_669 = vector.shape_cast %swap3A_668 : vector<1x1x16xf32> to vector<16xf32>
        %swap3A_670 = vector.shape_cast %get3A_486 : vector<16xf32> to vector<1x1x16xf32>
        tpu.vector_store %arg7[%swap3A_665, %swap3A_666, %swap3A_667], %swap3A_670 {add = true, strides = array<i32>} : memref<8x128x32xf32, #tpu.memory_space<vmem>>, vector<1x1x16xf32>,
        %swap3A_671 = arith.constant 6 : i32
        %swap3A_672 = arith.index_cast %swap3A_671 : i32 to index
        %swap3A_673 = arith.index_cast %add3A_663 : i32 to index
        %swap3A_674 = arith.constant 16 : index
        %swap3A_675 = tpu.vector_load %arg7[%swap3A_672, %swap3A_673, %swap3A_674] {strides = array<i32>} : memref<8x128x32xf32, #tpu.memory_space<vmem>>, vector<1x1x16xf32>,
        %swap3A_676 = vector.shape_cast %swap3A_675 : vector<1x1x16xf32> to vector<16xf32>
        %swap3A_677 = vector.shape_cast %get3A_490 : vector<16xf32> to vector<1x1x16xf32>
        tpu.vector_store %arg7[%swap3A_672, %swap3A_673, %swap3A_674], %swap3A_677 {add = true, strides = array<i32>} : memref<8x128x32xf32, #tpu.memory_space<vmem>>, vector<1x1x16xf32>,
        %mul3A_678 = arith.constant 8 : i32
        %mul3A_679 = arith.muli %scan3A_570, %mul3A_678 : i32
        %add3A_680 = arith.constant 6 : i32
        %add3A_681 = arith.addi %mul3A_679, %add3A_680 : i32
        %swap3A_682 = arith.constant 6 : i32
        %swap3A_683 = arith.index_cast %swap3A_682 : i32 to index
        %swap3A_684 = arith.index_cast %add3A_681 : i32 to index
        %swap3A_685 = arith.constant 0 : index
        %swap3A_686 = tpu.vector_load %arg7[%swap3A_683, %swap3A_684, %swap3A_685] {strides = array<i32>} : memref<8x128x32xf32, #tpu.memory_space<vmem>>, vector<1x1x16xf32>,
        %swap3A_687 = vector.shape_cast %swap3A_686 : vector<1x1x16xf32> to vector<16xf32>
        %swap3A_688 = vector.shape_cast %get3A_486 : vector<16xf32> to vector<1x1x16xf32>
        tpu.vector_store %arg7[%swap3A_683, %swap3A_684, %swap3A_685], %swap3A_688 {add = true, strides = array<i32>} : memref<8x128x32xf32, #tpu.memory_space<vmem>>, vector<1x1x16xf32>,
        %swap3A_689 = arith.constant 6 : i32
        %swap3A_690 = arith.index_cast %swap3A_689 : i32 to index
        %swap3A_691 = arith.index_cast %add3A_681 : i32 to index
        %swap3A_692 = arith.constant 16 : index
        %swap3A_693 = tpu.vector_load %arg7[%swap3A_690, %swap3A_691, %swap3A_692] {strides = array<i32>} : memref<8x128x32xf32, #tpu.memory_space<vmem>>, vector<1x1x16xf32>,
        %swap3A_694 = vector.shape_cast %swap3A_693 : vector<1x1x16xf32> to vector<16xf32>
        %swap3A_695 = vector.shape_cast %get3A_490 : vector<16xf32> to vector<1x1x16xf32>
        tpu.vector_store %arg7[%swap3A_690, %swap3A_691, %swap3A_692], %swap3A_695 {add = true, strides = array<i32>} : memref<8x128x32xf32, #tpu.memory_space<vmem>>, vector<1x1x16xf32>,
        %mul3A_696 = arith.constant 8 : i32
        %mul3A_697 = arith.muli %scan3A_570, %mul3A_696 : i32
        %add3A_698 = arith.constant 7 : i32
        %add3A_699 = arith.addi %mul3A_697, %add3A_698 : i32
        %swap3A_700 = arith.constant 6 : i32
        %swap3A_701 = arith.index_cast %swap3A_700 : i32 to index
        %swap3A_702 = arith.index_cast %add3A_699 : i32 to index
        %swap3A_703 = arith.constant 0 : index
        %swap3A_704 = tpu.vector_load %arg7[%swap3A_701, %swap3A_702, %swap3A_703] {strides = array<i32>} : memref<8x128x32xf32, #tpu.memory_space<vmem>>, vector<1x1x16xf32>,
        %swap3A_705 = vector.shape_cast %swap3A_704 : vector<1x1x16xf32> to vector<16xf32>
        %swap3A_706 = vector.shape_cast %get3A_486 : vector<16xf32> to vector<1x1x16xf32>
        tpu.vector_store %arg7[%swap3A_701, %swap3A_702, %swap3A_703], %swap3A_706 {add = true, strides = array<i32>} : memref<8x128x32xf32, #tpu.memory_space<vmem>>, vector<1x1x16xf32>,
        %swap3A_707 = arith.constant 6 : i32
        %swap3A_708 = arith.index_cast %swap3A_707 : i32 to index
        %swap3A_709 = arith.index_cast %add3A_699 : i32 to index
        %swap3A_710 = arith.constant 16 : index
        %swap3A_711 = tpu.vector_load %arg7[%swap3A_708, %swap3A_709, %swap3A_710] {strides = array<i32>} : memref<8x128x32xf32, #tpu.memory_space<vmem>>, vector<1x1x16xf32>,
        %swap3A_712 = vector.shape_cast %swap3A_711 : vector<1x1x16xf32> to vector<16xf32>
        %swap3A_713 = vector.shape_cast %get3A_490 : vector<16xf32> to vector<1x1x16xf32>
        tpu.vector_store %arg7[%swap3A_708, %swap3A_709, %swap3A_710], %swap3A_713 {add = true, strides = array<i32>} : memref<8x128x32xf32, #tpu.memory_space<vmem>>, vector<1x1x16xf32>,
      }
      %scan3A_496 = arith.constant 16 : i32
      %dma_start3A_497 = arith.constant 6 : i32
      %dma_start3A_498 = arith.constant 0 : i32
      %dma_start3A_499 = arith.constant 0 : i32
      %dma_start3A_500 = tpu.memref_slice %arg7[%dma_start3A_497, %dma_start3A_498, %dma_start3A_499] : memref<8x128x32xf32, #tpu.memory_space<vmem>> -> memref<1x128x32xf32, #tpu.memory_space<vmem>>
      %dma_start3A_501 = tpu.memref_squeeze %dma_start3A_500 : memref<1x128x32xf32, #tpu.memory_space<vmem>> -> memref<128x32xf32, #tpu.memory_space<vmem>>
      %dma_start3A_502 = arith.constant 0 : i32
      %dma_start3A_503 = arith.constant 0 : i32
      %dma_start3A_504 = tpu.memref_slice %arg5[%add3A_461, %add3A, %dma_start3A_502, %dma_start3A_503] : memref<200x32x128x32xf32, #tpu.memory_space<hbm>> -> memref<1x1x128x32xf32, #tpu.memory_space<hbm>>
      %dma_start3A_505 = tpu.memref_squeeze %dma_start3A_504 : memref<1x1x128x32xf32, #tpu.memory_space<hbm>> -> memref<128x32xf32, #tpu.memory_space<hbm>>
      %dma_start3A_506 = arith.constant 0 : i32
      %dma_start3A_507 = arith.constant 0 : i32
      %dma_start3A_508 = tpu.memref_slice %arg5[%add3A_461, %add3A, %dma_start3A_506, %dma_start3A_507] : memref<200x32x128x32xf32, #tpu.memory_space<hbm>> -> memref<1x1x128x32xf32, #tpu.memory_space<hbm>>
      %dma_start3A_509 = tpu.memref_squeeze %dma_start3A_508 : memref<1x1x128x32xf32, #tpu.memory_space<hbm>> -> memref<128x32xf32, #tpu.memory_space<hbm>>
      %dma_start3A_510 = arith.constant 0 : i32
      %dma_start3A_511 = arith.constant 0 : i32
      %dma_start3A_512 = tpu.memref_slice %arg7[%dma_start3A_497, %dma_start3A_510, %dma_start3A_511] : memref<8x128x32xf32, #tpu.memory_space<vmem>> -> memref<1x128x32xf32, #tpu.memory_space<vmem>>
      %dma_start3A_513 = tpu.memref_squeeze %dma_start3A_512 : memref<1x128x32xf32, #tpu.memory_space<vmem>> -> memref<128x32xf32, #tpu.memory_space<vmem>>
      tpu.enqueue_dma source(%dma_start3A_513 : memref<128x32xf32, #tpu.memory_space<vmem>>) target(%dma_start3A_509 : memref<128x32xf32, #tpu.memory_space<hbm>>) target_semaphore(%arg23 : memref<!tpu.dma_semaphore, #tpu.memory_space<semaphore_mem>>)
      %mul3A_514 = arith.constant 8 : i32
      %mul3A_515 = arith.muli %scan3A_126, %mul3A_514 : i32
      %add3A_516 = arith.constant 7 : i32
      %add3A_517 = arith.addi %mul3A_515, %add3A_516 : i32
      %ge3A_518 = arith.constant 4 : i32
      %ge3A_519 = arith.cmpi sge, %add3A_517, %ge3A_518 : i32
      %convert_element_type3A_520 = arith.extui %ge3A_519 : i1 to i32
      %cond3A_521 = arith.constant 0 : i32
      %cond3A_522 = arith.cmpi ne, %convert_element_type3A_520, %cond3A_521 : i32
      scf.if %cond3A_522 {
        %sub3A = arith.constant 4 : i32
        %sub3A_570 = arith.subi %add3A_517, %sub3A : i32
        %dma_wait3A_571 = arith.constant 3 : i32
        %dma_wait3A_572 = arith.constant 0 : i32
        %dma_wait3A_573 = arith.constant 0 : i32
        %dma_wait3A_574 = tpu.memref_slice %arg7[%dma_wait3A_571, %dma_wait3A_572, %dma_wait3A_573] : memref<8x128x32xf32, #tpu.memory_space<vmem>> -> memref<1x128x32xf32, #tpu.memory_space<vmem>>
        %dma_wait3A_575 = tpu.memref_squeeze %dma_wait3A_574 : memref<1x128x32xf32, #tpu.memory_space<vmem>> -> memref<128x32xf32, #tpu.memory_space<vmem>>
        %dma_wait3A_576 = arith.constant 0 : i32
        %dma_wait3A_577 = arith.constant 0 : i32
        %dma_wait3A_578 = tpu.memref_slice %arg5[%sub3A_570, %add3A, %dma_wait3A_576, %dma_wait3A_577] : memref<200x32x128x32xf32, #tpu.memory_space<hbm>> -> memref<1x1x128x32xf32, #tpu.memory_space<hbm>>
        %dma_wait3A_579 = tpu.memref_squeeze %dma_wait3A_578 : memref<1x1x128x32xf32, #tpu.memory_space<hbm>> -> memref<128x32xf32, #tpu.memory_space<hbm>>
        %dma_wait3A_580 = arith.constant 0 : i32
        %dma_wait3A_581 = arith.constant 0 : i32
        %dma_wait3A_582 = tpu.memref_slice %arg5[%sub3A_570, %add3A, %dma_wait3A_580, %dma_wait3A_581] : memref<200x32x128x32xf32, #tpu.memory_space<hbm>> -> memref<1x1x128x32xf32, #tpu.memory_space<hbm>>
        %dma_wait3A_583 = tpu.memref_squeeze %dma_wait3A_582 : memref<1x1x128x32xf32, #tpu.memory_space<hbm>> -> memref<128x32xf32, #tpu.memory_space<hbm>>
        %dma_wait3A_584 = arith.constant 0 : i32
        %dma_wait3A_585 = arith.constant 0 : i32
        %dma_wait3A_586 = tpu.memref_slice %arg7[%dma_wait3A_571, %dma_wait3A_584, %dma_wait3A_585] : memref<8x128x32xf32, #tpu.memory_space<vmem>> -> memref<1x128x32xf32, #tpu.memory_space<vmem>>
        %dma_wait3A_587 = tpu.memref_squeeze %dma_wait3A_586 : memref<1x128x32xf32, #tpu.memory_space<vmem>> -> memref<128x32xf32, #tpu.memory_space<vmem>>
        tpu.wait_dma2 semaphore(%arg20 : memref<!tpu.dma_semaphore, #tpu.memory_space<semaphore_mem>>) src(%dma_wait3A_587 : memref<128x32xf32, #tpu.memory_space<vmem>>) dst(%dma_wait3A_583 : memref<128x32xf32, #tpu.memory_space<hbm>>)
      } else {
      }
      %lt3A_523 = arith.constant 196 : i32
      %lt3A_524 = arith.cmpi slt, %add3A_517, %lt3A_523 : i32
      %convert_element_type3A_525 = arith.extui %lt3A_524 : i1 to i32
      %cond3A_526 = arith.constant 0 : i32
      %cond3A_527 = arith.cmpi ne, %convert_element_type3A_525, %cond3A_526 : i32
      scf.if %cond3A_527 {
        %add3A_570 = arith.constant 4 : i32
        %add3A_571 = arith.addi %add3A_517, %add3A_570 : i32
        %dma_start3A_572 = arith.constant 3 : i32
        %dma_start3A_573 = arith.constant 0 : i32
        %dma_start3A_574 = arith.constant 0 : i32
        %dma_start3A_575 = tpu.memref_slice %arg7[%dma_start3A_572, %dma_start3A_573, %dma_start3A_574] : memref<8x128x32xf32, #tpu.memory_space<vmem>> -> memref<1x128x32xf32, #tpu.memory_space<vmem>>
        %dma_start3A_576 = tpu.memref_squeeze %dma_start3A_575 : memref<1x128x32xf32, #tpu.memory_space<vmem>> -> memref<128x32xf32, #tpu.memory_space<vmem>>
        %dma_start3A_577 = arith.constant 0 : i32
        %dma_start3A_578 = tpu.memref_slice %arg6[%add3A_571, %dma_start3A_577] : memref<200x128xi32, #tpu.memory_space<vmem>> -> memref<1x128xi32, #tpu.memory_space<vmem>>
        %dma_start3A_579 = tpu.memref_squeeze %dma_start3A_578 : memref<1x128xi32, #tpu.memory_space<vmem>> -> memref<128xi32, #tpu.memory_space<vmem>>
        %dma_start3A_580 = arith.constant 0 : i32
        %dma_start3A_581 = arith.constant 0 : i32
        %dma_start3A_582 = tpu.memref_slice %arg3[%dma_start3A_580, %dma_start3A_581] : memref<1000000x32xf32, #tpu.memory_space<hbm>> -> memref<1000000x32xf32, #tpu.memory_space<hbm>>
        tpu.enqueue_indirect_dma source(%dma_start3A_582 : memref<1000000x32xf32, #tpu.memory_space<hbm>>) target(%dma_start3A_576 : memref<128x32xf32, #tpu.memory_space<vmem>>) offsets(%dma_start3A_579 : memref<128xi32, #tpu.memory_space<vmem>>) semaphore(%arg12 : memref<!tpu.dma_semaphore, #tpu.memory_space<semaphore_mem>>)
      } else {
      }
      %dma_wait3A_528 = arith.constant 7 : i32
      %dma_wait3A_529 = arith.constant 0 : i32
      %dma_wait3A_530 = arith.constant 0 : i32
      %dma_wait3A_531 = tpu.memref_slice %arg7[%dma_wait3A_528, %dma_wait3A_529, %dma_wait3A_530] : memref<8x128x32xf32, #tpu.memory_space<vmem>> -> memref<1x128x32xf32, #tpu.memory_space<vmem>>
      %dma_wait3A_532 = tpu.memref_squeeze %dma_wait3A_531 : memref<1x128x32xf32, #tpu.memory_space<vmem>> -> memref<128x32xf32, #tpu.memory_space<vmem>>
      %dma_wait3A_533 = arith.constant 0 : i32
      %dma_wait3A_534 = tpu.memref_slice %arg6[%add3A_517, %dma_wait3A_533] : memref<200x128xi32, #tpu.memory_space<vmem>> -> memref<1x128xi32, #tpu.memory_space<vmem>>
      %dma_wait3A_535 = tpu.memref_squeeze %dma_wait3A_534 : memref<1x128xi32, #tpu.memory_space<vmem>> -> memref<128xi32, #tpu.memory_space<vmem>>
      %dma_wait3A_536 = arith.constant 0 : i32
      %dma_wait3A_537 = arith.constant 0 : i32
      %dma_wait3A_538 = tpu.memref_slice %arg3[%dma_wait3A_536, %dma_wait3A_537] : memref<1000000x32xf32, #tpu.memory_space<hbm>> -> memref<1000000x32xf32, #tpu.memory_space<hbm>>
      tpu.wait_indirect_dma semaphore(%arg16 : memref<!tpu.dma_semaphore, #tpu.memory_space<semaphore_mem>>) src(%dma_wait3A_538 : memref<1000000x32xf32, #tpu.memory_space<hbm>>) dst(%dma_wait3A_532 : memref<128x32xf32, #tpu.memory_space<vmem>>)
      %get3A_539 = arith.index_cast %add3A_517 : i32 to index
      %get3A_540 = arith.constant 0 : index
      %get3A_541 = tpu.vector_load %arg8[%get3A_539, %get3A_540] {strides = array<i32>} : memref<200x32xf32, #tpu.memory_space<vmem>>, vector<1x16xf32>,
      %get3A_542 = vector.shape_cast %get3A_541 : vector<1x16xf32> to vector<16xf32>
      %get3A_543 = arith.index_cast %add3A_517 : i32 to index
      %get3A_544 = arith.constant 16 : index
      %get3A_545 = tpu.vector_load %arg8[%get3A_543, %get3A_544] {strides = array<i32>} : memref<200x32xf32, #tpu.memory_space<vmem>>, vector<1x16xf32>,
      %get3A_546 = vector.shape_cast %get3A_545 : vector<1x16xf32> to vector<16xf32>
      %scan3A_547 = arith.constant 0 : i32
      %scan3A_548 = arith.constant 0 : i32
      %scan3A_549 = arith.constant 16 : i32
      %scan3A_550 = arith.addi %scan3A_548, %scan3A_549 : i32
      %scan3A_551 = arith.constant 1 : i32
      scf.for %scan3A_570 = %scan3A_548 to %scan3A_550 step %scan3A_551  : i32 {
        %mul3A_571 = arith.constant 8 : i32
        %mul3A_572 = arith.muli %scan3A_570, %mul3A_571 : i32
        %add3A_573 = arith.constant 0 : i32
        %add3A_574 = arith.addi %mul3A_572, %add3A_573 : i32
        %swap3A = arith.constant 7 : i32
        %swap3A_575 = arith.index_cast %swap3A : i32 to index
        %swap3A_576 = arith.index_cast %add3A_574 : i32 to index
        %swap3A_577 = arith.constant 0 : index
        %swap3A_578 = tpu.vector_load %arg7[%swap3A_575, %swap3A_576, %swap3A_577] {strides = array<i32>} : memref<8x128x32xf32, #tpu.memory_space<vmem>>, vector<1x1x16xf32>,
        %swap3A_579 = vector.shape_cast %swap3A_578 : vector<1x1x16xf32> to vector<16xf32>
        %swap3A_580 = vector.shape_cast %get3A_542 : vector<16xf32> to vector<1x1x16xf32>
        tpu.vector_store %arg7[%swap3A_575, %swap3A_576, %swap3A_577], %swap3A_580 {add = true, strides = array<i32>} : memref<8x128x32xf32, #tpu.memory_space<vmem>>, vector<1x1x16xf32>,
        %swap3A_581 = arith.constant 7 : i32
        %swap3A_582 = arith.index_cast %swap3A_581 : i32 to index
        %swap3A_583 = arith.index_cast %add3A_574 : i32 to index
        %swap3A_584 = arith.constant 16 : index
        %swap3A_585 = tpu.vector_load %arg7[%swap3A_582, %swap3A_583, %swap3A_584] {strides = array<i32>} : memref<8x128x32xf32, #tpu.memory_space<vmem>>, vector<1x1x16xf32>,
        %swap3A_586 = vector.shape_cast %swap3A_585 : vector<1x1x16xf32> to vector<16xf32>
        %swap3A_587 = vector.shape_cast %get3A_546 : vector<16xf32> to vector<1x1x16xf32>
        tpu.vector_store %arg7[%swap3A_582, %swap3A_583, %swap3A_584], %swap3A_587 {add = true, strides = array<i32>} : memref<8x128x32xf32, #tpu.memory_space<vmem>>, vector<1x1x16xf32>,
        %mul3A_588 = arith.constant 8 : i32
        %mul3A_589 = arith.muli %scan3A_570, %mul3A_588 : i32
        %add3A_590 = arith.constant 1 : i32
        %add3A_591 = arith.addi %mul3A_589, %add3A_590 : i32
        %swap3A_592 = arith.constant 7 : i32
        %swap3A_593 = arith.index_cast %swap3A_592 : i32 to index
        %swap3A_594 = arith.index_cast %add3A_591 : i32 to index
        %swap3A_595 = arith.constant 0 : index
        %swap3A_596 = tpu.vector_load %arg7[%swap3A_593, %swap3A_594, %swap3A_595] {strides = array<i32>} : memref<8x128x32xf32, #tpu.memory_space<vmem>>, vector<1x1x16xf32>,
        %swap3A_597 = vector.shape_cast %swap3A_596 : vector<1x1x16xf32> to vector<16xf32>
        %swap3A_598 = vector.shape_cast %get3A_542 : vector<16xf32> to vector<1x1x16xf32>
        tpu.vector_store %arg7[%swap3A_593, %swap3A_594, %swap3A_595], %swap3A_598 {add = true, strides = array<i32>} : memref<8x128x32xf32, #tpu.memory_space<vmem>>, vector<1x1x16xf32>,
        %swap3A_599 = arith.constant 7 : i32
        %swap3A_600 = arith.index_cast %swap3A_599 : i32 to index
        %swap3A_601 = arith.index_cast %add3A_591 : i32 to index
        %swap3A_602 = arith.constant 16 : index
        %swap3A_603 = tpu.vector_load %arg7[%swap3A_600, %swap3A_601, %swap3A_602] {strides = array<i32>} : memref<8x128x32xf32, #tpu.memory_space<vmem>>, vector<1x1x16xf32>,
        %swap3A_604 = vector.shape_cast %swap3A_603 : vector<1x1x16xf32> to vector<16xf32>
        %swap3A_605 = vector.shape_cast %get3A_546 : vector<16xf32> to vector<1x1x16xf32>
        tpu.vector_store %arg7[%swap3A_600, %swap3A_601, %swap3A_602], %swap3A_605 {add = true, strides = array<i32>} : memref<8x128x32xf32, #tpu.memory_space<vmem>>, vector<1x1x16xf32>,
        %mul3A_606 = arith.constant 8 : i32
        %mul3A_607 = arith.muli %scan3A_570, %mul3A_606 : i32
        %add3A_608 = arith.constant 2 : i32
        %add3A_609 = arith.addi %mul3A_607, %add3A_608 : i32
        %swap3A_610 = arith.constant 7 : i32
        %swap3A_611 = arith.index_cast %swap3A_610 : i32 to index
        %swap3A_612 = arith.index_cast %add3A_609 : i32 to index
        %swap3A_613 = arith.constant 0 : index
        %swap3A_614 = tpu.vector_load %arg7[%swap3A_611, %swap3A_612, %swap3A_613] {strides = array<i32>} : memref<8x128x32xf32, #tpu.memory_space<vmem>>, vector<1x1x16xf32>,
        %swap3A_615 = vector.shape_cast %swap3A_614 : vector<1x1x16xf32> to vector<16xf32>
        %swap3A_616 = vector.shape_cast %get3A_542 : vector<16xf32> to vector<1x1x16xf32>
        tpu.vector_store %arg7[%swap3A_611, %swap3A_612, %swap3A_613], %swap3A_616 {add = true, strides = array<i32>} : memref<8x128x32xf32, #tpu.memory_space<vmem>>, vector<1x1x16xf32>,
        %swap3A_617 = arith.constant 7 : i32
        %swap3A_618 = arith.index_cast %swap3A_617 : i32 to index
        %swap3A_619 = arith.index_cast %add3A_609 : i32 to index
        %swap3A_620 = arith.constant 16 : index
        %swap3A_621 = tpu.vector_load %arg7[%swap3A_618, %swap3A_619, %swap3A_620] {strides = array<i32>} : memref<8x128x32xf32, #tpu.memory_space<vmem>>, vector<1x1x16xf32>,
        %swap3A_622 = vector.shape_cast %swap3A_621 : vector<1x1x16xf32> to vector<16xf32>
        %swap3A_623 = vector.shape_cast %get3A_546 : vector<16xf32> to vector<1x1x16xf32>
        tpu.vector_store %arg7[%swap3A_618, %swap3A_619, %swap3A_620], %swap3A_623 {add = true, strides = array<i32>} : memref<8x128x32xf32, #tpu.memory_space<vmem>>, vector<1x1x16xf32>,
        %mul3A_624 = arith.constant 8 : i32
        %mul3A_625 = arith.muli %scan3A_570, %mul3A_624 : i32
        %add3A_626 = arith.constant 3 : i32
        %add3A_627 = arith.addi %mul3A_625, %add3A_626 : i32
        %swap3A_628 = arith.constant 7 : i32
        %swap3A_629 = arith.index_cast %swap3A_628 : i32 to index
        %swap3A_630 = arith.index_cast %add3A_627 : i32 to index
        %swap3A_631 = arith.constant 0 : index
        %swap3A_632 = tpu.vector_load %arg7[%swap3A_629, %swap3A_630, %swap3A_631] {strides = array<i32>} : memref<8x128x32xf32, #tpu.memory_space<vmem>>, vector<1x1x16xf32>,
        %swap3A_633 = vector.shape_cast %swap3A_632 : vector<1x1x16xf32> to vector<16xf32>
        %swap3A_634 = vector.shape_cast %get3A_542 : vector<16xf32> to vector<1x1x16xf32>
        tpu.vector_store %arg7[%swap3A_629, %swap3A_630, %swap3A_631], %swap3A_634 {add = true, strides = array<i32>} : memref<8x128x32xf32, #tpu.memory_space<vmem>>, vector<1x1x16xf32>,
        %swap3A_635 = arith.constant 7 : i32
        %swap3A_636 = arith.index_cast %swap3A_635 : i32 to index
        %swap3A_637 = arith.index_cast %add3A_627 : i32 to index
        %swap3A_638 = arith.constant 16 : index
        %swap3A_639 = tpu.vector_load %arg7[%swap3A_636, %swap3A_637, %swap3A_638] {strides = array<i32>} : memref<8x128x32xf32, #tpu.memory_space<vmem>>, vector<1x1x16xf32>,
        %swap3A_640 = vector.shape_cast %swap3A_639 : vector<1x1x16xf32> to vector<16xf32>
        %swap3A_641 = vector.shape_cast %get3A_546 : vector<16xf32> to vector<1x1x16xf32>
        tpu.vector_store %arg7[%swap3A_636, %swap3A_637, %swap3A_638], %swap3A_641 {add = true, strides = array<i32>} : memref<8x128x32xf32, #tpu.memory_space<vmem>>, vector<1x1x16xf32>,
        %mul3A_642 = arith.constant 8 : i32
        %mul3A_643 = arith.muli %scan3A_570, %mul3A_642 : i32
        %add3A_644 = arith.constant 4 : i32
        %add3A_645 = arith.addi %mul3A_643, %add3A_644 : i32
        %swap3A_646 = arith.constant 7 : i32
        %swap3A_647 = arith.index_cast %swap3A_646 : i32 to index
        %swap3A_648 = arith.index_cast %add3A_645 : i32 to index
        %swap3A_649 = arith.constant 0 : index
        %swap3A_650 = tpu.vector_load %arg7[%swap3A_647, %swap3A_648, %swap3A_649] {strides = array<i32>} : memref<8x128x32xf32, #tpu.memory_space<vmem>>, vector<1x1x16xf32>,
        %swap3A_651 = vector.shape_cast %swap3A_650 : vector<1x1x16xf32> to vector<16xf32>
        %swap3A_652 = vector.shape_cast %get3A_542 : vector<16xf32> to vector<1x1x16xf32>
        tpu.vector_store %arg7[%swap3A_647, %swap3A_648, %swap3A_649], %swap3A_652 {add = true, strides = array<i32>} : memref<8x128x32xf32, #tpu.memory_space<vmem>>, vector<1x1x16xf32>,
        %swap3A_653 = arith.constant 7 : i32
        %swap3A_654 = arith.index_cast %swap3A_653 : i32 to index
        %swap3A_655 = arith.index_cast %add3A_645 : i32 to index
        %swap3A_656 = arith.constant 16 : index
        %swap3A_657 = tpu.vector_load %arg7[%swap3A_654, %swap3A_655, %swap3A_656] {strides = array<i32>} : memref<8x128x32xf32, #tpu.memory_space<vmem>>, vector<1x1x16xf32>,
        %swap3A_658 = vector.shape_cast %swap3A_657 : vector<1x1x16xf32> to vector<16xf32>
        %swap3A_659 = vector.shape_cast %get3A_546 : vector<16xf32> to vector<1x1x16xf32>
        tpu.vector_store %arg7[%swap3A_654, %swap3A_655, %swap3A_656], %swap3A_659 {add = true, strides = array<i32>} : memref<8x128x32xf32, #tpu.memory_space<vmem>>, vector<1x1x16xf32>,
        %mul3A_660 = arith.constant 8 : i32
        %mul3A_661 = arith.muli %scan3A_570, %mul3A_660 : i32
        %add3A_662 = arith.constant 5 : i32
        %add3A_663 = arith.addi %mul3A_661, %add3A_662 : i32
        %swap3A_664 = arith.constant 7 : i32
        %swap3A_665 = arith.index_cast %swap3A_664 : i32 to index
        %swap3A_666 = arith.index_cast %add3A_663 : i32 to index
        %swap3A_667 = arith.constant 0 : index
        %swap3A_668 = tpu.vector_load %arg7[%swap3A_665, %swap3A_666, %swap3A_667] {strides = array<i32>} : memref<8x128x32xf32, #tpu.memory_space<vmem>>, vector<1x1x16xf32>,
        %swap3A_669 = vector.shape_cast %swap3A_668 : vector<1x1x16xf32> to vector<16xf32>
        %swap3A_670 = vector.shape_cast %get3A_542 : vector<16xf32> to vector<1x1x16xf32>
        tpu.vector_store %arg7[%swap3A_665, %swap3A_666, %swap3A_667], %swap3A_670 {add = true, strides = array<i32>} : memref<8x128x32xf32, #tpu.memory_space<vmem>>, vector<1x1x16xf32>,
        %swap3A_671 = arith.constant 7 : i32
        %swap3A_672 = arith.index_cast %swap3A_671 : i32 to index
        %swap3A_673 = arith.index_cast %add3A_663 : i32 to index
        %swap3A_674 = arith.constant 16 : index
        %swap3A_675 = tpu.vector_load %arg7[%swap3A_672, %swap3A_673, %swap3A_674] {strides = array<i32>} : memref<8x128x32xf32, #tpu.memory_space<vmem>>, vector<1x1x16xf32>,
        %swap3A_676 = vector.shape_cast %swap3A_675 : vector<1x1x16xf32> to vector<16xf32>
        %swap3A_677 = vector.shape_cast %get3A_546 : vector<16xf32> to vector<1x1x16xf32>
        tpu.vector_store %arg7[%swap3A_672, %swap3A_673, %swap3A_674], %swap3A_677 {add = true, strides = array<i32>} : memref<8x128x32xf32, #tpu.memory_space<vmem>>, vector<1x1x16xf32>,
        %mul3A_678 = arith.constant 8 : i32
        %mul3A_679 = arith.muli %scan3A_570, %mul3A_678 : i32
        %add3A_680 = arith.constant 6 : i32
        %add3A_681 = arith.addi %mul3A_679, %add3A_680 : i32
        %swap3A_682 = arith.constant 7 : i32
        %swap3A_683 = arith.index_cast %swap3A_682 : i32 to index
        %swap3A_684 = arith.index_cast %add3A_681 : i32 to index
        %swap3A_685 = arith.constant 0 : index
        %swap3A_686 = tpu.vector_load %arg7[%swap3A_683, %swap3A_684, %swap3A_685] {strides = array<i32>} : memref<8x128x32xf32, #tpu.memory_space<vmem>>, vector<1x1x16xf32>,
        %swap3A_687 = vector.shape_cast %swap3A_686 : vector<1x1x16xf32> to vector<16xf32>
        %swap3A_688 = vector.shape_cast %get3A_542 : vector<16xf32> to vector<1x1x16xf32>
        tpu.vector_store %arg7[%swap3A_683, %swap3A_684, %swap3A_685], %swap3A_688 {add = true, strides = array<i32>} : memref<8x128x32xf32, #tpu.memory_space<vmem>>, vector<1x1x16xf32>,
        %swap3A_689 = arith.constant 7 : i32
        %swap3A_690 = arith.index_cast %swap3A_689 : i32 to index
        %swap3A_691 = arith.index_cast %add3A_681 : i32 to index
        %swap3A_692 = arith.constant 16 : index
        %swap3A_693 = tpu.vector_load %arg7[%swap3A_690, %swap3A_691, %swap3A_692] {strides = array<i32>} : memref<8x128x32xf32, #tpu.memory_space<vmem>>, vector<1x1x16xf32>,
        %swap3A_694 = vector.shape_cast %swap3A_693 : vector<1x1x16xf32> to vector<16xf32>
        %swap3A_695 = vector.shape_cast %get3A_546 : vector<16xf32> to vector<1x1x16xf32>
        tpu.vector_store %arg7[%swap3A_690, %swap3A_691, %swap3A_692], %swap3A_695 {add = true, strides = array<i32>} : memref<8x128x32xf32, #tpu.memory_space<vmem>>, vector<1x1x16xf32>,
        %mul3A_696 = arith.constant 8 : i32
        %mul3A_697 = arith.muli %scan3A_570, %mul3A_696 : i32
        %add3A_698 = arith.constant 7 : i32
        %add3A_699 = arith.addi %mul3A_697, %add3A_698 : i32
        %swap3A_700 = arith.constant 7 : i32
        %swap3A_701 = arith.index_cast %swap3A_700 : i32 to index
        %swap3A_702 = arith.index_cast %add3A_699 : i32 to index
        %swap3A_703 = arith.constant 0 : index
        %swap3A_704 = tpu.vector_load %arg7[%swap3A_701, %swap3A_702, %swap3A_703] {strides = array<i32>} : memref<8x128x32xf32, #tpu.memory_space<vmem>>, vector<1x1x16xf32>,
        %swap3A_705 = vector.shape_cast %swap3A_704 : vector<1x1x16xf32> to vector<16xf32>
        %swap3A_706 = vector.shape_cast %get3A_542 : vector<16xf32> to vector<1x1x16xf32>
        tpu.vector_store %arg7[%swap3A_701, %swap3A_702, %swap3A_703], %swap3A_706 {add = true, strides = array<i32>} : memref<8x128x32xf32, #tpu.memory_space<vmem>>, vector<1x1x16xf32>,
        %swap3A_707 = arith.constant 7 : i32
        %swap3A_708 = arith.index_cast %swap3A_707 : i32 to index
        %swap3A_709 = arith.index_cast %add3A_699 : i32 to index
        %swap3A_710 = arith.constant 16 : index
        %swap3A_711 = tpu.vector_load %arg7[%swap3A_708, %swap3A_709, %swap3A_710] {strides = array<i32>} : memref<8x128x32xf32, #tpu.memory_space<vmem>>, vector<1x1x16xf32>,
        %swap3A_712 = vector.shape_cast %swap3A_711 : vector<1x1x16xf32> to vector<16xf32>
        %swap3A_713 = vector.shape_cast %get3A_546 : vector<16xf32> to vector<1x1x16xf32>
        tpu.vector_store %arg7[%swap3A_708, %swap3A_709, %swap3A_710], %swap3A_713 {add = true, strides = array<i32>} : memref<8x128x32xf32, #tpu.memory_space<vmem>>, vector<1x1x16xf32>,
      }
      %scan3A_552 = arith.constant 16 : i32
      %dma_start3A_553 = arith.constant 7 : i32
      %dma_start3A_554 = arith.constant 0 : i32
      %dma_start3A_555 = arith.constant 0 : i32
      %dma_start3A_556 = tpu.memref_slice %arg7[%dma_start3A_553, %dma_start3A_554, %dma_start3A_555] : memref<8x128x32xf32, #tpu.memory_space<vmem>> -> memref<1x128x32xf32, #tpu.memory_space<vmem>>
      %dma_start3A_557 = tpu.memref_squeeze %dma_start3A_556 : memref<1x128x32xf32, #tpu.memory_space<vmem>> -> memref<128x32xf32, #tpu.memory_space<vmem>>
      %dma_start3A_558 = arith.constant 0 : i32
      %dma_start3A_559 = arith.constant 0 : i32
      %dma_start3A_560 = tpu.memref_slice %arg5[%add3A_517, %add3A, %dma_start3A_558, %dma_start3A_559] : memref<200x32x128x32xf32, #tpu.memory_space<hbm>> -> memref<1x1x128x32xf32, #tpu.memory_space<hbm>>
      %dma_start3A_561 = tpu.memref_squeeze %dma_start3A_560 : memref<1x1x128x32xf32, #tpu.memory_space<hbm>> -> memref<128x32xf32, #tpu.memory_space<hbm>>
      %dma_start3A_562 = arith.constant 0 : i32
      %dma_start3A_563 = arith.constant 0 : i32
      %dma_start3A_564 = tpu.memref_slice %arg5[%add3A_517, %add3A, %dma_start3A_562, %dma_start3A_563] : memref<200x32x128x32xf32, #tpu.memory_space<hbm>> -> memref<1x1x128x32xf32, #tpu.memory_space<hbm>>
      %dma_start3A_565 = tpu.memref_squeeze %dma_start3A_564 : memref<1x1x128x32xf32, #tpu.memory_space<hbm>> -> memref<128x32xf32, #tpu.memory_space<hbm>>
      %dma_start3A_566 = arith.constant 0 : i32
      %dma_start3A_567 = arith.constant 0 : i32
      %dma_start3A_568 = tpu.memref_slice %arg7[%dma_start3A_553, %dma_start3A_566, %dma_start3A_567] : memref<8x128x32xf32, #tpu.memory_space<vmem>> -> memref<1x128x32xf32, #tpu.memory_space<vmem>>
      %dma_start3A_569 = tpu.memref_squeeze %dma_start3A_568 : memref<1x128x32xf32, #tpu.memory_space<vmem>> -> memref<128x32xf32, #tpu.memory_space<vmem>>
      tpu.enqueue_dma source(%dma_start3A_569 : memref<128x32xf32, #tpu.memory_space<vmem>>) target(%dma_start3A_565 : memref<128x32xf32, #tpu.memory_space<hbm>>) target_semaphore(%arg24 : memref<!tpu.dma_semaphore, #tpu.memory_space<semaphore_mem>>)
    }
    %scan3A_54 = arith.constant 25 : i32
    %dma_wait3A = arith.constant 4 : i32
    %dma_wait3A_55 = arith.constant 196 : i32
    %dma_wait3A_56 = arith.constant 0 : i32
    %dma_wait3A_57 = arith.constant 0 : i32
    %dma_wait3A_58 = tpu.memref_slice %arg7[%dma_wait3A, %dma_wait3A_56, %dma_wait3A_57] : memref<8x128x32xf32, #tpu.memory_space<vmem>> -> memref<1x128x32xf32, #tpu.memory_space<vmem>>
    %dma_wait3A_59 = tpu.memref_squeeze %dma_wait3A_58 : memref<1x128x32xf32, #tpu.memory_space<vmem>> -> memref<128x32xf32, #tpu.memory_space<vmem>>
    %dma_wait3A_60 = arith.constant 0 : i32
    %dma_wait3A_61 = arith.constant 0 : i32
    %dma_wait3A_62 = tpu.memref_slice %arg5[%dma_wait3A_55, %add3A, %dma_wait3A_60, %dma_wait3A_61] : memref<200x32x128x32xf32, #tpu.memory_space<hbm>> -> memref<1x1x128x32xf32, #tpu.memory_space<hbm>>
    %dma_wait3A_63 = tpu.memref_squeeze %dma_wait3A_62 : memref<1x1x128x32xf32, #tpu.memory_space<hbm>> -> memref<128x32xf32, #tpu.memory_space<hbm>>
    %dma_wait3A_64 = arith.constant 0 : i32
    %dma_wait3A_65 = arith.constant 0 : i32
    %dma_wait3A_66 = tpu.memref_slice %arg5[%dma_wait3A_55, %add3A, %dma_wait3A_64, %dma_wait3A_65] : memref<200x32x128x32xf32, #tpu.memory_space<hbm>> -> memref<1x1x128x32xf32, #tpu.memory_space<hbm>>
    %dma_wait3A_67 = tpu.memref_squeeze %dma_wait3A_66 : memref<1x1x128x32xf32, #tpu.memory_space<hbm>> -> memref<128x32xf32, #tpu.memory_space<hbm>>
    %dma_wait3A_68 = arith.constant 0 : i32
    %dma_wait3A_69 = arith.constant 0 : i32
    %dma_wait3A_70 = tpu.memref_slice %arg7[%dma_wait3A, %dma_wait3A_68, %dma_wait3A_69] : memref<8x128x32xf32, #tpu.memory_space<vmem>> -> memref<1x128x32xf32, #tpu.memory_space<vmem>>
    %dma_wait3A_71 = tpu.memref_squeeze %dma_wait3A_70 : memref<1x128x32xf32, #tpu.memory_space<vmem>> -> memref<128x32xf32, #tpu.memory_space<vmem>>
    tpu.wait_dma2 semaphore(%arg21 : memref<!tpu.dma_semaphore, #tpu.memory_space<semaphore_mem>>) src(%dma_wait3A_71 : memref<128x32xf32, #tpu.memory_space<vmem>>) dst(%dma_wait3A_67 : memref<128x32xf32, #tpu.memory_space<hbm>>)
    %dma_wait3A_72 = arith.constant 5 : i32
    %dma_wait3A_73 = arith.constant 197 : i32
    %dma_wait3A_74 = arith.constant 0 : i32
    %dma_wait3A_75 = arith.constant 0 : i32
    %dma_wait3A_76 = tpu.memref_slice %arg7[%dma_wait3A_72, %dma_wait3A_74, %dma_wait3A_75] : memref<8x128x32xf32, #tpu.memory_space<vmem>> -> memref<1x128x32xf32, #tpu.memory_space<vmem>>
    %dma_wait3A_77 = tpu.memref_squeeze %dma_wait3A_76 : memref<1x128x32xf32, #tpu.memory_space<vmem>> -> memref<128x32xf32, #tpu.memory_space<vmem>>
    %dma_wait3A_78 = arith.constant 0 : i32
    %dma_wait3A_79 = arith.constant 0 : i32
    %dma_wait3A_80 = tpu.memref_slice %arg5[%dma_wait3A_73, %add3A, %dma_wait3A_78, %dma_wait3A_79] : memref<200x32x128x32xf32, #tpu.memory_space<hbm>> -> memref<1x1x128x32xf32, #tpu.memory_space<hbm>>
    %dma_wait3A_81 = tpu.memref_squeeze %dma_wait3A_80 : memref<1x1x128x32xf32, #tpu.memory_space<hbm>> -> memref<128x32xf32, #tpu.memory_space<hbm>>
    %dma_wait3A_82 = arith.constant 0 : i32
    %dma_wait3A_83 = arith.constant 0 : i32
    %dma_wait3A_84 = tpu.memref_slice %arg5[%dma_wait3A_73, %add3A, %dma_wait3A_82, %dma_wait3A_83] : memref<200x32x128x32xf32, #tpu.memory_space<hbm>> -> memref<1x1x128x32xf32, #tpu.memory_space<hbm>>
    %dma_wait3A_85 = tpu.memref_squeeze %dma_wait3A_84 : memref<1x1x128x32xf32, #tpu.memory_space<hbm>> -> memref<128x32xf32, #tpu.memory_space<hbm>>
    %dma_wait3A_86 = arith.constant 0 : i32
    %dma_wait3A_87 = arith.constant 0 : i32
    %dma_wait3A_88 = tpu.memref_slice %arg7[%dma_wait3A_72, %dma_wait3A_86, %dma_wait3A_87] : memref<8x128x32xf32, #tpu.memory_space<vmem>> -> memref<1x128x32xf32, #tpu.memory_space<vmem>>
    %dma_wait3A_89 = tpu.memref_squeeze %dma_wait3A_88 : memref<1x128x32xf32, #tpu.memory_space<vmem>> -> memref<128x32xf32, #tpu.memory_space<vmem>>
    tpu.wait_dma2 semaphore(%arg22 : memref<!tpu.dma_semaphore, #tpu.memory_space<semaphore_mem>>) src(%dma_wait3A_89 : memref<128x32xf32, #tpu.memory_space<vmem>>) dst(%dma_wait3A_85 : memref<128x32xf32, #tpu.memory_space<hbm>>)
    %dma_wait3A_90 = arith.constant 6 : i32
    %dma_wait3A_91 = arith.constant 198 : i32
    %dma_wait3A_92 = arith.constant 0 : i32
    %dma_wait3A_93 = arith.constant 0 : i32
    %dma_wait3A_94 = tpu.memref_slice %arg7[%dma_wait3A_90, %dma_wait3A_92, %dma_wait3A_93] : memref<8x128x32xf32, #tpu.memory_space<vmem>> -> memref<1x128x32xf32, #tpu.memory_space<vmem>>
    %dma_wait3A_95 = tpu.memref_squeeze %dma_wait3A_94 : memref<1x128x32xf32, #tpu.memory_space<vmem>> -> memref<128x32xf32, #tpu.memory_space<vmem>>
    %dma_wait3A_96 = arith.constant 0 : i32
    %dma_wait3A_97 = arith.constant 0 : i32
    %dma_wait3A_98 = tpu.memref_slice %arg5[%dma_wait3A_91, %add3A, %dma_wait3A_96, %dma_wait3A_97] : memref<200x32x128x32xf32, #tpu.memory_space<hbm>> -> memref<1x1x128x32xf32, #tpu.memory_space<hbm>>
    %dma_wait3A_99 = tpu.memref_squeeze %dma_wait3A_98 : memref<1x1x128x32xf32, #tpu.memory_space<hbm>> -> memref<128x32xf32, #tpu.memory_space<hbm>>
    %dma_wait3A_100 = arith.constant 0 : i32
    %dma_wait3A_101 = arith.constant 0 : i32
    %dma_wait3A_102 = tpu.memref_slice %arg5[%dma_wait3A_91, %add3A, %dma_wait3A_100, %dma_wait3A_101] : memref<200x32x128x32xf32, #tpu.memory_space<hbm>> -> memref<1x1x128x32xf32, #tpu.memory_space<hbm>>
    %dma_wait3A_103 = tpu.memref_squeeze %dma_wait3A_102 : memref<1x1x128x32xf32, #tpu.memory_space<hbm>> -> memref<128x32xf32, #tpu.memory_space<hbm>>
    %dma_wait3A_104 = arith.constant 0 : i32
    %dma_wait3A_105 = arith.constant 0 : i32
    %dma_wait3A_106 = tpu.memref_slice %arg7[%dma_wait3A_90, %dma_wait3A_104, %dma_wait3A_105] : memref<8x128x32xf32, #tpu.memory_space<vmem>> -> memref<1x128x32xf32, #tpu.memory_space<vmem>>
    %dma_wait3A_107 = tpu.memref_squeeze %dma_wait3A_106 : memref<1x128x32xf32, #tpu.memory_space<vmem>> -> memref<128x32xf32, #tpu.memory_space<vmem>>
    tpu.wait_dma2 semaphore(%arg23 : memref<!tpu.dma_semaphore, #tpu.memory_space<semaphore_mem>>) src(%dma_wait3A_107 : memref<128x32xf32, #tpu.memory_space<vmem>>) dst(%dma_wait3A_103 : memref<128x32xf32, #tpu.memory_space<hbm>>)
    %dma_wait3A_108 = arith.constant 7 : i32
    %dma_wait3A_109 = arith.constant 199 : i32
    %dma_wait3A_110 = arith.constant 0 : i32
    %dma_wait3A_111 = arith.constant 0 : i32
    %dma_wait3A_112 = tpu.memref_slice %arg7[%dma_wait3A_108, %dma_wait3A_110, %dma_wait3A_111] : memref<8x128x32xf32, #tpu.memory_space<vmem>> -> memref<1x128x32xf32, #tpu.memory_space<vmem>>
    %dma_wait3A_113 = tpu.memref_squeeze %dma_wait3A_112 : memref<1x128x32xf32, #tpu.memory_space<vmem>> -> memref<128x32xf32, #tpu.memory_space<vmem>>
    %dma_wait3A_114 = arith.constant 0 : i32
    %dma_wait3A_115 = arith.constant 0 : i32
    %dma_wait3A_116 = tpu.memref_slice %arg5[%dma_wait3A_109, %add3A, %dma_wait3A_114, %dma_wait3A_115] : memref<200x32x128x32xf32, #tpu.memory_space<hbm>> -> memref<1x1x128x32xf32, #tpu.memory_space<hbm>>
    %dma_wait3A_117 = tpu.memref_squeeze %dma_wait3A_116 : memref<1x1x128x32xf32, #tpu.memory_space<hbm>> -> memref<128x32xf32, #tpu.memory_space<hbm>>
    %dma_wait3A_118 = arith.constant 0 : i32
    %dma_wait3A_119 = arith.constant 0 : i32
    %dma_wait3A_120 = tpu.memref_slice %arg5[%dma_wait3A_109, %add3A, %dma_wait3A_118, %dma_wait3A_119] : memref<200x32x128x32xf32, #tpu.memory_space<hbm>> -> memref<1x1x128x32xf32, #tpu.memory_space<hbm>>
    %dma_wait3A_121 = tpu.memref_squeeze %dma_wait3A_120 : memref<1x1x128x32xf32, #tpu.memory_space<hbm>> -> memref<128x32xf32, #tpu.memory_space<hbm>>
    %dma_wait3A_122 = arith.constant 0 : i32
    %dma_wait3A_123 = arith.constant 0 : i32
    %dma_wait3A_124 = tpu.memref_slice %arg7[%dma_wait3A_108, %dma_wait3A_122, %dma_wait3A_123] : memref<8x128x32xf32, #tpu.memory_space<vmem>> -> memref<1x128x32xf32, #tpu.memory_space<vmem>>
    %dma_wait3A_125 = tpu.memref_squeeze %dma_wait3A_124 : memref<1x128x32xf32, #tpu.memory_space<vmem>> -> memref<128x32xf32, #tpu.memory_space<vmem>>
    tpu.wait_dma2 semaphore(%arg24 : memref<!tpu.dma_semaphore, #tpu.memory_space<semaphore_mem>>) src(%dma_wait3A_125 : memref<128x32xf32, #tpu.memory_space<vmem>>) dst(%dma_wait3A_121 : memref<128x32xf32, #tpu.memory_space<hbm>>)
    return
  }
}

</mosaic_0001>

<sc_bundles>
// kernel: kernel.3.cloned.1.call-start
scs
__scs_entry_jumppad:
0x0: {  	(pc) =	sbr.rel $0x88, $3  }
0x1: {  	(tag) =	ssettag $0x0;
	lr =	simm.s32 $0x1  }
0x2: {  	[smem:$0x3F9E] =	sst lr;
	_ =	strace $0xD0000000  }
0x3: {  	_ = 	snop  }
0x4: {  	_ = 	snop  }
0x5: {  	_ = 	snop  }
0x6: {  	_ = 	snop  }
0x7: {  	_ = 	snop  }
__scs_overlays_trampoline_lowered:
0x8: {  	[smem:$0x3FAD] =	sst s0  }
0x9: {  	[smem:$0x3FAE] =	sst s1  }
0xa: {  	[smem:$0x3FAF] =	sst s2  }
0xb: {  	[smem:$0x3FB0] =	sst s3  }
0xc: {  	[smem:$0x3FB1] =	sst s4  }
0xd: {  	[smem:$0x3FB2] =	sst s5  }
0xe: {  	[smem:$0x3FB3] =	sst s6  }
0xf: {  	[smem:$0x3FB4] =	sst s7  }
0x10: {  	[smem:$0x3FB5] =	sst s8  }
0x11: {  	[smem:$0x3FB6] =	sst s9;
	s0 =	simm.s32 @!p0 $0x0  }
0x12: {  	s1 =	sld [smem:$0x3F9C];
	s0 =	simm.s32 @p0 $0x1  }
0x13: {  	[smem:$0x3FB7] =	sst s0;
	s0 =	simm.s32 @!p1 $0x0  }
0x14: {  	s2 =	sld [smem:$0x3F9B];
	s0 =	simm.s32 @p1 $0x1  }
0x15: {  	[smem:$0x3FB8] =	sst s0;
	s0 =	simm.s32 @!p2 $0x0  }
0x16: {  	s3 =	sld [smem:$0x3FDB];
	s0 =	simm.s32 @p2 $0x1  }
0x17: {  	s4 =	simm.s32 $0x1BF5;
	[smem:$0x3FBA] =	sst s0  }
0x18: {  	s0 =	sld [smem:$0x3F9D];
	_ =	swait.ge [sflag:s4], $0x0  }
0x19: {  	s7 =	sld [smem:$0x3F9E]  }
0x1a: {  	s8 =	sadd.s32 $0xFFFFE003, lr  }
0x1b: {  	s9 =	sadd.s32 $0xFFFFFEF7, lr;
	s5 =	simm.s32 $0xFFFFFFFF;
	p2 =	slt.u32 s8, $0xFFFFF086  }
0x1c: {  	p1 =	slt.u32 s9, $0xF7A;
	s5 =	simm.s32 @!p2 $0x0  }
0x1d: {  	s5 =	simm.s32 @p1 $0x1;
	p0 =	seq.s32 s7, s2  }
0x1e: {  	s7 =	smul.u32 @!p0 $0xF7A, s2;
	p2 =	seq.s32 @!p0 s5, $0x0  }
0x1f: {  	s9 =	smul.u32 $0xF7A, s1;
	s8 =	simm.s32 @!p0 $0x1BF5;
	p2 =	por !p2, p0  }
0x20: {  	[sflag:s8] =	ssyncset.s32 @!p0 $0xFFFFF086;
	s6 =	sadd.s32 @!p0 s3, s7;
	s7 =	simm.s32 @!p0 $0x108  }
0x21: {  	s3 =	sadd.s32 s3, s9;
	s6 =	sadd.s32 @!p0 $0x88, s6;
	s7 =	simm.s32 @p2 $0x1082  }
0x22: {  	[simem:s7], [sflag:s8] =	dma.local @!p0 [hbm:s6], $0xF7A  }
0x23: {  	s9 =	sor.u32 $0xD0000000, s2;
	s6 =	simm.s32 $0x108;
	_ =	swait.ge @!p0 [sflag:s8], $0x0  }
0x24: {  	s3 =	sadd.s32 $0x88, s3;
	s6 =	simm.s32 @!p1 $0x1082;
	[sflag:s4] =	ssyncset.s32 $0xFFFFF086  }
0x25: {  	[simem:s6], [sflag:s4] =	dma.local [hbm:s3], $0xF7A  }
0x26: {  	[smem:$0x3F9E] =	sst s1;
	(tag) =	ssettag s2;
	_ =	strace s9  }
0x27: {  	s1 =	sld [smem:$0x3FAE]  }
0x28: {  	s2 =	sld [smem:$0x3FAF]  }
0x29: {  	s4 =	sld [smem:$0x3FB1]  }
0x2a: {  	p0 =	seq.s32 s5, $0x0;
	s5 =	sld [smem:$0x3FB2]  }
0x2b: {  	s6 =	sld [smem:$0x3FB3]  }
0x2c: {  	s7 =	sld [smem:$0x3FB4]  }
0x2d: {  	s3 =	simm.s32 $0x108;
	s8 =	sld [smem:$0x3FB5]  }
0x2e: {  	s3 =	simm.s32 @!p0 $0x1082;
	s9 =	sld [smem:$0x3FB6]  }
0x2f: {  	lr =	sadd.s32 s0, s3;
	s0 =	sld [smem:$0x3FAD]  }
0x30: {  	s3 =	sld [smem:$0x3FB0]  }
0x31: {  	[smem:$0x3FB9] =	sst s10  }
0x32: {  	s10 =	sld [smem:$0x3FB7];
	_ =	sdelay $0x3  }
0x33: {  	p0 =	seq.s32 s10, $0x1;
	s10 =	sld [smem:$0x3FB9];
	_ =	sdelay $0x3  }
0x34: {  	[smem:$0x3FB9] =	sst s10  }
0x35: {  	s10 =	sld [smem:$0x3FB8];
	_ =	sdelay $0x3  }
0x36: {  	p1 =	seq.s32 s10, $0x1;
	s10 =	sld [smem:$0x3FB9];
	_ =	sdelay $0x3  }
0x37: {  	[smem:$0x3FB9] =	sst s10  }
0x38: {  	s10 =	sld [smem:$0x3FBA]  }
0x39: {  	_ = 	snop;
	(pc) =	sbr.ind lr, $3  }
0x3a: {  	_ = 	snop  }
0x3b: {  	_ = 	snop  }
0x3c: {  	p2 =	seq.s32 s10, $0x1;
	s10 =	sld [smem:$0x3FB9]  }
0x3d: {  	_ =	shalt  }
0x3e: {  	_ =	shalt  }
0x3f: {  	_ =	shalt  }
0x40: {  	_ =	shalt  }
0x41: {  	_ =	shalt  }
0x42: {  	_ =	shalt  }
0x43: {  	_ =	shalt  }
0x44: {  	_ =	shalt  }
0x45: {  	_ =	shalt  }
0x46: {  	_ =	shalt  }
0x47: {  	_ =	shalt  }
0x48: {  	_ =	shalt  }
0x49: {  	_ =	shalt  }
0x4a: {  	_ =	shalt  }
0x4b: {  	_ =	shalt  }
0x4c: {  	_ =	shalt  }
0x4d: {  	_ =	shalt  }
0x4e: {  	_ =	shalt  }
0x4f: {  	_ =	shalt  }
0x50: {  	_ =	shalt  }
0x51: {  	_ =	shalt  }
0x52: {  	_ =	shalt  }
0x53: {  	_ =	shalt  }
0x54: {  	_ =	shalt  }
0x55: {  	_ =	shalt  }
0x56: {  	_ =	shalt  }
0x57: {  	_ =	shalt  }
0x58: {  	_ =	shalt  }
0x59: {  	_ =	shalt  }
0x5a: {  	_ =	shalt  }
0x5b: {  	_ =	shalt  }
0x5c: {  	_ =	shalt  }
0x5d: {  	_ =	shalt  }
0x5e: {  	_ =	shalt  }
0x5f: {  	_ =	shalt  }
0x60: {  	_ =	shalt  }
0x61: {  	_ =	shalt  }
0x62: {  	_ =	shalt  }
0x63: {  	_ =	shalt  }
0x64: {  	_ =	shalt  }
0x65: {  	_ =	shalt  }
0x66: {  	_ =	shalt  }
0x67: {  	_ =	shalt  }
0x68: {  	_ =	shalt  }
0x69: {  	_ =	shalt  }
0x6a: {  	_ =	shalt  }
0x6b: {  	_ =	shalt  }
0x6c: {  	_ =	shalt  }
0x6d: {  	_ =	shalt  }
0x6e: {  	_ =	shalt  }
0x6f: {  	_ =	shalt  }
0x70: {  	_ =	shalt  }
0x71: {  	_ =	shalt  }
0x72: {  	_ =	shalt  }
0x73: {  	_ =	shalt  }
0x74: {  	_ =	shalt  }
0x75: {  	_ =	shalt  }
0x76: {  	_ =	shalt  }
0x77: {  	_ =	shalt  }
0x78: {  	_ =	shalt  }
0x79: {  	_ =	shalt  }
0x7a: {  	_ =	shalt  }
0x7b: {  	_ =	shalt  }
0x7c: {  	_ =	shalt  }
0x7d: {  	_ =	shalt  }
0x7e: {  	_ =	shalt  }
0x7f: {  	_ =	shalt  }
0x80: {  	_ =	shalt  }
0x81: {  	_ =	shalt  }
0x82: {  	_ =	shalt  }
0x83: {  	_ =	shalt  }
0x84: {  	_ =	shalt  }
0x85: {  	_ =	shalt  }
0x86: {  	_ =	shalt  }
0x87: {  	_ =	shalt  }
.Lfunc_end0:
.L_simem_size_0:
called_computation.1_lowered:
.L_overlay_start_0:
0x88: {  	s2 =	sld [smem:$0x3FD9]  }
0x89: {  	s3 =	sld [smem:$0x3FFE];
	_ =	sdelay $0x1  }
0x8a: {  	s1 =	srdreg.scid  }
0x8b: {  	s0 =	sand.u32 $0x1, s1  }
0x8c: {  	s17 =	sshll.u32 s0, $0xA;
	s2 =	sadd.s32 s3, s2  }
0x8d: {  	s2 =	sadd.s32 s2, s17  }
0x8e: {  	[smem:$0x3FC5] =	sst s2  }
0x8f: {  	_ = 	snop  }
0x90: {  	s2 =	sld [smem:$0x3FD0];
	(tm) =	ssettm $0x1  }
0x91: {  	s18 =	sld [smem:$0x3FFB];
	_ =	sdelay $0x3  }
0x92: {  	_ =	strace s18  }
0x93: {  	s3 =	sld [smem:$0x3FFC];
	_ =	sdelay $0x3  }
0x94: {  	_ =	strace s3  }
0x95: {  	s3 =	sld [smem:$0x3FFD];
	_ =	sdelay $0x3  }
0x96: {  	_ =	strace s3  }
0x97: {  	_ =	strace $0x8FFFFFFF  }
0x98: {  	s19 =	sld [smem:$0x3FDB];
	_ =	sdelay $0x1  }
0x99: {  	s4 =	simm.s32 $_scs_section_size  }
0x9a: {  	s5 =	simm.s32 $_size__tile_overlayer_lowered;
	s6 =	simm.s32 $_tile_overlayer_lowered  }
0x9b: {  	s22 =	simm.s32 $0x1BFF;
	s21 =	sshll.u32 s6, $0x1;
	s3 =	sadd.s32 s4, s19  }
0x9c: {  	s7 =	simm.s32 $0x0;
	s20 =	sshll.u32 s5, $0x1;
	s5 =	sadd.s32 s21, s3  }
0x9d: {  	[timem:s7], [sflag:s22] =	dma.local [hbm:s5], s20  }
0x9e: {  	_ =	swait.ge [sflag:s22], s20  }
0x9f: {  	s4 =	ssub.s32 $0x0, s20;
	[sflag:s22] =	ssyncset.done $0x0  }
0xa0: {  	[sflag:s22] =	ssyncadd.s32 s4;
	_ =	sdelay $0x1  }
0xa1: {  	s23 =	simm.s32 $0x1B8B  }
0xa2: {  	_ =	swait.ge [sflag:s23], $0x1  }
0xa3: {  	[sflag:s23] =	ssyncset.done $0x0  }
0xa4: {  	s25 =	simm.s32 $0x1B8E;
	s24 =	sld [smem:$0x3FFE];
	[sflag:s23] =	ssyncadd.s32 $0xFFFFFFFF  }
0xa5: {  	s26 =	simm.s32 $execute0_lowered;
	[smem:$0x3FD2] =	sst s25  }
0xa6: {  	s5 =	sshll.u32 s26, $0x1;
	_ =	strace $0x80000046;
	[dreg:$0x1] =	wrdreg $0xFFFFFFFF  }
0xa7: {  	s28 =	simm.s32 $_size_execute0_lowered;
	s3 =	sadd.s32 s3, s5;
	[dreg:$0x0] =	wrdreg $0x0  }
0xa8: {  	s5 =	sshll.u32 s28, $0x1;
	[dreg:$0x2] =	wrdreg s3  }
0xa9: {  	[dreg:$0x3] =	wrdreg s5  }
0xaa: {  	[dreg:$0x4] =	wrdreg $0xC0  }
0xab: {  	_ =	task [dreg:s7], $0x5FFFF  }
0xac: {  	[dreg:$0x1] =	wrdreg $0xFFFFFFFF  }
0xad: {  	[dreg:$0x0] =	wrdreg $0x60  }
0xae: {  	[dreg:$0x2] =	wrdreg s24  }
0xaf: {  	[dreg:$0x3] =	wrdreg s2  }
0xb0: {  	[dreg:$0x4] =	wrdreg $0x9  }
0xb1: {  	_ =	task.clear_ibuf [dreg:s7], $0x5FFFF;
	_ =	strace $0x90000046  }
0xb2: {  	s29 =	simm.s32 $0x9;
	_ =	strace $0x80000048  }
0xb3: {  	_ =	swait.ge [sflag:s29], $0x1  }
0xb4: {  	[sflag:s29] =	ssyncadd.s32 $0xFFFFFFFF  }
0xb5: {  	_ =	strace $0x90000048  }
0xb6: {  	_ =	sfence  }
0xb7: {  	s30 =	sld [smem:$0x0];
	_ =	sdelay $0x2  }
0xb8: {  	s31 =	sshll.u32 s1, $0xD;
	s1 =	sshrl.u32 s1, $0x2  }
0xb9: {  	s3 =	sand.u32 $0x4000, s31;
	s1 =	sadd.s32 s1, s30  }
0xba: {  	s0 =	sor.u32 s3, s0;
	s1 =	sshll.u32 s1, $0x11  }
0xbb: {  	s0 =	sor.u32 s1, s0  }
0xbc: {  	s0 =	sadd.s32 $0x8F2B, s0  }
0xbd: {  	[sflag:s0] =	ssyncadd.remote.s32 $0x1  }
0xbe: {  	_ =	sfence.sel $0xFFFF  }
0xbf: {  	[dreg:$0x0] =	wrdreg $0xFFFFFFFF;
	(pc) =	sbr.abs _section_cstart, $3  }
0xc0: {  	[dreg:$0x1] =	wrdreg $0xFFFFFFFF  }
0xc1: {  	_ =	task.clear_ibuf [dreg:s7], $0x2FFFF;
	_ =	strace $0x9FFFFFFF  }
0xc2: {  	(tm) =	ssettm $0x7FFFFFFF  }
0xc3: {  	_ =	shalt  }
tec
execute0_lowered:
.L_overlay_start_1:
0x0: {  	(tag) =	ssettag $0x1  }
0x1: {  	s0 =	rddreg [dreg:$0x0]  }
0x2: {  	s2 =	rddreg [dreg:$0x1]  }
0x3: {  	s1 =	srdreg.scid;
	s4 =	stileid.u32;
	s3 =	simm.s32 $0x0  }
0x4: {  	s11 =	simm.s32 $0x80;
	s14 =	simm.s32 $0x7400;
	s16 =	simm.s32 $0x8400  }
0x5: {  	s18 =	simm.s32 $0x9400;
	s19 =	simm.s32 $0xA400;
	s20 =	simm.s32 $0x1  }
0x6: {  	s21 =	simm.s32 $0xB400;
	s22 =	simm.s32 $0x2;
	s23 =	simm.s32 $0xC400  }
0x7: {  	s24 =	simm.s32 $0x3;
	s28 =	simm.s32 $0x9;
	s29 =	simm.s32 $0x5  }
0x8: {  	s30 =	simm.s32 $0xA;
	s31 =	simm.s32 $0x6;
	s9 =	simm.s32 $0xC  }
0x9: {  	s12 =	simm.s32 $0x8;
	s1 =	sand.u32 $0x1, s1;
	s4 =	sshll.u32 s4, $0x1  }
0xa: {  	s8 =	simm.s32 $0x0;
	[smem:$0x7FF] =	sst s3;
	s5 =	sor.u32 s1, s4  }
0xb: {  	_ =	strace $0x80000047;
	s1 =	ssub.s32 $0x2, s1;
	s4 =	sshll.u32 s5, $0x4  }
0xc: {  	s7 =	sshrl.u32 s1, $0x1;
	s6 =	sadd.s32 s4, s0;
	s4 =	sadd.s32 $0xF43000, s0  }
0xd: {  	s0 =	sadd.s32 $0x19C00, s0;
	s25 =	ssub.s32 s1, s7;
	s7 =	sshll.u32 s5, $0xC  }
0xe: {  	s1 =	simm.s32 $0x7;
	[dreg:$0x3] =	wrdreg s0;
	s26 =	sadd.s32 $0xC00, s6  }
0xf: {  	s0 =	smax.u32 s25, $0x1;
	s25 =	simm.s32 $0xD400;
	[dreg:$0x4] =	wrdreg s26  }
0x10: {  	[dreg:$0x5] =	wrdreg s0;
	s26 =	simm.s32 $0x4;
	s0 =	simm.s32 $0xB  }
.LBB2_1:
0x11: {  	[dreg:$0x6] =	wrdreg s8  }
0x12: {  	s5 =	rddreg [dreg:$0x3];
	s6 =	simm.s32 $0xE400;
	s17 =	simm.s32 $0x11  }
0x13: {  	[tilespmem:s6], [sflag:$0x11] =	stream.linear.gather [hbm4b:s5+s3], $0x1900, $0x38;
	[tilespmem:$0xFD00] =	vst v63  }
0x14: {  	_ =	swait.ge [sflag:s17], $0x1900  }
0x15: {  	[sflag:s17] =	ssyncset.done $0x0  }
0x16: {  	s10 =	simm.s32 $0x1000;
	s8 =	rddreg [dreg:$0x4];
	[sflag:s17] =	ssyncadd.s32 $0xFFFFE700  }
0x17: {  	[tilespmem:s3], [sflag:$0x11] =	stream.strided.gather [hbm4b:s8+s11], $0x6400, s10, s11, $0x38;
	[tilespmem:$0xFD00] =	vst v63  }
0x18: {  	_ =	swait.ge [sflag:s17], $0x6400  }
0x19: {  	[sflag:s17] =	ssyncset.done $0x0  }
0x1a: {  	s13 =	simm.s32 $0x6400;
	[sflag:s17] =	ssyncadd.s32 $0xFFFF9C00  }
0x1b: {  	[tilespmem:s13], [sflag:$0x1] =	stream.indirect.gather [hbm4b:s4+s11], $0x20, s3, s11, $0xb8;
	[tilespmem:$0xFD00] =	vst v63  }
0x1c: {  	_ = 	snop  }
0x1d: {  	[tilespmem:s14], [sflag:$0x2] =	stream.indirect.gather [hbm4b:s4+s11], $0x20, s11, s11, $0xb8;
	[tilespmem:$0xFD00] =	vst v63  }
0x1e: {  	s15 =	simm.s32 $0x100  }
0x1f: {  	[tilespmem:s16], [sflag:$0x3] =	stream.indirect.gather [hbm4b:s4+s11], $0x20, s15, s11, $0xb8;
	[tilespmem:$0xFD00] =	vst v63  }
0x20: {  	s17 =	simm.s32 $0x180;
	s15 =	simm.s32 $0x0  }
0x21: {  	[tilespmem:s18], [sflag:$0x4] =	stream.indirect.gather [hbm4b:s4+s11], $0x20, s17, s11, $0xb8;
	[tilespmem:$0xFD00] =	vst v63  }
.LBB2_2:
0x22: {  	p0 =	seq.s32 s15, $0x0  }
0x23: {  	s5 =	simm.s32 @!p0 $0xD  }
0x24: {  	s6 =	sshll.u32 s15, $0xA;
	_ =	swait.ge @!p0 [sflag:s5], $0x1000  }
0x25: {  	s17 =	sand.u32 $0x3FFFFC00, s6;
	[sflag:s5] =	ssyncset.done @!p0 $0x0  }
0x26: {  	s8 =	sor.u32 $0x200, s17;
	[sflag:s5] =	ssyncadd.s32 @!p0 $0xFFFFF000  }
0x27: {  	[tilespmem:s19], [sflag:$0x5] =	stream.indirect.gather [hbm4b:s4+s11], $0x20, s8, s11, $0xb8;
	[tilespmem:$0xFD00] =	vst v63  }
0x28: {  	_ =	swait.ge [sflag:s20], $0x1000  }
0x29: {  	s10 =	sshll.u32 s15, $0x8;
	[sflag:s20] =	ssyncset.done $0x0  }
0x2a: {  	s13 =	sand.u32 $0x3FFFFF00, s10;
	[sflag:s20] =	ssyncadd.s32 $0xFFFFF000  }
0x2b: {  	v1 =	vld [tilespmem:s13+$0xE410]  }
0x2c: {  	v0 =	vld [tilespmem:s13+$0xE400];
	_ =	sdelay $0x2  }
0x2d: {  	s6 =	simm.s32 $0x0;
	s10 =	simm.s32 $0x400;
	s5 =	sshll.u32 s15, $0x3  }
.LBB2_3:
0x2e: {  	p1 =	sne.s32 s10, $0x3C00;
	[tilespmem:s6+$0x64F0] =	vst.add.f32.msk $0xffff, v1  }
0x2f: {  	[tilespmem:s6+$0x6400] =	vst.add.f32.msk $0xffff, v0  }
0x30: {  	[tilespmem:s6+$0x6410] =	vst.add.f32.msk $0xffff, v1  }
0x31: {  	[tilespmem:s6+$0x6420] =	vst.add.f32.msk $0xffff, v0  }
0x32: {  	[tilespmem:s6+$0x6430] =	vst.add.f32.msk $0xffff, v1  }
0x33: {  	[tilespmem:s6+$0x6440] =	vst.add.f32.msk $0xffff, v0  }
0x34: {  	[tilespmem:s6+$0x6450] =	vst.add.f32.msk $0xffff, v1  }
0x35: {  	[tilespmem:s6+$0x6460] =	vst.add.f32.msk $0xffff, v0  }
0x36: {  	[tilespmem:s6+$0x6470] =	vst.add.f32.msk $0xffff, v1  }
0x37: {  	[tilespmem:s6+$0x6480] =	vst.add.f32.msk $0xffff, v0  }
0x38: {  	[tilespmem:s6+$0x6490] =	vst.add.f32.msk $0xffff, v1  }
.Ltmp0:
0x39: {  	[tilespmem:s6+$0x64A0] =	vst.add.f32.msk $0xffff, v0;
	(pc) =	sbr.rel @p1 .LBB2_3-.Ltmp0, $4  }
0x3a: {  	[tilespmem:s6+$0x64B0] =	vst.add.f32.msk $0xffff, v1  }
0x3b: {  	[tilespmem:s6+$0x64C0] =	vst.add.f32.msk $0xffff, v0  }
0x3c: {  	[tilespmem:s6+$0x64D0] =	vst.add.f32.msk $0xffff, v1  }
0x3d: {  	[tilespmem:s6+$0x64E0] =	vst.add.f32.msk $0xffff, v0;
	s6 =	sshra.s32 s10, $0x2;
	s10 =	sadd.s32 $0x400, s10  }
0x3e: {  	[tilespmem:s6+$0x64F0] =	vst.add.f32.msk $0xffff, v1  }
0x3f: {  	[tilespmem:s6+$0x6400] =	vst.add.f32.msk $0xffff, v0  }
0x40: {  	[tilespmem:s6+$0x6410] =	vst.add.f32.msk $0xffff, v1  }
0x41: {  	[tilespmem:s6+$0x6420] =	vst.add.f32.msk $0xffff, v0  }
0x42: {  	[tilespmem:s6+$0x6430] =	vst.add.f32.msk $0xffff, v1  }
0x43: {  	[tilespmem:s6+$0x6440] =	vst.add.f32.msk $0xffff, v0  }
0x44: {  	[tilespmem:s6+$0x6450] =	vst.add.f32.msk $0xffff, v1  }
0x45: {  	[tilespmem:s6+$0x6460] =	vst.add.f32.msk $0xffff, v0  }
0x46: {  	[tilespmem:s6+$0x6470] =	vst.add.f32.msk $0xffff, v1  }
0x47: {  	[tilespmem:s6+$0x6480] =	vst.add.f32.msk $0xffff, v0  }
0x48: {  	[tilespmem:s6+$0x6490] =	vst.add.f32.msk $0xffff, v1  }
0x49: {  	[tilespmem:s6+$0x64A0] =	vst.add.f32.msk $0xffff, v0  }
0x4a: {  	[tilespmem:s6+$0x64B0] =	vst.add.f32.msk $0xffff, v1;
	s8 =	sshll.u32 s15, $0x14  }
0x4b: {  	[tilespmem:s6+$0x64C0] =	vst.add.f32.msk $0xffff, v0;
	s8 =	sor.u32 s7, s8  }
0x4c: {  	[tilespmem:s6+$0x64D0] =	vst.add.f32.msk $0xffff, v1;
	s8 =	sshrl.u32 s8, $0x3  }
0x4d: {  	[tilespmem:s6+$0x64E0] =	vst.add.f32.msk $0xffff, v0;
	s13 =	simm.s32 $0x6400;
	s6 =	simm.s32 @!p0 $0xE;
	s10 =	sadd.s32 s2, s8  }
0x4e: {  	[hbm4b:s10+s3] =	stream.linear.scatter [tilespmem:s13], [sflag:$0x9], $0x1000, $0x38;
	[tilespmem:$0xFD00] =	vst v63  }
0x4f: {  	_ =	swait.ge @!p0 [sflag:s6], $0x1000  }
0x50: {  	[sflag:s6] =	ssyncset.done @!p0 $0x0  }
0x51: {  	s10 =	sadd.s32 $0x280, s17;
	[sflag:s6] =	ssyncadd.s32 @!p0 $0xFFFFF000  }
0x52: {  	[tilespmem:s21], [sflag:$0x6] =	stream.indirect.gather [hbm4b:s4+s11], $0x20, s10, s11, $0xb8;
	[tilespmem:$0xFD00] =	vst v63  }
0x53: {  	s6 =	sor.u32 $0x1, s5;
	_ =	swait.ge [sflag:s22], $0x1000  }
0x54: {  	s13 =	sshll.u32 s6, $0x5;
	[sflag:s22] =	ssyncset.done $0x0  }
0x55: {  	s8 =	sand.u32 $0x3FFFFFE0, s13;
	[sflag:s22] =	ssyncadd.s32 $0xFFFFF000  }
0x56: {  	v1 =	vld [tilespmem:s8+$0xE410]  }
0x57: {  	v0 =	vld [tilespmem:s8+$0xE400];
	_ =	sdelay $0x2  }
0x58: {  	s10 =	simm.s32 $0x0;
	s8 =	simm.s32 $0x400  }
.LBB2_5:
0x59: {  	p1 =	sne.s32 s8, $0x3C00;
	[tilespmem:s10+$0x74F0] =	vst.add.f32.msk $0xffff, v1  }
0x5a: {  	[tilespmem:s10+$0x7400] =	vst.add.f32.msk $0xffff, v0  }
0x5b: {  	[tilespmem:s10+$0x7410] =	vst.add.f32.msk $0xffff, v1  }
0x5c: {  	[tilespmem:s10+$0x7420] =	vst.add.f32.msk $0xffff, v0  }
0x5d: {  	[tilespmem:s10+$0x7430] =	vst.add.f32.msk $0xffff, v1  }
0x5e: {  	[tilespmem:s10+$0x7440] =	vst.add.f32.msk $0xffff, v0  }
0x5f: {  	[tilespmem:s10+$0x7450] =	vst.add.f32.msk $0xffff, v1  }
0x60: {  	[tilespmem:s10+$0x7460] =	vst.add.f32.msk $0xffff, v0  }
0x61: {  	[tilespmem:s10+$0x7470] =	vst.add.f32.msk $0xffff, v1  }
0x62: {  	[tilespmem:s10+$0x7480] =	vst.add.f32.msk $0xffff, v0  }
0x63: {  	[tilespmem:s10+$0x7490] =	vst.add.f32.msk $0xffff, v1  }
.Ltmp1:
0x64: {  	[tilespmem:s10+$0x74A0] =	vst.add.f32.msk $0xffff, v0;
	(pc) =	sbr.rel @p1 .LBB2_5-.Ltmp1, $4  }
0x65: {  	[tilespmem:s10+$0x74B0] =	vst.add.f32.msk $0xffff, v1  }
0x66: {  	[tilespmem:s10+$0x74C0] =	vst.add.f32.msk $0xffff, v0  }
0x67: {  	[tilespmem:s10+$0x74D0] =	vst.add.f32.msk $0xffff, v1  }
0x68: {  	[tilespmem:s10+$0x74E0] =	vst.add.f32.msk $0xffff, v0;
	s10 =	sshra.s32 s8, $0x2;
	s8 =	sadd.s32 $0x400, s8  }
0x69: {  	[tilespmem:s10+$0x74F0] =	vst.add.f32.msk $0xffff, v1  }
0x6a: {  	[tilespmem:s10+$0x7400] =	vst.add.f32.msk $0xffff, v0  }
0x6b: {  	[tilespmem:s10+$0x7410] =	vst.add.f32.msk $0xffff, v1  }
0x6c: {  	[tilespmem:s10+$0x7420] =	vst.add.f32.msk $0xffff, v0  }
0x6d: {  	[tilespmem:s10+$0x7430] =	vst.add.f32.msk $0xffff, v1  }
0x6e: {  	[tilespmem:s10+$0x7440] =	vst.add.f32.msk $0xffff, v0  }
0x6f: {  	[tilespmem:s10+$0x7450] =	vst.add.f32.msk $0xffff, v1  }
0x70: {  	[tilespmem:s10+$0x7460] =	vst.add.f32.msk $0xffff, v0  }
0x71: {  	[tilespmem:s10+$0x7470] =	vst.add.f32.msk $0xffff, v1  }
0x72: {  	[tilespmem:s10+$0x7480] =	vst.add.f32.msk $0xffff, v0  }
0x73: {  	[tilespmem:s10+$0x7490] =	vst.add.f32.msk $0xffff, v1  }
0x74: {  	[tilespmem:s10+$0x74A0] =	vst.add.f32.msk $0xffff, v0  }
0x75: {  	[tilespmem:s10+$0x74B0] =	vst.add.f32.msk $0xffff, v1;
	s6 =	sshll.u32 s6, $0x11  }
0x76: {  	[tilespmem:s10+$0x74C0] =	vst.add.f32.msk $0xffff, v0;
	s6 =	sor.u32 s7, s6  }
0x77: {  	[tilespmem:s10+$0x74D0] =	vst.add.f32.msk $0xffff, v1;
	s6 =	sshrl.u32 s6, $0x3  }
0x78: {  	[tilespmem:s10+$0x74E0] =	vst.add.f32.msk $0xffff, v0;
	s6 =	sadd.s32 s2, s6  }
0x79: {  	[hbm4b:s6+s3] =	stream.linear.scatter [tilespmem:s14], [sflag:$0xA], $0x1000, $0x38;
	[tilespmem:$0xFD00] =	vst v63  }
0x7a: {  	s6 =	simm.s32 @!p0 $0xF  }
0x7b: {  	_ =	swait.ge @!p0 [sflag:s6], $0x1000  }
0x7c: {  	[sflag:s6] =	ssyncset.done @!p0 $0x0  }
0x7d: {  	s13 =	sadd.s32 $0x300, s17;
	[sflag:s6] =	ssyncadd.s32 @!p0 $0xFFFFF000  }
0x7e: {  	[tilespmem:s23], [sflag:$0x7] =	stream.indirect.gather [hbm4b:s4+s11], $0x20, s13, s11, $0xb8;
	[tilespmem:$0xFD00] =	vst v63  }
0x7f: {  	s6 =	sor.u32 $0x2, s5;
	_ =	swait.ge [sflag:s24], $0x1000  }
0x80: {  	s8 =	sshll.u32 s6, $0x5;
	[sflag:s24] =	ssyncset.done $0x0  }
0x81: {  	s8 =	sand.u32 $0x3FFFFFE0, s8;
	[sflag:s24] =	ssyncadd.s32 $0xFFFFF000  }
0x82: {  	v1 =	vld [tilespmem:s8+$0xE410]  }
0x83: {  	v0 =	vld [tilespmem:s8+$0xE400];
	_ =	sdelay $0x2  }
0x84: {  	s10 =	simm.s32 $0x0;
	s8 =	simm.s32 $0x400  }
.LBB2_7:
0x85: {  	p1 =	sne.s32 s8, $0x3C00;
	[tilespmem:s10+$0x84F0] =	vst.add.f32.msk $0xffff, v1  }
0x86: {  	[tilespmem:s10+$0x8400] =	vst.add.f32.msk $0xffff, v0  }
0x87: {  	[tilespmem:s10+$0x8410] =	vst.add.f32.msk $0xffff, v1  }
0x88: {  	[tilespmem:s10+$0x8420] =	vst.add.f32.msk $0xffff, v0  }
0x89: {  	[tilespmem:s10+$0x8430] =	vst.add.f32.msk $0xffff, v1  }
0x8a: {  	[tilespmem:s10+$0x8440] =	vst.add.f32.msk $0xffff, v0  }
0x8b: {  	[tilespmem:s10+$0x8450] =	vst.add.f32.msk $0xffff, v1  }
0x8c: {  	[tilespmem:s10+$0x8460] =	vst.add.f32.msk $0xffff, v0  }
0x8d: {  	[tilespmem:s10+$0x8470] =	vst.add.f32.msk $0xffff, v1  }
0x8e: {  	[tilespmem:s10+$0x8480] =	vst.add.f32.msk $0xffff, v0  }
0x8f: {  	[tilespmem:s10+$0x8490] =	vst.add.f32.msk $0xffff, v1  }
.Ltmp2:
0x90: {  	[tilespmem:s10+$0x84A0] =	vst.add.f32.msk $0xffff, v0;
	(pc) =	sbr.rel @p1 .LBB2_7-.Ltmp2, $4  }
0x91: {  	[tilespmem:s10+$0x84B0] =	vst.add.f32.msk $0xffff, v1  }
0x92: {  	[tilespmem:s10+$0x84C0] =	vst.add.f32.msk $0xffff, v0  }
0x93: {  	[tilespmem:s10+$0x84D0] =	vst.add.f32.msk $0xffff, v1  }
0x94: {  	[tilespmem:s10+$0x84E0] =	vst.add.f32.msk $0xffff, v0;
	s10 =	sshra.s32 s8, $0x2;
	s8 =	sadd.s32 $0x400, s8  }
0x95: {  	[tilespmem:s10+$0x84F0] =	vst.add.f32.msk $0xffff, v1  }
0x96: {  	[tilespmem:s10+$0x8400] =	vst.add.f32.msk $0xffff, v0  }
0x97: {  	[tilespmem:s10+$0x8410] =	vst.add.f32.msk $0xffff, v1  }
0x98: {  	[tilespmem:s10+$0x8420] =	vst.add.f32.msk $0xffff, v0  }
0x99: {  	[tilespmem:s10+$0x8430] =	vst.add.f32.msk $0xffff, v1  }
0x9a: {  	[tilespmem:s10+$0x8440] =	vst.add.f32.msk $0xffff, v0  }
0x9b: {  	[tilespmem:s10+$0x8450] =	vst.add.f32.msk $0xffff, v1  }
0x9c: {  	[tilespmem:s10+$0x8460] =	vst.add.f32.msk $0xffff, v0  }
0x9d: {  	[tilespmem:s10+$0x8470] =	vst.add.f32.msk $0xffff, v1  }
0x9e: {  	[tilespmem:s10+$0x8480] =	vst.add.f32.msk $0xffff, v0  }
0x9f: {  	[tilespmem:s10+$0x8490] =	vst.add.f32.msk $0xffff, v1  }
0xa0: {  	[tilespmem:s10+$0x84A0] =	vst.add.f32.msk $0xffff, v0  }
0xa1: {  	[tilespmem:s10+$0x84B0] =	vst.add.f32.msk $0xffff, v1;
	s6 =	sshll.u32 s6, $0x11  }
0xa2: {  	[tilespmem:s10+$0x84C0] =	vst.add.f32.msk $0xffff, v0;
	s6 =	sor.u32 s7, s6  }
0xa3: {  	[tilespmem:s10+$0x84D0] =	vst.add.f32.msk $0xffff, v1;
	s6 =	sshrl.u32 s6, $0x3  }
0xa4: {  	[tilespmem:s10+$0x84E0] =	vst.add.f32.msk $0xffff, v0;
	s6 =	sadd.s32 s2, s6  }
0xa5: {  	[hbm4b:s6+s3] =	stream.linear.scatter [tilespmem:s16], [sflag:$0xB], $0x1000, $0x38;
	[tilespmem:$0xFD00] =	vst v63  }
0xa6: {  	s6 =	simm.s32 @!p0 $0x10  }
0xa7: {  	_ =	swait.ge @!p0 [sflag:s6], $0x1000  }
0xa8: {  	[sflag:s6] =	ssyncset.done @!p0 $0x0  }
0xa9: {  	s13 =	sadd.s32 $0x380, s17;
	[sflag:s6] =	ssyncadd.s32 @!p0 $0xFFFFF000  }
0xaa: {  	[tilespmem:s25], [sflag:$0x8] =	stream.indirect.gather [hbm4b:s4+s11], $0x20, s13, s11, $0xb8;
	[tilespmem:$0xFD00] =	vst v63  }
0xab: {  	s6 =	sor.u32 $0x3, s5;
	_ =	swait.ge [sflag:s26], $0x1000  }
0xac: {  	s8 =	sshll.u32 s6, $0x5;
	[sflag:s26] =	ssyncset.done $0x0  }
0xad: {  	s8 =	sand.u32 $0x3FFFFFE0, s8;
	[sflag:s26] =	ssyncadd.s32 $0xFFFFF000  }
0xae: {  	v1 =	vld [tilespmem:s8+$0xE410]  }
0xaf: {  	v0 =	vld [tilespmem:s8+$0xE400];
	_ =	sdelay $0x2  }
0xb0: {  	s10 =	simm.s32 $0x0;
	s8 =	simm.s32 $0x400  }
.LBB2_9:
0xb1: {  	p0 =	sne.s32 s8, $0x3C00;
	[tilespmem:s10+$0x94F0] =	vst.add.f32.msk $0xffff, v1  }
0xb2: {  	[tilespmem:s10+$0x9400] =	vst.add.f32.msk $0xffff, v0  }
0xb3: {  	[tilespmem:s10+$0x9410] =	vst.add.f32.msk $0xffff, v1  }
0xb4: {  	[tilespmem:s10+$0x9420] =	vst.add.f32.msk $0xffff, v0  }
0xb5: {  	[tilespmem:s10+$0x9430] =	vst.add.f32.msk $0xffff, v1  }
0xb6: {  	[tilespmem:s10+$0x9440] =	vst.add.f32.msk $0xffff, v0  }
0xb7: {  	[tilespmem:s10+$0x9450] =	vst.add.f32.msk $0xffff, v1  }
0xb8: {  	[tilespmem:s10+$0x9460] =	vst.add.f32.msk $0xffff, v0  }
0xb9: {  	[tilespmem:s10+$0x9470] =	vst.add.f32.msk $0xffff, v1  }
0xba: {  	[tilespmem:s10+$0x9480] =	vst.add.f32.msk $0xffff, v0  }
0xbb: {  	[tilespmem:s10+$0x9490] =	vst.add.f32.msk $0xffff, v1  }
.Ltmp3:
0xbc: {  	[tilespmem:s10+$0x94A0] =	vst.add.f32.msk $0xffff, v0;
	(pc) =	sbr.rel @p0 .LBB2_9-.Ltmp3, $4  }
0xbd: {  	[tilespmem:s10+$0x94B0] =	vst.add.f32.msk $0xffff, v1  }
0xbe: {  	[tilespmem:s10+$0x94C0] =	vst.add.f32.msk $0xffff, v0  }
0xbf: {  	[tilespmem:s10+$0x94D0] =	vst.add.f32.msk $0xffff, v1  }
0xc0: {  	[tilespmem:s10+$0x94E0] =	vst.add.f32.msk $0xffff, v0;
	s10 =	sshra.s32 s8, $0x2;
	s8 =	sadd.s32 $0x400, s8  }
0xc1: {  	[tilespmem:s10+$0x94F0] =	vst.add.f32.msk $0xffff, v1  }
0xc2: {  	[tilespmem:s10+$0x9400] =	vst.add.f32.msk $0xffff, v0  }
0xc3: {  	[tilespmem:s10+$0x9410] =	vst.add.f32.msk $0xffff, v1  }
0xc4: {  	[tilespmem:s10+$0x9420] =	vst.add.f32.msk $0xffff, v0  }
0xc5: {  	[tilespmem:s10+$0x9430] =	vst.add.f32.msk $0xffff, v1  }
0xc6: {  	[tilespmem:s10+$0x9440] =	vst.add.f32.msk $0xffff, v0  }
0xc7: {  	[tilespmem:s10+$0x9450] =	vst.add.f32.msk $0xffff, v1  }
0xc8: {  	[tilespmem:s10+$0x9460] =	vst.add.f32.msk $0xffff, v0  }
0xc9: {  	[tilespmem:s10+$0x9470] =	vst.add.f32.msk $0xffff, v1  }
0xca: {  	[tilespmem:s10+$0x9480] =	vst.add.f32.msk $0xffff, v0  }
0xcb: {  	[tilespmem:s10+$0x9490] =	vst.add.f32.msk $0xffff, v1  }
0xcc: {  	[tilespmem:s10+$0x94A0] =	vst.add.f32.msk $0xffff, v0  }
0xcd: {  	[tilespmem:s10+$0x94B0] =	vst.add.f32.msk $0xffff, v1;
	s6 =	sshll.u32 s6, $0x11  }
0xce: {  	[tilespmem:s10+$0x94C0] =	vst.add.f32.msk $0xffff, v0;
	s6 =	sor.u32 s7, s6  }
0xcf: {  	[tilespmem:s10+$0x94D0] =	vst.add.f32.msk $0xffff, v1;
	s6 =	sshrl.u32 s6, $0x3  }
0xd0: {  	[tilespmem:s10+$0x94E0] =	vst.add.f32.msk $0xffff, v0;
	s6 =	sadd.s32 s2, s6  }
0xd1: {  	[hbm4b:s6+s3] =	stream.linear.scatter [tilespmem:s18], [sflag:$0xC], $0x1000, $0x38;
	[tilespmem:$0xFD00] =	vst v63  }
0xd2: {  	s6 =	sor.u32 $0x4, s5  }
0xd3: {  	_ =	swait.ge [sflag:s28], $0x1000;
	p0 =	sgt.u32 s6, $0xC3  }
0xd4: {  	[sflag:s28] =	ssyncset.done $0x0;
	s8 =	sadd.s32 @!p0 $0x400, s17  }
0xd5: {  	s10 =	simm.s32 @!p0 $0x80;
	s13 =	simm.s32 @!p0 $0x6400;
	[sflag:s28] =	ssyncadd.s32 $0xFFFFF000  }
0xd6: {  	[tilespmem:s13], [sflag:$0x1] =	stream.indirect.gather @!p0 [hbm4b:s4+s10], $0x20, s8, s10, $0xb8;
	[tilespmem:$0xFD00] =	vst v63  }
0xd7: {  	_ =	swait.ge [sflag:s29], $0x1000  }
0xd8: {  	s13 =	sshll.u32 s6, $0x5;
	[sflag:s29] =	ssyncset.done $0x0  }
0xd9: {  	s8 =	sand.u32 $0x3FFFFFE0, s13;
	[sflag:s29] =	ssyncadd.s32 $0xFFFFF000  }
0xda: {  	v1 =	vld [tilespmem:s8+$0xE410]  }
0xdb: {  	v0 =	vld [tilespmem:s8+$0xE400];
	_ =	sdelay $0x2  }
0xdc: {  	s10 =	simm.s32 $0x0;
	s8 =	simm.s32 $0x400  }
.LBB2_11:
0xdd: {  	p0 =	sne.s32 s8, $0x3C00;
	[tilespmem:s10+$0xA4F0] =	vst.add.f32.msk $0xffff, v1  }
0xde: {  	[tilespmem:s10+$0xA400] =	vst.add.f32.msk $0xffff, v0  }
0xdf: {  	[tilespmem:s10+$0xA410] =	vst.add.f32.msk $0xffff, v1  }
0xe0: {  	[tilespmem:s10+$0xA420] =	vst.add.f32.msk $0xffff, v0  }
0xe1: {  	[tilespmem:s10+$0xA430] =	vst.add.f32.msk $0xffff, v1  }
0xe2: {  	[tilespmem:s10+$0xA440] =	vst.add.f32.msk $0xffff, v0  }
0xe3: {  	[tilespmem:s10+$0xA450] =	vst.add.f32.msk $0xffff, v1  }
0xe4: {  	[tilespmem:s10+$0xA460] =	vst.add.f32.msk $0xffff, v0  }
0xe5: {  	[tilespmem:s10+$0xA470] =	vst.add.f32.msk $0xffff, v1  }
0xe6: {  	[tilespmem:s10+$0xA480] =	vst.add.f32.msk $0xffff, v0  }
0xe7: {  	[tilespmem:s10+$0xA490] =	vst.add.f32.msk $0xffff, v1  }
.Ltmp4:
0xe8: {  	[tilespmem:s10+$0xA4A0] =	vst.add.f32.msk $0xffff, v0;
	(pc) =	sbr.rel @p0 .LBB2_11-.Ltmp4, $4  }
0xe9: {  	[tilespmem:s10+$0xA4B0] =	vst.add.f32.msk $0xffff, v1  }
0xea: {  	[tilespmem:s10+$0xA4C0] =	vst.add.f32.msk $0xffff, v0  }
0xeb: {  	[tilespmem:s10+$0xA4D0] =	vst.add.f32.msk $0xffff, v1  }
0xec: {  	[tilespmem:s10+$0xA4E0] =	vst.add.f32.msk $0xffff, v0;
	s10 =	sshra.s32 s8, $0x2;
	s8 =	sadd.s32 $0x400, s8  }
0xed: {  	[tilespmem:s10+$0xA4F0] =	vst.add.f32.msk $0xffff, v1  }
0xee: {  	[tilespmem:s10+$0xA400] =	vst.add.f32.msk $0xffff, v0  }
0xef: {  	[tilespmem:s10+$0xA410] =	vst.add.f32.msk $0xffff, v1  }
0xf0: {  	[tilespmem:s10+$0xA420] =	vst.add.f32.msk $0xffff, v0  }
0xf1: {  	[tilespmem:s10+$0xA430] =	vst.add.f32.msk $0xffff, v1  }
0xf2: {  	[tilespmem:s10+$0xA440] =	vst.add.f32.msk $0xffff, v0  }
0xf3: {  	[tilespmem:s10+$0xA450] =	vst.add.f32.msk $0xffff, v1  }
0xf4: {  	[tilespmem:s10+$0xA460] =	vst.add.f32.msk $0xffff, v0  }
0xf5: {  	[tilespmem:s10+$0xA470] =	vst.add.f32.msk $0xffff, v1  }
0xf6: {  	[tilespmem:s10+$0xA480] =	vst.add.f32.msk $0xffff, v0  }
0xf7: {  	[tilespmem:s10+$0xA490] =	vst.add.f32.msk $0xffff, v1  }
0xf8: {  	[tilespmem:s10+$0xA4A0] =	vst.add.f32.msk $0xffff, v0  }
0xf9: {  	[tilespmem:s10+$0xA4B0] =	vst.add.f32.msk $0xffff, v1;
	s6 =	sshll.u32 s6, $0x11  }
0xfa: {  	[tilespmem:s10+$0xA4C0] =	vst.add.f32.msk $0xffff, v0;
	s6 =	sor.u32 s7, s6  }
0xfb: {  	[tilespmem:s10+$0xA4D0] =	vst.add.f32.msk $0xffff, v1;
	s6 =	sshrl.u32 s6, $0x3  }
0xfc: {  	[tilespmem:s10+$0xA4E0] =	vst.add.f32.msk $0xffff, v0;
	s6 =	sadd.s32 s2, s6  }
0xfd: {  	[hbm4b:s6+s3] =	stream.linear.scatter [tilespmem:s19], [sflag:$0xD], $0x1000, $0x38;
	[tilespmem:$0xFD00] =	vst v63  }
0xfe: {  	s6 =	sor.u32 $0x5, s5  }
0xff: {  	_ =	swait.ge [sflag:s30], $0x1000;
	p0 =	sgt.u32 s6, $0xC3  }
0x100: {  	[sflag:s30] =	ssyncset.done $0x0;
	s8 =	sadd.s32 @!p0 $0x480, s17  }
0x101: {  	s10 =	simm.s32 @!p0 $0x80;
	s13 =	simm.s32 @!p0 $0x7400;
	[sflag:s30] =	ssyncadd.s32 $0xFFFFF000  }
0x102: {  	[tilespmem:s13], [sflag:$0x2] =	stream.indirect.gather @!p0 [hbm4b:s4+s10], $0x20, s8, s10, $0xb8;
	[tilespmem:$0xFD00] =	vst v63  }
0x103: {  	_ =	swait.ge [sflag:s31], $0x1000  }
0x104: {  	s13 =	sshll.u32 s6, $0x5;
	[sflag:s31] =	ssyncset.done $0x0  }
0x105: {  	s8 =	sand.u32 $0x3FFFFFE0, s13;
	[sflag:s31] =	ssyncadd.s32 $0xFFFFF000  }
0x106: {  	v1 =	vld [tilespmem:s8+$0xE410]  }
0x107: {  	v0 =	vld [tilespmem:s8+$0xE400];
	_ =	sdelay $0x2  }
0x108: {  	s10 =	simm.s32 $0x0;
	s8 =	simm.s32 $0x400  }
.LBB2_13:
0x109: {  	p0 =	sne.s32 s8, $0x3C00;
	[tilespmem:s10+$0xB4F0] =	vst.add.f32.msk $0xffff, v1  }
0x10a: {  	[tilespmem:s10+$0xB400] =	vst.add.f32.msk $0xffff, v0  }
0x10b: {  	[tilespmem:s10+$0xB410] =	vst.add.f32.msk $0xffff, v1  }
0x10c: {  	[tilespmem:s10+$0xB420] =	vst.add.f32.msk $0xffff, v0  }
0x10d: {  	[tilespmem:s10+$0xB430] =	vst.add.f32.msk $0xffff, v1  }
0x10e: {  	[tilespmem:s10+$0xB440] =	vst.add.f32.msk $0xffff, v0  }
0x10f: {  	[tilespmem:s10+$0xB450] =	vst.add.f32.msk $0xffff, v1  }
0x110: {  	[tilespmem:s10+$0xB460] =	vst.add.f32.msk $0xffff, v0  }
0x111: {  	[tilespmem:s10+$0xB470] =	vst.add.f32.msk $0xffff, v1  }
0x112: {  	[tilespmem:s10+$0xB480] =	vst.add.f32.msk $0xffff, v0  }
0x113: {  	[tilespmem:s10+$0xB490] =	vst.add.f32.msk $0xffff, v1  }
.Ltmp5:
0x114: {  	[tilespmem:s10+$0xB4A0] =	vst.add.f32.msk $0xffff, v0;
	(pc) =	sbr.rel @p0 .LBB2_13-.Ltmp5, $4  }
0x115: {  	[tilespmem:s10+$0xB4B0] =	vst.add.f32.msk $0xffff, v1  }
0x116: {  	[tilespmem:s10+$0xB4C0] =	vst.add.f32.msk $0xffff, v0  }
0x117: {  	[tilespmem:s10+$0xB4D0] =	vst.add.f32.msk $0xffff, v1  }
0x118: {  	[tilespmem:s10+$0xB4E0] =	vst.add.f32.msk $0xffff, v0;
	s10 =	sshra.s32 s8, $0x2;
	s8 =	sadd.s32 $0x400, s8  }
0x119: {  	[tilespmem:s10+$0xB4F0] =	vst.add.f32.msk $0xffff, v1  }
0x11a: {  	[tilespmem:s10+$0xB400] =	vst.add.f32.msk $0xffff, v0  }
0x11b: {  	[tilespmem:s10+$0xB410] =	vst.add.f32.msk $0xffff, v1  }
0x11c: {  	[tilespmem:s10+$0xB420] =	vst.add.f32.msk $0xffff, v0  }
0x11d: {  	[tilespmem:s10+$0xB430] =	vst.add.f32.msk $0xffff, v1  }
0x11e: {  	[tilespmem:s10+$0xB440] =	vst.add.f32.msk $0xffff, v0  }
0x11f: {  	[tilespmem:s10+$0xB450] =	vst.add.f32.msk $0xffff, v1  }
0x120: {  	[tilespmem:s10+$0xB460] =	vst.add.f32.msk $0xffff, v0  }
0x121: {  	[tilespmem:s10+$0xB470] =	vst.add.f32.msk $0xffff, v1  }
0x122: {  	[tilespmem:s10+$0xB480] =	vst.add.f32.msk $0xffff, v0  }
0x123: {  	[tilespmem:s10+$0xB490] =	vst.add.f32.msk $0xffff, v1  }
0x124: {  	[tilespmem:s10+$0xB4A0] =	vst.add.f32.msk $0xffff, v0  }
0x125: {  	[tilespmem:s10+$0xB4B0] =	vst.add.f32.msk $0xffff, v1;
	s6 =	sshll.u32 s6, $0x11  }
0x126: {  	[tilespmem:s10+$0xB4C0] =	vst.add.f32.msk $0xffff, v0;
	s6 =	sor.u32 s7, s6  }
0x127: {  	[tilespmem:s10+$0xB4D0] =	vst.add.f32.msk $0xffff, v1;
	s6 =	sshrl.u32 s6, $0x3  }
0x128: {  	[tilespmem:s10+$0xB4E0] =	vst.add.f32.msk $0xffff, v0;
	s6 =	sadd.s32 s2, s6  }
0x129: {  	[hbm4b:s6+s3] =	stream.linear.scatter [tilespmem:s21], [sflag:$0xE], $0x1000, $0x38;
	[tilespmem:$0xFD00] =	vst v63  }
0x12a: {  	s6 =	sor.u32 $0x6, s5  }
0x12b: {  	_ =	swait.ge [sflag:s0], $0x1000;
	p0 =	sgt.u32 s6, $0xC3  }
0x12c: {  	[sflag:s0] =	ssyncset.done $0x0;
	s8 =	sadd.s32 @!p0 $0x500, s17  }
0x12d: {  	s10 =	simm.s32 @!p0 $0x80;
	s13 =	simm.s32 @!p0 $0x8400;
	[sflag:s0] =	ssyncadd.s32 $0xFFFFF000  }
0x12e: {  	[tilespmem:s13], [sflag:$0x3] =	stream.indirect.gather @!p0 [hbm4b:s4+s10], $0x20, s8, s10, $0xb8;
	[tilespmem:$0xFD00] =	vst v63  }
0x12f: {  	_ =	swait.ge [sflag:s1], $0x1000  }
0x130: {  	s13 =	sshll.u32 s6, $0x5;
	[sflag:s1] =	ssyncset.done $0x0  }
0x131: {  	s8 =	sand.u32 $0x3FFFFFE0, s13;
	[sflag:s1] =	ssyncadd.s32 $0xFFFFF000  }
0x132: {  	v1 =	vld [tilespmem:s8+$0xE410]  }
0x133: {  	v0 =	vld [tilespmem:s8+$0xE400];
	_ =	sdelay $0x2  }
0x134: {  	s10 =	simm.s32 $0x0;
	s8 =	simm.s32 $0x400  }
.LBB2_15:
0x135: {  	p0 =	sne.s32 s8, $0x3C00;
	[tilespmem:s10+$0xC4F0] =	vst.add.f32.msk $0xffff, v1  }
0x136: {  	[tilespmem:s10+$0xC400] =	vst.add.f32.msk $0xffff, v0  }
0x137: {  	[tilespmem:s10+$0xC410] =	vst.add.f32.msk $0xffff, v1  }
0x138: {  	[tilespmem:s10+$0xC420] =	vst.add.f32.msk $0xffff, v0  }
0x139: {  	[tilespmem:s10+$0xC430] =	vst.add.f32.msk $0xffff, v1  }
0x13a: {  	[tilespmem:s10+$0xC440] =	vst.add.f32.msk $0xffff, v0  }
0x13b: {  	[tilespmem:s10+$0xC450] =	vst.add.f32.msk $0xffff, v1  }
0x13c: {  	[tilespmem:s10+$0xC460] =	vst.add.f32.msk $0xffff, v0  }
0x13d: {  	[tilespmem:s10+$0xC470] =	vst.add.f32.msk $0xffff, v1  }
0x13e: {  	[tilespmem:s10+$0xC480] =	vst.add.f32.msk $0xffff, v0  }
0x13f: {  	[tilespmem:s10+$0xC490] =	vst.add.f32.msk $0xffff, v1  }
.Ltmp6:
0x140: {  	[tilespmem:s10+$0xC4A0] =	vst.add.f32.msk $0xffff, v0;
	(pc) =	sbr.rel @p0 .LBB2_15-.Ltmp6, $4  }
0x141: {  	[tilespmem:s10+$0xC4B0] =	vst.add.f32.msk $0xffff, v1  }
0x142: {  	[tilespmem:s10+$0xC4C0] =	vst.add.f32.msk $0xffff, v0  }
0x143: {  	[tilespmem:s10+$0xC4D0] =	vst.add.f32.msk $0xffff, v1  }
0x144: {  	[tilespmem:s10+$0xC4E0] =	vst.add.f32.msk $0xffff, v0;
	s10 =	sshra.s32 s8, $0x2;
	s8 =	sadd.s32 $0x400, s8  }
0x145: {  	[tilespmem:s10+$0xC4F0] =	vst.add.f32.msk $0xffff, v1  }
0x146: {  	[tilespmem:s10+$0xC400] =	vst.add.f32.msk $0xffff, v0  }
0x147: {  	[tilespmem:s10+$0xC410] =	vst.add.f32.msk $0xffff, v1  }
0x148: {  	[tilespmem:s10+$0xC420] =	vst.add.f32.msk $0xffff, v0  }
0x149: {  	[tilespmem:s10+$0xC430] =	vst.add.f32.msk $0xffff, v1  }
0x14a: {  	[tilespmem:s10+$0xC440] =	vst.add.f32.msk $0xffff, v0  }
0x14b: {  	[tilespmem:s10+$0xC450] =	vst.add.f32.msk $0xffff, v1  }
0x14c: {  	[tilespmem:s10+$0xC460] =	vst.add.f32.msk $0xffff, v0  }
0x14d: {  	[tilespmem:s10+$0xC470] =	vst.add.f32.msk $0xffff, v1  }
0x14e: {  	[tilespmem:s10+$0xC480] =	vst.add.f32.msk $0xffff, v0  }
0x14f: {  	[tilespmem:s10+$0xC490] =	vst.add.f32.msk $0xffff, v1  }
0x150: {  	[tilespmem:s10+$0xC4A0] =	vst.add.f32.msk $0xffff, v0  }
0x151: {  	[tilespmem:s10+$0xC4B0] =	vst.add.f32.msk $0xffff, v1;
	s6 =	sshll.u32 s6, $0x11  }
0x152: {  	[tilespmem:s10+$0xC4C0] =	vst.add.f32.msk $0xffff, v0;
	s6 =	sor.u32 s7, s6  }
0x153: {  	[tilespmem:s10+$0xC4D0] =	vst.add.f32.msk $0xffff, v1;
	s6 =	sshrl.u32 s6, $0x3  }
0x154: {  	[tilespmem:s10+$0xC4E0] =	vst.add.f32.msk $0xffff, v0;
	s5 =	sor.u32 $0x7, s5;
	s6 =	sadd.s32 s2, s6  }
0x155: {  	[hbm4b:s6+s3] =	stream.linear.scatter [tilespmem:s23], [sflag:$0xF], $0x1000, $0x38;
	[tilespmem:$0xFD00] =	vst v63  }
0x156: {  	p0 =	sgt.u32 s5, $0xC3;
	_ =	swait.ge [sflag:s9], $0x1000  }
0x157: {  	s8 =	simm.s32 @!p0 $0x80;
	[sflag:s9] =	ssyncset.done $0x0  }
0x158: {  	s10 =	simm.s32 @!p0 $0x9400;
	s6 =	sadd.s32 @!p0 $0x580, s17;
	[sflag:s9] =	ssyncadd.s32 $0xFFFFF000  }
0x159: {  	[tilespmem:s10], [sflag:$0x4] =	stream.indirect.gather @!p0 [hbm4b:s4+s8], $0x20, s6, s8, $0xb8;
	[tilespmem:$0xFD00] =	vst v63  }
0x15a: {  	_ =	swait.ge [sflag:s12], $0x1000  }
0x15b: {  	s17 =	sshll.u32 s5, $0x5;
	[sflag:s12] =	ssyncset.done $0x0  }
0x15c: {  	s6 =	sand.u32 $0x3FFFFFE0, s17;
	[sflag:s12] =	ssyncadd.s32 $0xFFFFF000  }
0x15d: {  	v1 =	vld [tilespmem:s6+$0xE410]  }
0x15e: {  	v0 =	vld [tilespmem:s6+$0xE400];
	_ =	sdelay $0x2  }
0x15f: {  	s8 =	simm.s32 $0x400;
	s6 =	simm.s32 $0x0  }
.LBB2_17:
0x160: {  	p0 =	sne.s32 s8, $0x3C00;
	[tilespmem:s6+$0xD4F0] =	vst.add.f32.msk $0xffff, v1  }
0x161: {  	[tilespmem:s6+$0xD400] =	vst.add.f32.msk $0xffff, v0  }
0x162: {  	[tilespmem:s6+$0xD410] =	vst.add.f32.msk $0xffff, v1  }
0x163: {  	[tilespmem:s6+$0xD420] =	vst.add.f32.msk $0xffff, v0  }
0x164: {  	[tilespmem:s6+$0xD430] =	vst.add.f32.msk $0xffff, v1  }
0x165: {  	[tilespmem:s6+$0xD440] =	vst.add.f32.msk $0xffff, v0  }
0x166: {  	[tilespmem:s6+$0xD450] =	vst.add.f32.msk $0xffff, v1  }
0x167: {  	[tilespmem:s6+$0xD460] =	vst.add.f32.msk $0xffff, v0  }
0x168: {  	[tilespmem:s6+$0xD470] =	vst.add.f32.msk $0xffff, v1  }
0x169: {  	[tilespmem:s6+$0xD480] =	vst.add.f32.msk $0xffff, v0  }
0x16a: {  	[tilespmem:s6+$0xD490] =	vst.add.f32.msk $0xffff, v1  }
.Ltmp7:
0x16b: {  	[tilespmem:s6+$0xD4A0] =	vst.add.f32.msk $0xffff, v0;
	(pc) =	sbr.rel @p0 .LBB2_17-.Ltmp7, $4  }
0x16c: {  	[tilespmem:s6+$0xD4B0] =	vst.add.f32.msk $0xffff, v1  }
0x16d: {  	[tilespmem:s6+$0xD4C0] =	vst.add.f32.msk $0xffff, v0  }
0x16e: {  	[tilespmem:s6+$0xD4D0] =	vst.add.f32.msk $0xffff, v1  }
0x16f: {  	[tilespmem:s6+$0xD4E0] =	vst.add.f32.msk $0xffff, v0;
	s6 =	sshra.s32 s8, $0x2;
	s8 =	sadd.s32 $0x400, s8  }
0x170: {  	[tilespmem:s6+$0xD4F0] =	vst.add.f32.msk $0xffff, v1  }
0x171: {  	[tilespmem:s6+$0xD400] =	vst.add.f32.msk $0xffff, v0  }
0x172: {  	[tilespmem:s6+$0xD410] =	vst.add.f32.msk $0xffff, v1  }
0x173: {  	[tilespmem:s6+$0xD420] =	vst.add.f32.msk $0xffff, v0  }
0x174: {  	[tilespmem:s6+$0xD430] =	vst.add.f32.msk $0xffff, v1  }
0x175: {  	[tilespmem:s6+$0xD440] =	vst.add.f32.msk $0xffff, v0  }
0x176: {  	[tilespmem:s6+$0xD450] =	vst.add.f32.msk $0xffff, v1  }
0x177: {  	[tilespmem:s6+$0xD460] =	vst.add.f32.msk $0xffff, v0  }
0x178: {  	[tilespmem:s6+$0xD470] =	vst.add.f32.msk $0xffff, v1  }
0x179: {  	[tilespmem:s6+$0xD480] =	vst.add.f32.msk $0xffff, v0  }
0x17a: {  	[tilespmem:s6+$0xD490] =	vst.add.f32.msk $0xffff, v1;
	s15 =	sadd.s32 $0x1, s15  }
0x17b: {  	[tilespmem:s6+$0xD4A0] =	vst.add.f32.msk $0xffff, v0;
	p0 =	sne.s32 s15, $0x19  }
.Ltmp8:
0x17c: {  	[tilespmem:s6+$0xD4B0] =	vst.add.f32.msk $0xffff, v1;
	s5 =	sshll.u32 s5, $0x11;
	(pc) =	sbr.rel @p0 .LBB2_2-.Ltmp8, $4  }
0x17d: {  	[tilespmem:s6+$0xD4C0] =	vst.add.f32.msk $0xffff, v0;
	s5 =	sor.u32 s7, s5  }
0x17e: {  	[tilespmem:s6+$0xD4D0] =	vst.add.f32.msk $0xffff, v1;
	s5 =	sshrl.u32 s5, $0x3  }
0x17f: {  	[tilespmem:s6+$0xD4E0] =	vst.add.f32.msk $0xffff, v0;
	s5 =	sadd.s32 s2, s5  }
0x180: {  	[hbm4b:s5+s3] =	stream.linear.scatter [tilespmem:s25], [sflag:$0x10], $0x1000, $0x38;
	[tilespmem:$0xFD00] =	vst v63  }
0x181: {  	s5 =	simm.s32 $0xD  }
0x182: {  	_ =	swait.ge [sflag:s5], $0x1000  }
0x183: {  	[sflag:s5] =	ssyncset.done $0x0  }
0x184: {  	s13 =	simm.s32 $0xE;
	[sflag:s5] =	ssyncadd.s32 $0xFFFFF000  }
0x185: {  	_ =	swait.ge [sflag:s13], $0x1000  }
0x186: {  	[sflag:s13] =	ssyncset.done $0x0  }
0x187: {  	s15 =	simm.s32 $0xF;
	[sflag:s13] =	ssyncadd.s32 $0xFFFFF000  }
0x188: {  	_ =	swait.ge [sflag:s15], $0x1000  }
0x189: {  	[sflag:s15] =	ssyncset.done $0x0  }
0x18a: {  	s6 =	simm.s32 $0x10;
	[sflag:s15] =	ssyncadd.s32 $0xFFFFF000  }
0x18b: {  	_ =	swait.ge [sflag:s6], $0x1000  }
0x18c: {  	s8 =	rddreg [dreg:$0x6]  }
0x18d: {  	s17 =	rddreg [dreg:$0x5];
	s8 =	sadd.s32 $0x1, s8  }
0x18e: {  	p0 =	sne.s32 s8, s17  }
.Ltmp9:
0x18f: {  	_ = 	snop;
	(pc) =	sbr.rel @p0 .LBB2_1-.Ltmp9, $3  }
0x190: {  	_ =	sdelay $0x1  }
0x191: {  	[sflag:s6] =	ssyncset.done $0x0  }
0x192: {  	[sflag:s6] =	ssyncadd.s32 $0xFFFFF000  }
0x193: {  	_ =	sfence.sel $0x180000  }
0x194: {  	[bflag:$0x0] =	sbarrier.arrive $0xFFFF  }
0x195: {  	_ =	strace $0x90000047  }
0x196: {  	s0 =	stileid.u32;
	[bflag:$0x2] =	sbarrier.arrive $0xFFFF  }
0x197: {  	p0 =	sne.s32 s0, $0x0;
	s0 =	rddreg [dreg:$0x2]  }
0x198: {  	s0 =	sadd.s32 @!p0 $0x100000, s0  }
0x199: {  	[sflag:s0] =	ssyncadd.tile.s32 @!p0 $0x1;
	_ =	shalt  }
.Lfunc_end2:
_tile_overlayer_lowered:
.L_overlay_start_2:
0x19a: {  	(tag) =	ssettag $0x2  }
0x19b: {  	s0 =	rddreg [dreg:$0x0];
	s2 =	stileid.u32  }
0x19c: {  	s1 =	rddreg [dreg:$0x1];
	p0 =	sne.s32 s2, $0x0  }
0x19d: {  	s3 =	rddreg [dreg:$0x2];
	[bflag:$0x3] =	sbarrier.arrive $0xFFFF;
	s2 =	simm.s32 @!p0 $0x1C11  }
0x19e: {  	[timem:s3], [sflag:s2] =	dma.local @!p0 [hbm:s0], s1  }
0x19f: {  	s0 =	simm.s32 @!p0 $0x11  }
0x1a0: {  	_ =	swait.ge @!p0 [sflag:s0], s1  }
0x1a1: {  	s1 =	ssub.s32 @!p0 $0x0, s1;
	[sflag:s0] =	ssyncset.done @!p0 $0x0  }
0x1a2: {  	[sflag:s0] =	ssyncadd.s32 @!p0 s1  }
0x1a3: {  	[bflag:$0x3] =	sbarrier.arrive $0xFFFF  }
0x1a4: {  	_ =	shalt  }

// kernel: sparse-core-data-format-call.cloned.1.call-start
scs
called_computation_lowered:
.L_overlay_start_0:
0x0: {  	s2 =	sld [smem:$0x3FD9]  }
0x1: {  	s3 =	sld [smem:$0x3FFE];
	_ =	sdelay $0x1  }
0x2: {  	s1 =	srdreg.scid  }
0x3: {  	s0 =	sand.u32 $0x1, s1  }
0x4: {  	s18 =	sshll.u32 s0, $0xA;
	s2 =	sadd.s32 s3, s2  }
0x5: {  	s2 =	sadd.s32 s2, s18  }
0x6: {  	[smem:$0x3FC5] =	sst s2  }
0x7: {  	_ = 	snop  }
0x8: {  	s2 =	sld [smem:$0x3FD0];
	(tm) =	ssettm $0x1  }
0x9: {  	s19 =	sld [smem:$0x3FFB];
	_ =	sdelay $0x3  }
0xa: {  	_ =	strace s19  }
0xb: {  	s3 =	sld [smem:$0x3FFC];
	_ =	sdelay $0x3  }
0xc: {  	_ =	strace s3  }
0xd: {  	s3 =	sld [smem:$0x3FFD];
	_ =	sdelay $0x3  }
0xe: {  	_ =	strace s3  }
0xf: {  	_ =	strace $0x8FFFFFFF  }
0x10: {  	s20 =	sld [smem:$0x3FDB];
	_ =	sdelay $0x1  }
0x11: {  	s4 =	simm.s32 $_scs_section_size  }
0x12: {  	s5 =	simm.s32 $_size__tile_overlayer_lowered;
	s6 =	simm.s32 $_tile_overlayer_lowered  }
0x13: {  	s23 =	simm.s32 $0x1BFF;
	s22 =	sshll.u32 s6, $0x1;
	s3 =	sadd.s32 s4, s20  }
0x14: {  	s7 =	simm.s32 $0x0;
	s21 =	sshll.u32 s5, $0x1;
	s5 =	sadd.s32 s22, s3  }
0x15: {  	[timem:s7], [sflag:s23] =	dma.local [hbm:s5], s21  }
0x16: {  	_ =	swait.ge [sflag:s23], s21  }
0x17: {  	s4 =	ssub.s32 $0x0, s21;
	[sflag:s23] =	ssyncset.done $0x0  }
0x18: {  	[sflag:s23] =	ssyncadd.s32 s4;
	_ =	sdelay $0x1  }
0x19: {  	s24 =	simm.s32 $0x1B8B  }
0x1a: {  	_ =	swait.ge [sflag:s24], $0x1  }
0x1b: {  	[sflag:s24] =	ssyncset.done $0x0  }
0x1c: {  	s26 =	simm.s32 $0x1B8E;
	s25 =	sld [smem:$0x3FFE];
	[sflag:s24] =	ssyncadd.s32 $0xFFFFFFFF  }
0x1d: {  	s27 =	simm.s32 $execute0_lowered;
	[smem:$0x3FD2] =	sst s26  }
0x1e: {  	s5 =	sshll.u32 s27, $0x1;
	_ =	strace $0x80000049;
	[dreg:$0x1] =	wrdreg $0xFFFFFFFF  }
0x1f: {  	s28 =	simm.s32 $_size_execute0_lowered;
	s3 =	sadd.s32 s3, s5;
	[dreg:$0x0] =	wrdreg $0x0  }
0x20: {  	s5 =	sshll.u32 s28, $0x1;
	[dreg:$0x2] =	wrdreg s3  }
0x21: {  	[dreg:$0x3] =	wrdreg s5  }
0x22: {  	[dreg:$0x4] =	wrdreg $0xC0  }
0x23: {  	_ =	task [dreg:s7], $0x5FFFF  }
0x24: {  	[dreg:$0x1] =	wrdreg $0xFFFFFFFF  }
0x25: {  	[dreg:$0x0] =	wrdreg $0x60  }
0x26: {  	[dreg:$0x2] =	wrdreg s25  }
0x27: {  	[dreg:$0x3] =	wrdreg s2  }
0x28: {  	[dreg:$0x4] =	wrdreg $0x9  }
0x29: {  	_ =	task.clear_ibuf [dreg:s7], $0x5FFFF;
	_ =	strace $0x90000049  }
0x2a: {  	s29 =	simm.s32 $0x9;
	_ =	strace $0x8000004B  }
0x2b: {  	_ =	swait.ge [sflag:s29], $0x1  }
0x2c: {  	[sflag:s29] =	ssyncadd.s32 $0xFFFFFFFF  }
0x2d: {  	_ =	strace $0x9000004B  }
0x2e: {  	_ =	sfence  }
0x2f: {  	s30 =	sld [smem:$0x0];
	_ =	sdelay $0x2  }
0x30: {  	s31 =	sshll.u32 s1, $0xD;
	s1 =	sshrl.u32 s1, $0x2  }
0x31: {  	s3 =	sand.u32 $0x4000, s31;
	s1 =	sadd.s32 s1, s30  }
0x32: {  	s0 =	sor.u32 s3, s0;
	s1 =	sshll.u32 s1, $0x11  }
0x33: {  	s0 =	sor.u32 s1, s0  }
0x34: {  	s0 =	sadd.s32 $0x8F2B, s0  }
0x35: {  	[sflag:s0] =	ssyncadd.remote.s32 $0x1  }
0x36: {  	_ =	sfence.sel $0xFFFF  }
0x37: {  	[dreg:$0x0] =	wrdreg $0xFFFFFFFF;
	(pc) =	sbr.abs _section_cstart, $3  }
0x38: {  	[dreg:$0x1] =	wrdreg $0xFFFFFFFF  }
0x39: {  	_ =	task.clear_ibuf [dreg:s7], $0x2FFFF;
	_ =	strace $0x9FFFFFFF  }
0x3a: {  	(tm) =	ssettm $0x7FFFFFFF  }
0x3b: {  	_ =	shalt  }
tec
execute0_lowered:
.L_overlay_start_1:
0x0: {  	(tag) =	ssettag $0x1  }
0x1: {  	s0 =	srdreg.scid;
	s5 =	rddreg [dreg:$0x0]  }
0x2: {  	s2 =	rddreg [dreg:$0x1];
	s1 =	sshll.u32 s0, $0x4  }
0x3: {  	s9 =	simm.s32 $0x2;
	s0 =	stileid.u32;
	s1 =	sand.u32 $0x10, s1  }
0x4: {  	s15 =	simm.s32 $0x0;
	s11 =	simm.s32 $0x400;
	s4 =	sor.u32 s0, s1  }
0x5: {  	s12 =	simm.s32 $0x8000;
	s16 =	simm.s32 $0x0;
	s3 =	sshll.u32 s4, $0x7  }
0x6: {  	s13 =	simm.s32 $0x0;
	s1 =	rddreg [dreg:$0x2];
	s6 =	ssub.s32 $0x1000, s3  }
0x7: {  	_ =	strace $0x8000004A;
	s8 =	sshll.u32 s4, $0xB;
	s7 =	sand.u32 $0xF80, s6  }
0x8: {  	s4 =	simm.s32 $0x1;
	p0 =	sne.s32 s7, $0x0;
	s7 =	simm.s32 $0x1  }
.Ltmp0:
0x9: {  	s6 =	sshrl.u32 s6, $0xC;
	s7 =	simm.s32 @!p0 $0x0;
	(pc) =	sbr.rel .LBB1_1-.Ltmp0, $4  }
0xa: {  	s14 =	simm.s32 $0x0;
	[sflag:s4] =	ssyncpa.u1 $0x0;
	s6 =	sadd.s32 s7, s6  }
0xb: {  	s10 =	sadd.s32 s8, s5;
	[sflag:s9] =	ssyncpa.u1 $0x0;
	s5 =	smul.u32 $0x32, s6  }
0xc: {  	s8 =	sadd.s32 $0x20C00, s10;
	s9 =	sadd.s32 $0x30C00, s10;
	p0 =	por $0x0, $0x0  }
0xd: {  	s7 =	sadd.s32 $0x10C00, s10;
	s6 =	sadd.s32 $0xC00, s10;
	s10 =	sor.u32 $0x1, s5  }
.LBB1_7:
0xe: {  	s17 =	sadd.s32 $0x4, s13  }
0xf: {  	p2 =	sgt.s32 s17, $0xC7  }
0x10: {  	s17 =	simm.s32 @p2 $0x0;
	p2 =	sne.s32 s14, s10  }
.Ltmp1:
0x11: {  	p1 =	slt.u32 s14, $0x2;
	(pc) =	sbr.rel @!p2 .LBB1_8-.Ltmp1, $4  }
0x12: {  	s15 =	simm.s32 @!p1 $0x2  }
0x13: {  	s18 =	sadd.s32 $0x1, s14;
	s16 =	smov.u32 s13;
	_ =	swait.ge @!p1 [sflag:s15], $0x4000  }
0x14: {  	p0 =	por !p0, !p0;
	s14 =	smov.u32 s18;
	[sflag:s15] =	ssyncset.done @!p1 $0x0  }
0x15: {  	s13 =	smov.u32 s17;
	[sflag:s15] =	ssyncadd.s32 @!p1 $0xFFFFC000;
	s15 =	smov.u32 s3  }
.LBB1_1:
0x16: {  	p1 =	sge.u32 s14, s5  }
0x17: {  	s17 =	sxor.u32 @!p1 $0xFFFFFFFF, s14  }
0x18: {  	s18 =	sshll.u32 @!p1 s13, $0x10;
	s20 =	simm.s32 @!p1 $0x20;
	s17 =	sshll.u32 @!p1 s17, $0xE  }
0x19: {  	s21 =	simm.s32 @!p1 $0x80;
	s19 =	sadd.s32 @!p1 s18, s6;
	s17 =	sand.u32 @!p1 $0x4000, s17  }
0x1a: {  	[tilespmem:s17], [sflag:$0x1] =	stream.strided.gather @!p1 [hbm4b:s19+s20], $0x1000, s21, s20, $0x38;
	[tilespmem:$0x10100] =	vst v63  }
0x1b: {  	s19 =	sadd.s32 @!p1 s18, s7;
	s22 =	sor.u32 @!p1 $0x1000, s17  }
0x1c: {  	[tilespmem:s22], [sflag:$0x1] =	stream.strided.gather @!p1 [hbm4b:s19+s20], $0x1000, s21, s20, $0x38;
	[tilespmem:$0x10100] =	vst v63  }
0x1d: {  	s19 =	sadd.s32 @!p1 s18, s8;
	s22 =	sor.u32 @!p1 $0x2000, s17  }
0x1e: {  	[tilespmem:s22], [sflag:$0x1] =	stream.strided.gather @!p1 [hbm4b:s19+s20], $0x1000, s21, s20, $0x38;
	[tilespmem:$0x10100] =	vst v63  }
0x1f: {  	s31 =	sadd.s32 $0xFFFFFFFF, s14;
	s18 =	sadd.s32 @!p1 s18, s9;
	s17 =	sor.u32 @!p1 $0x3000, s17  }
0x20: {  	[tilespmem:s17], [sflag:$0x1] =	stream.strided.gather @!p1 [hbm4b:s18+s20], $0x1000, s21, s20, $0x38;
	[tilespmem:$0x10100] =	vst v63  }
0x21: {  	p1 =	sge.u32 s31, s5  }
.Ltmp2:
0x22: {  	_ = 	snop;
	(pc) =	sbr.rel @p1 .LBB1_7-.Ltmp2, $1  }
0x23: {  	_ =	sdelay $0x3  }
0x24: {  	s18 =	simm.s32 $0x1;
	s19 =	sand.u32 $0x1, s14  }
0x25: {  	_ =	swait.ge [sflag:s4], $0x4000;
	s18 =	simm.s32 @!p0 $0x0;
	s20 =	smul.u32 $0x10200, s19  }
0x26: {  	[sflag:s4] =	ssyncset.done $0x0;
	s17 =	smul.u32 $0x10200, s18  }
0x27: {  	s18 =	sshll.u32 s18, $0xE;
	[sflag:s4] =	ssyncadd.s32 $0xFFFFC000  }
0x28: {  	s19 =	sor.u32 $0x10, s18;
	s31 =	sshrl.u32 s20, $0x2;
	s17 =	sshrl.u32 s17, $0x2  }
0x29: {  	s20 =	simm.s32 $0x0;
	s18 =	sor.u32 $0x8000, s31;
	s17 =	sor.u32 $0x8000, s17  }
.LBB1_3:
0x2a: {  	v1 =	vld [tilespmem:s19+$0x0]  }
0x2b: {  	v0 =	vld [tilespmem:s19+$0xFFFFFFF0];
	_ =	sdelay $0x2  }
0x2c: {  	s23 =	sadd.s32 $0x0, s17  }
0x2d: {  	s21 =	simm.s32 $0x4;
	s22 =	sadd.s32 $0x20, s19;
	[tilespmem:s23+$0x810 ss:$0x81] =	vst.msk $0xffff, v1  }
.LBB1_4:
0x2e: {  	v1 =	vld [tilespmem:s22+$0x0];
	p1 =	sne.s32 s21, $0x1FC;
	[tilespmem:s23+$0x0 ss:$0x81] =	vst.msk $0xffff, v0;
	s23 =	smov.u32 s21;
	s21 =	sadd.s32 $0x4, s21  }
.Ltmp3:
0x2f: {  	v0 =	vld [tilespmem:s22+$0xFFFFFFF0];
	(pc) =	sbr.rel @p1 .LBB1_4-.Ltmp3, $4  }
0x30: {  	_ = 	snop  }
0x31: {  	s23 =	sshra.s32 s23, $0x2  }
0x32: {  	s23 =	sadd.s32 s23, s17  }
0x33: {  	s22 =	sadd.s32 $0x20, s22;
	[tilespmem:s23+$0x810 ss:$0x81] =	vst.msk $0xffff, v1  }
0x34: {  	s20 =	sadd.s32 $0x1, s20  }
0x35: {  	p1 =	sne.s32 s20, $0x4  }
.Ltmp4:
0x36: {  	_ = 	snop;
	(pc) =	sbr.rel @p1 .LBB1_3-.Ltmp4, $2  }
0x37: {  	_ =	sdelay $0x2  }
0x38: {  	[tilespmem:s23+$0x0 ss:$0x81] =	vst.msk $0xffff, v0;
	s17 =	sadd.s32 $0x1020, s17;
	s19 =	sadd.s32 $0x1000, s19  }
.Ltmp5:
0x39: {  	(pc) =	sbr.rel .LBB1_7-.Ltmp5, $4  }
0x3a: {  	s16 =	sshll.u32 s16, $0xE  }
0x3b: {  	s16 =	sadd.s32 s2, s16  }
0x3c: {  	s15 =	sadd.s32 s15, s16  }
0x3d: {  	[hbm4b:s15+s11] =	stream.strided.scatter [tilespmem:s18], [sflag:$0x2], $0x4000, s12, s11, $0x20;
	[tilespmem:$0x10100] =	vst v63  }
.LBB1_8:
0x3e: {  	_ =	sfence.sel $0x180000  }
0x3f: {  	s2 =	simm.s32 $0x1;
	[bflag:$0x0] =	sbarrier.arrive $0xFFFF  }
0x40: {  	s31 =	simm.s32 $0x2;
	[sflag:s2] =	ssyncpa.u1 $0x1  }
0x41: {  	[sflag:s31] =	ssyncpa.u1 $0x1  }
0x42: {  	p0 =	sne.s32 s0, $0x0;
	_ =	strace $0x9000004A  }
0x43: {  	s0 =	sadd.s32 @!p0 $0x100000, s1;
	[bflag:$0x2] =	sbarrier.arrive $0xFFFF  }
0x44: {  	[sflag:s0] =	ssyncadd.tile.s32 @!p0 $0x1;
	_ =	shalt  }
.Lfunc_end1:
_tile_overlayer_lowered:
.L_overlay_start_2:
0x45: {  	(tag) =	ssettag $0x2  }
0x46: {  	s0 =	rddreg [dreg:$0x0];
	s2 =	stileid.u32  }
0x47: {  	s1 =	rddreg [dreg:$0x1];
	p0 =	sne.s32 s2, $0x0  }
0x48: {  	s3 =	rddreg [dreg:$0x2];
	[bflag:$0x3] =	sbarrier.arrive $0xFFFF;
	s2 =	simm.s32 @!p0 $0x1C01  }
0x49: {  	[timem:s3], [sflag:s2] =	dma.local @!p0 [hbm:s0], s1  }
0x4a: {  	s0 =	simm.s32 @!p0 $0x1  }
0x4b: {  	_ =	swait.ge @!p0 [sflag:s0], s1  }
0x4c: {  	s1 =	ssub.s32 @!p0 $0x0, s1;
	[sflag:s0] =	ssyncset.done @!p0 $0x0  }
0x4d: {  	[sflag:s0] =	ssyncadd.s32 @!p0 s1  }
0x4e: {  	[bflag:$0x3] =	sbarrier.arrive $0xFFFF  }
0x4f: {  	_ =	shalt  }

</sc_bundles>
